<compile_context>
chip_gen: v7x
topology: tpu7x:2x2x1
jax: 0.10.2.dev20260603
libtpu: 0.0.44.dev20260713+nightly
codegen_flags: <defaults>
</compile_context>

<pallas_src>
import functools

import jax
import jax.numpy as jnp
from jax import lax
from jax.experimental import pallas as pl
from jax.experimental.pallas import tpu as pltpu
from jax.experimental.pallas import tpu_sc as plsc

N = 10000
E = 320000
D_IN = 128
D_HID = 16
D_OUT = 128

NC = 2
NS = 16
NW = NC * NS
CHUNK = 128
JCH = 79
EW = JCH * CHUNK
EPAD = EW * NW
NPAD = 10240
RPT = NPAD // NS

_MESH = plsc.VectorSubcoreMesh(core_axis_name="c", subcore_axis_name="s")



_SC_PARAMS = pltpu.CompilerParams(use_tc_tiling_on_sc=False)


@functools.partial(
    pl.kernel,
    out_type=jax.ShapeDtypeStruct((NC, NPAD, D_HID), jnp.float32),
    mesh=_MESH,
    compiler_params=_SC_PARAMS,
    scratch_types=[
        pltpu.VMEM((JCH, CHUNK), jnp.int32),
        pltpu.VMEM((CHUNK, D_HID), jnp.float32),
        pltpu.VMEM_SHARED((NPAD, D_HID), jnp.float32),
        pltpu.SemaphoreType.DMA,
    ],
)
def _sc_degree(dst_hbm, ones_hbm, zeros_hbm, out_hbm, didx, ones_v, acc, sem):
    cid = lax.axis_index("c")
    sid = lax.axis_index("s")
    wid = sid * NC + cid
    pltpu.sync_copy(zeros_hbm, acc.at[pl.ds(sid * RPT, RPT)])
    pltpu.sync_copy(dst_hbm.at[wid], didx)
    pltpu.sync_copy(ones_hbm, ones_v)
    plsc.subcore_barrier()

    @pl.loop(0, JCH)
    def _(j):
        pltpu.async_copy(ones_v, acc.at[didx.at[j]], sem, add=True)

    @pl.loop(0, JCH)
    def _(j):
        pltpu.make_async_copy(ones_v, acc.at[didx.at[j]], sem).wait()

    plsc.subcore_barrier()
    pltpu.sync_copy(acc.at[pl.ds(sid * RPT, RPT)],
                    out_hbm.at[cid, pl.ds(sid * RPT, RPT)])


@functools.partial(
    pl.kernel,
    out_type=jax.ShapeDtypeStruct((NC, NPAD, D_HID), jnp.float32),
    mesh=_MESH,
    compiler_params=_SC_PARAMS,
    scratch_types=[
        pltpu.VMEM((JCH, CHUNK), jnp.int32),
        pltpu.VMEM((JCH, CHUNK), jnp.int32),
        pltpu.VMEM((5, CHUNK, D_HID), jnp.float32),
        pltpu.VMEM_SHARED((NPAD, D_HID), jnp.float32),
        [pltpu.SemaphoreType.DMA] * 5,
    ],
)
def _sc_spmm(g_hbm, src_hbm, dst_hbm, zeros_hbm, out_hbm,
             sidx, didx, rows, acc, gsem):
    cid = lax.axis_index("c")
    sid = lax.axis_index("s")
    wid = sid * NC + cid
    pltpu.sync_copy(zeros_hbm, acc.at[pl.ds(sid * RPT, RPT)])
    pltpu.sync_copy(src_hbm.at[wid], sidx)
    pltpu.sync_copy(dst_hbm.at[wid], didx)
    plsc.subcore_barrier()

    def _gather(j, b):
        pltpu.async_copy(g_hbm.at[sidx.at[j]], rows.at[b], gsem[b])

    def _wait_scatter(j, b):
        pltpu.make_async_copy(g_hbm.at[sidx.at[j]], rows.at[b], gsem[b]).wait()
        pltpu.sync_copy(rows.at[b], acc.at[didx.at[j]], add=True)

    _gather(0, 0)
    _gather(1, 1)
    _gather(2, 2)
    _gather(3, 3)

    @pl.loop(0, JCH - 8, step=5)
    def _(j):
        _gather(j + 4, 4)
        _wait_scatter(j, 0)
        _gather(j + 5, 0)
        _wait_scatter(j + 1, 1)
        _gather(j + 6, 1)
        _wait_scatter(j + 2, 2)
        _gather(j + 7, 2)
        _wait_scatter(j + 3, 3)
        _gather(j + 8, 3)
        _wait_scatter(j + 4, 4)

    _wait_scatter(JCH - 4, 0)
    _wait_scatter(JCH - 3, 1)
    _wait_scatter(JCH - 2, 2)
    _wait_scatter(JCH - 1, 3)

    plsc.subcore_barrier()
    pltpu.sync_copy(acc.at[pl.ds(sid * RPT, RPT)],
                    out_hbm.at[cid, pl.ds(sid * RPT, RPT)])



RB = 2000
_F32 = jnp.float32


def _pre_body(x_ref, deg_ref, w1_ref, t1w_ref, t1b_ref,
              dis_ref, g1_ref, id1_ref):
    x = x_ref[...]
    dis = lax.rsqrt(deg_ref[0] + deg_ref[1] + 1.0)
    dis_ref[...] = dis
    g1_ref[...] = dis * jnp.dot(x, w1_ref[...], preferred_element_type=_F32)
    id1_ref[...] = jnp.dot(x, t1w_ref[...], preferred_element_type=_F32) + t1b_ref[...]


_tc_pre = pl.pallas_call(
    _pre_body,
    grid=(N // RB,),
    in_specs=[
        pl.BlockSpec((RB, D_IN), lambda i: (i, 0)),
        pl.BlockSpec((NC, RB, D_HID), lambda i: (0, i, 0)),
        pl.BlockSpec((D_IN, D_HID), lambda i: (0, 0)),
        pl.BlockSpec((D_IN, D_HID), lambda i: (0, 0)),
        pl.BlockSpec((1, D_HID), lambda i: (0, 0)),
    ],
    out_specs=[pl.BlockSpec((RB, D_HID), lambda i: (i, 0))] * 3,
    out_shape=[jax.ShapeDtypeStruct((N, D_HID), _F32)] * 3,
)


def _mid_body(s_ref, g1_ref, dis_ref, id1_ref, b1_ref, t2w_ref, t2b_ref,
              g2_ref, id2_ref):
    s = s_ref[0] + s_ref[1] + g1_ref[...]
    x1 = jnp.maximum(dis_ref[...] * s + b1_ref[...], 0.0) + id1_ref[...]
    g2_ref[...] = dis_ref[...] * x1
    id2_ref[...] = jnp.dot(x1, t2w_ref[...], preferred_element_type=_F32) + t2b_ref[...]


_tc_mid = pl.pallas_call(
    _mid_body,
    grid=(N // RB,),
    in_specs=[
        pl.BlockSpec((NC, RB, D_HID), lambda i: (0, i, 0)),
        pl.BlockSpec((RB, D_HID), lambda i: (i, 0)),
        pl.BlockSpec((RB, D_HID), lambda i: (i, 0)),
        pl.BlockSpec((RB, D_HID), lambda i: (i, 0)),
        pl.BlockSpec((1, D_HID), lambda i: (0, 0)),
        pl.BlockSpec((D_HID, D_OUT), lambda i: (0, 0)),
        pl.BlockSpec((1, D_OUT), lambda i: (0, 0)),
    ],
    out_specs=[
        pl.BlockSpec((RB, D_HID), lambda i: (i, 0)),
        pl.BlockSpec((RB, D_OUT), lambda i: (i, 0)),
    ],
    out_shape=[
        jax.ShapeDtypeStruct((N, D_HID), _F32),
        jax.ShapeDtypeStruct((N, D_OUT), _F32),
    ],
)


def _post_body(s_ref, g2_ref, dis_ref, w2_ref, b2_ref, id2_ref, out_ref):
    a2 = dis_ref[...] * (s_ref[0] + s_ref[1] + g2_ref[...])
    out_ref[...] = jnp.maximum(
        jnp.dot(a2, w2_ref[...], preferred_element_type=_F32) + b2_ref[...], 0.0
    ) + id2_ref[...]


_tc_post = pl.pallas_call(
    _post_body,
    grid=(N // RB,),
    in_specs=[
        pl.BlockSpec((NC, RB, D_HID), lambda i: (0, i, 0)),
        pl.BlockSpec((RB, D_HID), lambda i: (i, 0)),
        pl.BlockSpec((RB, D_HID), lambda i: (i, 0)),
        pl.BlockSpec((D_HID, D_OUT), lambda i: (0, 0)),
        pl.BlockSpec((1, D_OUT), lambda i: (0, 0)),
        pl.BlockSpec((RB, D_OUT), lambda i: (i, 0)),
    ],
    out_specs=pl.BlockSpec((RB, D_OUT), lambda i: (i, 0)),
    out_shape=jax.ShapeDtypeStruct((N, D_OUT), _F32),
)



def kernel(x, edge_index, W1, b1, W2, b2, T1w, T1b, T2w, T2b):
    src = edge_index[0].astype(jnp.int32)
    dst = edge_index[1].astype(jnp.int32)
    pad = EPAD - E
    src_p = jnp.concatenate([src, jnp.zeros((pad,), jnp.int32)]).reshape(NW, JCH, CHUNK)
    dst_p = jnp.concatenate([dst, jnp.full((pad,), N, jnp.int32)]).reshape(NW, JCH, CHUNK)

    ones = jnp.ones((CHUNK, D_HID), _F32)
    zeros = jnp.zeros((RPT, D_HID), _F32)
    b1r = b1.reshape(1, D_HID)
    t1br = T1b.reshape(1, D_HID)
    b2r = b2.reshape(1, D_OUT)
    t2br = T2b.reshape(1, D_OUT)

    degp = _sc_degree(dst_p, ones, zeros)
    dis2d, g1, id1 = _tc_pre(x, degp, W1, T1w, t1br)
    s1 = _sc_spmm(g1, src_p, dst_p, zeros)
    g2, id2 = _tc_mid(s1, g1, dis2d, id1, b1r, T2w, t2br)
    s2 = _sc_spmm(g2, src_p, dst_p, zeros)
    return _tc_post(s2, g2, dis2d, W2, b2r, id2)

# --- scband reference (transcript-rebuilt; emitter-appended) ---
"""Pipeline reference for scband-residual-gcn-45518063403398 (READ-ONLY COPY).

The authoritative reference and input builder live on the scoring server;
editing this copy changes nothing except your own understanding.
"""

import jax, jax.numpy as jnp
import numpy as np

N = 10000
E = 320000
D_IN = 128
D_HID = 16
D_OUT = 128


def _gcn_conv(x, src, dst, W, b, n):
    # x' = D^{-1/2} (A + I) D^{-1/2} X W + b  (self loops already in src/dst)
    h = x @ W
    ones = jnp.ones(src.shape[0], dtype=x.dtype)
    deg = jax.ops.segment_sum(ones, dst, num_segments=n)
    dis = jnp.where(deg > 0, deg ** -0.5, 0.0)
    norm = dis[src] * dis[dst]
    msg = h[src] * norm[:, None]
    out = jax.ops.segment_sum(msg, dst, num_segments=n)
    return out + b


def setup_inputs(seed: int = 0) -> dict:
    key = jax.random.key(seed)
    ks = jax.random.split(key, 10)
    x = jax.random.normal(ks[0], (N, D_IN), dtype=jnp.float32)
    edge_index = jax.random.randint(ks[1], (2, E), 0, N, dtype=jnp.int64)
    W1 = jax.random.normal(ks[2], (D_IN, D_HID), dtype=jnp.float32) * 0.05
    b1 = jnp.zeros((D_HID,), dtype=jnp.float32)
    W2 = jax.random.normal(ks[3], (D_HID, D_OUT), dtype=jnp.float32) * 0.05
    b2 = jnp.zeros((D_OUT,), dtype=jnp.float32)
    T1w = jax.random.normal(ks[4], (D_IN, D_HID), dtype=jnp.float32) * 0.05
    T1b = jnp.zeros((D_HID,), dtype=jnp.float32)
    T2w = jax.random.normal(ks[5], (D_HID, D_OUT), dtype=jnp.float32) * 0.05
    T2b = jnp.zeros((D_OUT,), dtype=jnp.float32)
    return {"x": x, "edge_index": edge_index, "W1": W1, "b1": b1, "W2": W2, "b2": b2, "T1w": T1w, "T1b": T1b, "T2w": T2w, "T2b": T2b}


def reference(x, edge_index, W1, b1, W2, b2, T1w, T1b, T2w, T2b):
    n = x.shape[0]
    loop = jnp.arange(n, dtype=edge_index.dtype)
    src = jnp.concatenate([edge_index[0], loop])
    dst = jnp.concatenate([edge_index[1], loop])
    identity1 = x @ T1w + T1b
    x1 = jax.nn.relu(_gcn_conv(x, src, dst, W1, b1, n)) + identity1
    identity2 = x1 @ T2w + T2b
    out = jax.nn.relu(_gcn_conv(x1, src, dst, W2, b2, n)) + identity2
    return out

if __name__ == "__main__":
    import jax
    _d = setup_inputs()
    print(jax.jit(kernel)(*tuple(_d.values())))

</pallas_src>

<mosaic_0001>
#map = affine_map<(d0, d1) -> (0, 0, 0)>
#map1 = affine_map<(d0, d1) -> (0, 0)>
module attributes {stable_mosaic.version = 14 : i64} {
  func.func @_sc_degree(%arg0: i32, %arg1: i32, %arg2: memref<32x79x128xi32, #tpu.memory_space<hbm>>, %arg3: memref<128x16xf32, #tpu.memory_space<hbm>>, %arg4: memref<640x16xf32, #tpu.memory_space<hbm>>, %arg5: memref<2x10240x16xf32, #tpu.memory_space<hbm>>, %arg6: memref<79x128xi32, #tpu.memory_space<vmem>>, %arg7: memref<128x16xf32, #tpu.memory_space<vmem>>, %arg8: memref<10240x16xf32, #tpu.memory_space<vmem_shared>>, %arg9: memref<!tpu.dma_semaphore, #tpu.memory_space<semaphore_mem>>) attributes {dimension_semantics = [#tpu.dimension_semantics<core_parallel>, #tpu.dimension_semantics<subcore_parallel>], iteration_bounds = array<i64: 2, 16>, scalar_prefetch = 0 : i64, scratch_operands = 4 : i64, tpu.core_type = #tpu.core_type<sc_vector_subcore>, window_params = [{transform_indices = #map}, {transform_indices = #map1}, {transform_indices = #map1}, {transform_indices = #map}]} {
    %mul3A = arith.constant 2 : i32
    %mul3A_0 = arith.muli %arg1, %mul3A : i32
    %add3A = arith.addi %mul3A_0, %arg0 : i32
    %mul3A_1 = arith.constant 640 : i32
    %mul3A_2 = arith.muli %arg1, %mul3A_1 : i32
    "tpu.region"() ({
      %run_scoped3A = tpu.sem_alloc : memref<!tpu.dma_semaphore, #tpu.memory_space<semaphore_mem>>
      %dma_start3A = arith.constant 0 : i32
      %dma_start3A_17 = tpu.memref_slice %arg8[%mul3A_2, %dma_start3A] : memref<10240x16xf32, #tpu.memory_space<vmem_shared>> -> memref<640x16xf32, #tpu.memory_space<vmem_shared>>
      tpu.enqueue_dma source(%arg4 : memref<640x16xf32, #tpu.memory_space<hbm>>) target(%dma_start3A_17 : memref<640x16xf32, #tpu.memory_space<vmem_shared>>) target_semaphore(%run_scoped3A : memref<!tpu.dma_semaphore, #tpu.memory_space<semaphore_mem>>)
      %dma_wait3A = arith.constant 0 : i32
      %dma_wait3A_18 = tpu.memref_slice %arg8[%mul3A_2, %dma_wait3A] : memref<10240x16xf32, #tpu.memory_space<vmem_shared>> -> memref<640x16xf32, #tpu.memory_space<vmem_shared>>
      tpu.wait_dma2 semaphore(%run_scoped3A : memref<!tpu.dma_semaphore, #tpu.memory_space<semaphore_mem>>) src(%arg4 : memref<640x16xf32, #tpu.memory_space<hbm>>) dst(%dma_wait3A_18 : memref<640x16xf32, #tpu.memory_space<vmem_shared>>)
      tpu.yield
    }) : () -> ()
    "tpu.region"() ({
      %run_scoped3A = tpu.sem_alloc : memref<!tpu.dma_semaphore, #tpu.memory_space<semaphore_mem>>
      %dma_start3A = arith.constant 0 : i32
      %dma_start3A_17 = arith.constant 0 : i32
      %dma_start3A_18 = tpu.memref_slice %arg2[%add3A, %dma_start3A, %dma_start3A_17] : memref<32x79x128xi32, #tpu.memory_space<hbm>> -> memref<1x79x128xi32, #tpu.memory_space<hbm>>
      %dma_start3A_19 = tpu.memref_squeeze %dma_start3A_18 : memref<1x79x128xi32, #tpu.memory_space<hbm>> -> memref<79x128xi32, #tpu.memory_space<hbm>>
      %dma_start3A_20 = arith.constant 0 : i32
      %dma_start3A_21 = arith.constant 0 : i32
      %dma_start3A_22 = tpu.memref_slice %arg2[%add3A, %dma_start3A_20, %dma_start3A_21] : memref<32x79x128xi32, #tpu.memory_space<hbm>> -> memref<1x79x128xi32, #tpu.memory_space<hbm>>
      %dma_start3A_23 = tpu.memref_squeeze %dma_start3A_22 : memref<1x79x128xi32, #tpu.memory_space<hbm>> -> memref<79x128xi32, #tpu.memory_space<hbm>>
      tpu.enqueue_dma source(%dma_start3A_23 : memref<79x128xi32, #tpu.memory_space<hbm>>) target(%arg6 : memref<79x128xi32, #tpu.memory_space<vmem>>) target_semaphore(%run_scoped3A : memref<!tpu.dma_semaphore, #tpu.memory_space<semaphore_mem>>)
      %dma_wait3A = arith.constant 0 : i32
      %dma_wait3A_24 = arith.constant 0 : i32
      %dma_wait3A_25 = tpu.memref_slice %arg2[%add3A, %dma_wait3A, %dma_wait3A_24] : memref<32x79x128xi32, #tpu.memory_space<hbm>> -> memref<1x79x128xi32, #tpu.memory_space<hbm>>
      %dma_wait3A_26 = tpu.memref_squeeze %dma_wait3A_25 : memref<1x79x128xi32, #tpu.memory_space<hbm>> -> memref<79x128xi32, #tpu.memory_space<hbm>>
      %dma_wait3A_27 = arith.constant 0 : i32
      %dma_wait3A_28 = arith.constant 0 : i32
      %dma_wait3A_29 = tpu.memref_slice %arg2[%add3A, %dma_wait3A_27, %dma_wait3A_28] : memref<32x79x128xi32, #tpu.memory_space<hbm>> -> memref<1x79x128xi32, #tpu.memory_space<hbm>>
      %dma_wait3A_30 = tpu.memref_squeeze %dma_wait3A_29 : memref<1x79x128xi32, #tpu.memory_space<hbm>> -> memref<79x128xi32, #tpu.memory_space<hbm>>
      tpu.wait_dma2 semaphore(%run_scoped3A : memref<!tpu.dma_semaphore, #tpu.memory_space<semaphore_mem>>) src(%dma_wait3A_30 : memref<79x128xi32, #tpu.memory_space<hbm>>) dst(%arg6 : memref<79x128xi32, #tpu.memory_space<vmem>>)
      tpu.yield
    }) : () -> ()
    "tpu.region"() ({
      %run_scoped3A = tpu.sem_alloc : memref<!tpu.dma_semaphore, #tpu.memory_space<semaphore_mem>>
      tpu.enqueue_dma source(%arg3 : memref<128x16xf32, #tpu.memory_space<hbm>>) target(%arg7 : memref<128x16xf32, #tpu.memory_space<vmem>>) target_semaphore(%run_scoped3A : memref<!tpu.dma_semaphore, #tpu.memory_space<semaphore_mem>>)
      tpu.wait_dma2 semaphore(%run_scoped3A : memref<!tpu.dma_semaphore, #tpu.memory_space<semaphore_mem>>) src(%arg3 : memref<128x16xf32, #tpu.memory_space<hbm>>) dst(%arg7 : memref<128x16xf32, #tpu.memory_space<vmem>>)
      tpu.yield
    }) : () -> ()
    %barrier3A = arith.constant 0 : index
    tpu.barrier barrier_id(%barrier3A)
    %scan3A = arith.constant 0 : i32
    %scan3A_3 = arith.constant 79 : i32
    %scan3A_4 = arith.addi %scan3A, %scan3A_3 : i32
    %scan3A_5 = arith.constant 1 : i32
    scf.for %scan3A_17 = %scan3A to %scan3A_4 step %scan3A_5  : i32 {
      %mul3A_18 = arith.constant 1 : i32
      %mul3A_19 = arith.muli %scan3A_17, %mul3A_18 : i32
      %add3A_20 = arith.constant 0 : i32
      %add3A_21 = arith.addi %add3A_20, %mul3A_19 : i32
      %dma_start3A = arith.constant 0 : i32
      %dma_start3A_22 = tpu.memref_slice %arg6[%add3A_21, %dma_start3A] : memref<79x128xi32, #tpu.memory_space<vmem>> -> memref<1x128xi32, #tpu.memory_space<vmem>>
      %dma_start3A_23 = tpu.memref_squeeze %dma_start3A_22 : memref<1x128xi32, #tpu.memory_space<vmem>> -> memref<128xi32, #tpu.memory_space<vmem>>
      %dma_start3A_24 = arith.constant 0 : i32
      %dma_start3A_25 = arith.constant 0 : i32
      %dma_start3A_26 = tpu.memref_slice %arg8[%dma_start3A_24, %dma_start3A_25] : memref<10240x16xf32, #tpu.memory_space<vmem_shared>> -> memref<10240x16xf32, #tpu.memory_space<vmem_shared>>
      tpu.enqueue_indirect_dma source(%arg7 : memref<128x16xf32, #tpu.memory_space<vmem>>) target(%dma_start3A_26 : memref<10240x16xf32, #tpu.memory_space<vmem_shared>>) offsets(%dma_start3A_23 : memref<128xi32, #tpu.memory_space<vmem>>) semaphore(%arg9 : memref<!tpu.dma_semaphore, #tpu.memory_space<semaphore_mem>>) {add = true}
    }
    %scan3A_6 = arith.constant 79 : i32
    %scan3A_7 = arith.constant 0 : i32
    %scan3A_8 = arith.constant 79 : i32
    %scan3A_9 = arith.addi %scan3A_7, %scan3A_8 : i32
    %scan3A_10 = arith.constant 1 : i32
    scf.for %scan3A_17 = %scan3A_7 to %scan3A_9 step %scan3A_10  : i32 {
      %mul3A_18 = arith.constant 1 : i32
      %mul3A_19 = arith.muli %scan3A_17, %mul3A_18 : i32
      %add3A_20 = arith.constant 0 : i32
      %add3A_21 = arith.addi %add3A_20, %mul3A_19 : i32
      %dma_wait3A = arith.constant 0 : i32
      %dma_wait3A_22 = tpu.memref_slice %arg6[%add3A_21, %dma_wait3A] : memref<79x128xi32, #tpu.memory_space<vmem>> -> memref<1x128xi32, #tpu.memory_space<vmem>>
      %dma_wait3A_23 = tpu.memref_squeeze %dma_wait3A_22 : memref<1x128xi32, #tpu.memory_space<vmem>> -> memref<128xi32, #tpu.memory_space<vmem>>
      %dma_wait3A_24 = arith.constant 0 : i32
      %dma_wait3A_25 = arith.constant 0 : i32
      %dma_wait3A_26 = tpu.memref_slice %arg8[%dma_wait3A_24, %dma_wait3A_25] : memref<10240x16xf32, #tpu.memory_space<vmem_shared>> -> memref<10240x16xf32, #tpu.memory_space<vmem_shared>>
      tpu.wait_indirect_dma semaphore(%arg9 : memref<!tpu.dma_semaphore, #tpu.memory_space<semaphore_mem>>) src(%arg7 : memref<128x16xf32, #tpu.memory_space<vmem>>) dst(%dma_wait3A_26 : memref<10240x16xf32, #tpu.memory_space<vmem_shared>>)
    }
    %scan3A_11 = arith.constant 79 : i32
    %barrier3A_12 = arith.constant 0 : index
    tpu.barrier barrier_id(%barrier3A_12)
    %mul3A_13 = arith.constant 640 : i32
    %mul3A_14 = arith.muli %arg1, %mul3A_13 : i32
    %mul3A_15 = arith.constant 640 : i32
    %mul3A_16 = arith.muli %arg1, %mul3A_15 : i32
    "tpu.region"() ({
      %run_scoped3A = tpu.sem_alloc : memref<!tpu.dma_semaphore, #tpu.memory_space<semaphore_mem>>
      %dma_start3A = arith.constant 0 : i32
      %dma_start3A_17 = tpu.memref_slice %arg5[%arg0, %mul3A_16, %dma_start3A] : memref<2x10240x16xf32, #tpu.memory_space<hbm>> -> memref<1x640x16xf32, #tpu.memory_space<hbm>>
      %dma_start3A_18 = tpu.memref_squeeze %dma_start3A_17 : memref<1x640x16xf32, #tpu.memory_space<hbm>> -> memref<640x16xf32, #tpu.memory_space<hbm>>
      %dma_start3A_19 = arith.constant 0 : i32
      %dma_start3A_20 = tpu.memref_slice %arg8[%mul3A_14, %dma_start3A_19] : memref<10240x16xf32, #tpu.memory_space<vmem_shared>> -> memref<640x16xf32, #tpu.memory_space<vmem_shared>>
      tpu.enqueue_dma source(%dma_start3A_20 : memref<640x16xf32, #tpu.memory_space<vmem_shared>>) target(%dma_start3A_18 : memref<640x16xf32, #tpu.memory_space<hbm>>) target_semaphore(%run_scoped3A : memref<!tpu.dma_semaphore, #tpu.memory_space<semaphore_mem>>)
      %dma_wait3A = arith.constant 0 : i32
      %dma_wait3A_21 = tpu.memref_slice %arg5[%arg0, %mul3A_16, %dma_wait3A] : memref<2x10240x16xf32, #tpu.memory_space<hbm>> -> memref<1x640x16xf32, #tpu.memory_space<hbm>>
      %dma_wait3A_22 = tpu.memref_squeeze %dma_wait3A_21 : memref<1x640x16xf32, #tpu.memory_space<hbm>> -> memref<640x16xf32, #tpu.memory_space<hbm>>
      %dma_wait3A_23 = arith.constant 0 : i32
      %dma_wait3A_24 = tpu.memref_slice %arg8[%mul3A_14, %dma_wait3A_23] : memref<10240x16xf32, #tpu.memory_space<vmem_shared>> -> memref<640x16xf32, #tpu.memory_space<vmem_shared>>
      tpu.wait_dma2 semaphore(%run_scoped3A : memref<!tpu.dma_semaphore, #tpu.memory_space<semaphore_mem>>) src(%dma_wait3A_24 : memref<640x16xf32, #tpu.memory_space<vmem_shared>>) dst(%dma_wait3A_22 : memref<640x16xf32, #tpu.memory_space<hbm>>)
      tpu.yield
    }) : () -> ()
    return
  }
}

#map = affine_map<(d0, d1) -> (0, 0)>
#map1 = affine_map<(d0, d1) -> (0, 0, 0)>
module attributes {stable_mosaic.version = 14 : i64} {
  func.func @_sc_spmm(%arg0: i32, %arg1: i32, %arg2: memref<10000x16xf32, #tpu.memory_space<hbm>>, %arg3: memref<32x79x128xi32, #tpu.memory_space<hbm>>, %arg4: memref<32x79x128xi32, #tpu.memory_space<hbm>>, %arg5: memref<640x16xf32, #tpu.memory_space<hbm>>, %arg6: memref<2x10240x16xf32, #tpu.memory_space<hbm>>, %arg7: memref<79x128xi32, #tpu.memory_space<vmem>>, %arg8: memref<79x128xi32, #tpu.memory_space<vmem>>, %arg9: memref<5x128x16xf32, #tpu.memory_space<vmem>>, %arg10: memref<10240x16xf32, #tpu.memory_space<vmem_shared>>, %arg11: memref<!tpu.dma_semaphore, #tpu.memory_space<semaphore_mem>>, %arg12: memref<!tpu.dma_semaphore, #tpu.memory_space<semaphore_mem>>, %arg13: memref<!tpu.dma_semaphore, #tpu.memory_space<semaphore_mem>>, %arg14: memref<!tpu.dma_semaphore, #tpu.memory_space<semaphore_mem>>, %arg15: memref<!tpu.dma_semaphore, #tpu.memory_space<semaphore_mem>>) attributes {dimension_semantics = [#tpu.dimension_semantics<core_parallel>, #tpu.dimension_semantics<subcore_parallel>], iteration_bounds = array<i64: 2, 16>, scalar_prefetch = 0 : i64, scratch_operands = 9 : i64, tpu.core_type = #tpu.core_type<sc_vector_subcore>, window_params = [{transform_indices = #map}, {transform_indices = #map1}, {transform_indices = #map1}, {transform_indices = #map}, {transform_indices = #map1}]} {
    %mul3A = arith.constant 2 : i32
    %mul3A_0 = arith.muli %arg1, %mul3A : i32
    %add3A = arith.addi %mul3A_0, %arg0 : i32
    %mul3A_1 = arith.constant 640 : i32
    %mul3A_2 = arith.muli %arg1, %mul3A_1 : i32
    "tpu.region"() ({
      %run_scoped3A_113 = tpu.sem_alloc : memref<!tpu.dma_semaphore, #tpu.memory_space<semaphore_mem>>
      %dma_start3A_114 = arith.constant 0 : i32
      %dma_start3A_115 = tpu.memref_slice %arg10[%mul3A_2, %dma_start3A_114] : memref<10240x16xf32, #tpu.memory_space<vmem_shared>> -> memref<640x16xf32, #tpu.memory_space<vmem_shared>>
      tpu.enqueue_dma source(%arg5 : memref<640x16xf32, #tpu.memory_space<hbm>>) target(%dma_start3A_115 : memref<640x16xf32, #tpu.memory_space<vmem_shared>>) target_semaphore(%run_scoped3A_113 : memref<!tpu.dma_semaphore, #tpu.memory_space<semaphore_mem>>)
      %dma_wait3A_116 = arith.constant 0 : i32
      %dma_wait3A_117 = tpu.memref_slice %arg10[%mul3A_2, %dma_wait3A_116] : memref<10240x16xf32, #tpu.memory_space<vmem_shared>> -> memref<640x16xf32, #tpu.memory_space<vmem_shared>>
      tpu.wait_dma2 semaphore(%run_scoped3A_113 : memref<!tpu.dma_semaphore, #tpu.memory_space<semaphore_mem>>) src(%arg5 : memref<640x16xf32, #tpu.memory_space<hbm>>) dst(%dma_wait3A_117 : memref<640x16xf32, #tpu.memory_space<vmem_shared>>)
      tpu.yield
    }) : () -> ()
    "tpu.region"() ({
      %run_scoped3A_113 = tpu.sem_alloc : memref<!tpu.dma_semaphore, #tpu.memory_space<semaphore_mem>>
      %dma_start3A_114 = arith.constant 0 : i32
      %dma_start3A_115 = arith.constant 0 : i32
      %dma_start3A_116 = tpu.memref_slice %arg3[%add3A, %dma_start3A_114, %dma_start3A_115] : memref<32x79x128xi32, #tpu.memory_space<hbm>> -> memref<1x79x128xi32, #tpu.memory_space<hbm>>
      %dma_start3A_117 = tpu.memref_squeeze %dma_start3A_116 : memref<1x79x128xi32, #tpu.memory_space<hbm>> -> memref<79x128xi32, #tpu.memory_space<hbm>>
      %dma_start3A_118 = arith.constant 0 : i32
      %dma_start3A_119 = arith.constant 0 : i32
      %dma_start3A_120 = tpu.memref_slice %arg3[%add3A, %dma_start3A_118, %dma_start3A_119] : memref<32x79x128xi32, #tpu.memory_space<hbm>> -> memref<1x79x128xi32, #tpu.memory_space<hbm>>
      %dma_start3A_121 = tpu.memref_squeeze %dma_start3A_120 : memref<1x79x128xi32, #tpu.memory_space<hbm>> -> memref<79x128xi32, #tpu.memory_space<hbm>>
      tpu.enqueue_dma source(%dma_start3A_121 : memref<79x128xi32, #tpu.memory_space<hbm>>) target(%arg7 : memref<79x128xi32, #tpu.memory_space<vmem>>) target_semaphore(%run_scoped3A_113 : memref<!tpu.dma_semaphore, #tpu.memory_space<semaphore_mem>>)
      %dma_wait3A_122 = arith.constant 0 : i32
      %dma_wait3A_123 = arith.constant 0 : i32
      %dma_wait3A_124 = tpu.memref_slice %arg3[%add3A, %dma_wait3A_122, %dma_wait3A_123] : memref<32x79x128xi32, #tpu.memory_space<hbm>> -> memref<1x79x128xi32, #tpu.memory_space<hbm>>
      %dma_wait3A_125 = tpu.memref_squeeze %dma_wait3A_124 : memref<1x79x128xi32, #tpu.memory_space<hbm>> -> memref<79x128xi32, #tpu.memory_space<hbm>>
      %dma_wait3A_126 = arith.constant 0 : i32
      %dma_wait3A_127 = arith.constant 0 : i32
      %dma_wait3A_128 = tpu.memref_slice %arg3[%add3A, %dma_wait3A_126, %dma_wait3A_127] : memref<32x79x128xi32, #tpu.memory_space<hbm>> -> memref<1x79x128xi32, #tpu.memory_space<hbm>>
      %dma_wait3A_129 = tpu.memref_squeeze %dma_wait3A_128 : memref<1x79x128xi32, #tpu.memory_space<hbm>> -> memref<79x128xi32, #tpu.memory_space<hbm>>
      tpu.wait_dma2 semaphore(%run_scoped3A_113 : memref<!tpu.dma_semaphore, #tpu.memory_space<semaphore_mem>>) src(%dma_wait3A_129 : memref<79x128xi32, #tpu.memory_space<hbm>>) dst(%arg7 : memref<79x128xi32, #tpu.memory_space<vmem>>)
      tpu.yield
    }) : () -> ()
    "tpu.region"() ({
      %run_scoped3A_113 = tpu.sem_alloc : memref<!tpu.dma_semaphore, #tpu.memory_space<semaphore_mem>>
      %dma_start3A_114 = arith.constant 0 : i32
      %dma_start3A_115 = arith.constant 0 : i32
      %dma_start3A_116 = tpu.memref_slice %arg4[%add3A, %dma_start3A_114, %dma_start3A_115] : memref<32x79x128xi32, #tpu.memory_space<hbm>> -> memref<1x79x128xi32, #tpu.memory_space<hbm>>
      %dma_start3A_117 = tpu.memref_squeeze %dma_start3A_116 : memref<1x79x128xi32, #tpu.memory_space<hbm>> -> memref<79x128xi32, #tpu.memory_space<hbm>>
      %dma_start3A_118 = arith.constant 0 : i32
      %dma_start3A_119 = arith.constant 0 : i32
      %dma_start3A_120 = tpu.memref_slice %arg4[%add3A, %dma_start3A_118, %dma_start3A_119] : memref<32x79x128xi32, #tpu.memory_space<hbm>> -> memref<1x79x128xi32, #tpu.memory_space<hbm>>
      %dma_start3A_121 = tpu.memref_squeeze %dma_start3A_120 : memref<1x79x128xi32, #tpu.memory_space<hbm>> -> memref<79x128xi32, #tpu.memory_space<hbm>>
      tpu.enqueue_dma source(%dma_start3A_121 : memref<79x128xi32, #tpu.memory_space<hbm>>) target(%arg8 : memref<79x128xi32, #tpu.memory_space<vmem>>) target_semaphore(%run_scoped3A_113 : memref<!tpu.dma_semaphore, #tpu.memory_space<semaphore_mem>>)
      %dma_wait3A_122 = arith.constant 0 : i32
      %dma_wait3A_123 = arith.constant 0 : i32
      %dma_wait3A_124 = tpu.memref_slice %arg4[%add3A, %dma_wait3A_122, %dma_wait3A_123] : memref<32x79x128xi32, #tpu.memory_space<hbm>> -> memref<1x79x128xi32, #tpu.memory_space<hbm>>
      %dma_wait3A_125 = tpu.memref_squeeze %dma_wait3A_124 : memref<1x79x128xi32, #tpu.memory_space<hbm>> -> memref<79x128xi32, #tpu.memory_space<hbm>>
      %dma_wait3A_126 = arith.constant 0 : i32
      %dma_wait3A_127 = arith.constant 0 : i32
      %dma_wait3A_128 = tpu.memref_slice %arg4[%add3A, %dma_wait3A_126, %dma_wait3A_127] : memref<32x79x128xi32, #tpu.memory_space<hbm>> -> memref<1x79x128xi32, #tpu.memory_space<hbm>>
      %dma_wait3A_129 = tpu.memref_squeeze %dma_wait3A_128 : memref<1x79x128xi32, #tpu.memory_space<hbm>> -> memref<79x128xi32, #tpu.memory_space<hbm>>
      tpu.wait_dma2 semaphore(%run_scoped3A_113 : memref<!tpu.dma_semaphore, #tpu.memory_space<semaphore_mem>>) src(%dma_wait3A_129 : memref<79x128xi32, #tpu.memory_space<hbm>>) dst(%arg8 : memref<79x128xi32, #tpu.memory_space<vmem>>)
      tpu.yield
    }) : () -> ()
    %barrier3A = arith.constant 0 : index
    tpu.barrier barrier_id(%barrier3A)
    %dma_start3A = arith.constant 0 : i32
    %dma_start3A_3 = arith.constant 0 : i32
    %dma_start3A_4 = arith.constant 0 : i32
    %dma_start3A_5 = arith.constant 0 : i32
    %dma_start3A_6 = tpu.memref_slice %arg9[%dma_start3A_3, %dma_start3A_4, %dma_start3A_5] : memref<5x128x16xf32, #tpu.memory_space<vmem>> -> memref<1x128x16xf32, #tpu.memory_space<vmem>>
    %dma_start3A_7 = tpu.memref_squeeze %dma_start3A_6 : memref<1x128x16xf32, #tpu.memory_space<vmem>> -> memref<128x16xf32, #tpu.memory_space<vmem>>
    %dma_start3A_8 = arith.constant 0 : i32
    %dma_start3A_9 = tpu.memref_slice %arg7[%dma_start3A, %dma_start3A_8] : memref<79x128xi32, #tpu.memory_space<vmem>> -> memref<1x128xi32, #tpu.memory_space<vmem>>
    %dma_start3A_10 = tpu.memref_squeeze %dma_start3A_9 : memref<1x128xi32, #tpu.memory_space<vmem>> -> memref<128xi32, #tpu.memory_space<vmem>>
    %dma_start3A_11 = arith.constant 0 : i32
    %dma_start3A_12 = arith.constant 0 : i32
    %dma_start3A_13 = tpu.memref_slice %arg2[%dma_start3A_11, %dma_start3A_12] : memref<10000x16xf32, #tpu.memory_space<hbm>> -> memref<10000x16xf32, #tpu.memory_space<hbm>>
    tpu.enqueue_indirect_dma source(%dma_start3A_13 : memref<10000x16xf32, #tpu.memory_space<hbm>>) target(%dma_start3A_7 : memref<128x16xf32, #tpu.memory_space<vmem>>) offsets(%dma_start3A_10 : memref<128xi32, #tpu.memory_space<vmem>>) semaphore(%arg11 : memref<!tpu.dma_semaphore, #tpu.memory_space<semaphore_mem>>)
    %dma_start3A_14 = arith.constant 1 : i32
    %dma_start3A_15 = arith.constant 1 : i32
    %dma_start3A_16 = arith.constant 0 : i32
    %dma_start3A_17 = arith.constant 0 : i32
    %dma_start3A_18 = tpu.memref_slice %arg9[%dma_start3A_15, %dma_start3A_16, %dma_start3A_17] : memref<5x128x16xf32, #tpu.memory_space<vmem>> -> memref<1x128x16xf32, #tpu.memory_space<vmem>>
    %dma_start3A_19 = tpu.memref_squeeze %dma_start3A_18 : memref<1x128x16xf32, #tpu.memory_space<vmem>> -> memref<128x16xf32, #tpu.memory_space<vmem>>
    %dma_start3A_20 = arith.constant 0 : i32
    %dma_start3A_21 = tpu.memref_slice %arg7[%dma_start3A_14, %dma_start3A_20] : memref<79x128xi32, #tpu.memory_space<vmem>> -> memref<1x128xi32, #tpu.memory_space<vmem>>
    %dma_start3A_22 = tpu.memref_squeeze %dma_start3A_21 : memref<1x128xi32, #tpu.memory_space<vmem>> -> memref<128xi32, #tpu.memory_space<vmem>>
    %dma_start3A_23 = arith.constant 0 : i32
    %dma_start3A_24 = arith.constant 0 : i32
    %dma_start3A_25 = tpu.memref_slice %arg2[%dma_start3A_23, %dma_start3A_24] : memref<10000x16xf32, #tpu.memory_space<hbm>> -> memref<10000x16xf32, #tpu.memory_space<hbm>>
    tpu.enqueue_indirect_dma source(%dma_start3A_25 : memref<10000x16xf32, #tpu.memory_space<hbm>>) target(%dma_start3A_19 : memref<128x16xf32, #tpu.memory_space<vmem>>) offsets(%dma_start3A_22 : memref<128xi32, #tpu.memory_space<vmem>>) semaphore(%arg12 : memref<!tpu.dma_semaphore, #tpu.memory_space<semaphore_mem>>)
    %dma_start3A_26 = arith.constant 2 : i32
    %dma_start3A_27 = arith.constant 2 : i32
    %dma_start3A_28 = arith.constant 0 : i32
    %dma_start3A_29 = arith.constant 0 : i32
    %dma_start3A_30 = tpu.memref_slice %arg9[%dma_start3A_27, %dma_start3A_28, %dma_start3A_29] : memref<5x128x16xf32, #tpu.memory_space<vmem>> -> memref<1x128x16xf32, #tpu.memory_space<vmem>>
    %dma_start3A_31 = tpu.memref_squeeze %dma_start3A_30 : memref<1x128x16xf32, #tpu.memory_space<vmem>> -> memref<128x16xf32, #tpu.memory_space<vmem>>
    %dma_start3A_32 = arith.constant 0 : i32
    %dma_start3A_33 = tpu.memref_slice %arg7[%dma_start3A_26, %dma_start3A_32] : memref<79x128xi32, #tpu.memory_space<vmem>> -> memref<1x128xi32, #tpu.memory_space<vmem>>
    %dma_start3A_34 = tpu.memref_squeeze %dma_start3A_33 : memref<1x128xi32, #tpu.memory_space<vmem>> -> memref<128xi32, #tpu.memory_space<vmem>>
    %dma_start3A_35 = arith.constant 0 : i32
    %dma_start3A_36 = arith.constant 0 : i32
    %dma_start3A_37 = tpu.memref_slice %arg2[%dma_start3A_35, %dma_start3A_36] : memref<10000x16xf32, #tpu.memory_space<hbm>> -> memref<10000x16xf32, #tpu.memory_space<hbm>>
    tpu.enqueue_indirect_dma source(%dma_start3A_37 : memref<10000x16xf32, #tpu.memory_space<hbm>>) target(%dma_start3A_31 : memref<128x16xf32, #tpu.memory_space<vmem>>) offsets(%dma_start3A_34 : memref<128xi32, #tpu.memory_space<vmem>>) semaphore(%arg13 : memref<!tpu.dma_semaphore, #tpu.memory_space<semaphore_mem>>)
    %dma_start3A_38 = arith.constant 3 : i32
    %dma_start3A_39 = arith.constant 3 : i32
    %dma_start3A_40 = arith.constant 0 : i32
    %dma_start3A_41 = arith.constant 0 : i32
    %dma_start3A_42 = tpu.memref_slice %arg9[%dma_start3A_39, %dma_start3A_40, %dma_start3A_41] : memref<5x128x16xf32, #tpu.memory_space<vmem>> -> memref<1x128x16xf32, #tpu.memory_space<vmem>>
    %dma_start3A_43 = tpu.memref_squeeze %dma_start3A_42 : memref<1x128x16xf32, #tpu.memory_space<vmem>> -> memref<128x16xf32, #tpu.memory_space<vmem>>
    %dma_start3A_44 = arith.constant 0 : i32
    %dma_start3A_45 = tpu.memref_slice %arg7[%dma_start3A_38, %dma_start3A_44] : memref<79x128xi32, #tpu.memory_space<vmem>> -> memref<1x128xi32, #tpu.memory_space<vmem>>
    %dma_start3A_46 = tpu.memref_squeeze %dma_start3A_45 : memref<1x128xi32, #tpu.memory_space<vmem>> -> memref<128xi32, #tpu.memory_space<vmem>>
    %dma_start3A_47 = arith.constant 0 : i32
    %dma_start3A_48 = arith.constant 0 : i32
    %dma_start3A_49 = tpu.memref_slice %arg2[%dma_start3A_47, %dma_start3A_48] : memref<10000x16xf32, #tpu.memory_space<hbm>> -> memref<10000x16xf32, #tpu.memory_space<hbm>>
    tpu.enqueue_indirect_dma source(%dma_start3A_49 : memref<10000x16xf32, #tpu.memory_space<hbm>>) target(%dma_start3A_43 : memref<128x16xf32, #tpu.memory_space<vmem>>) offsets(%dma_start3A_46 : memref<128xi32, #tpu.memory_space<vmem>>) semaphore(%arg14 : memref<!tpu.dma_semaphore, #tpu.memory_space<semaphore_mem>>)
    %scan3A = arith.constant 0 : i32
    %scan3A_50 = arith.constant 15 : i32
    %scan3A_51 = arith.addi %scan3A, %scan3A_50 : i32
    %scan3A_52 = arith.constant 1 : i32
    scf.for %scan3A_113 = %scan3A to %scan3A_51 step %scan3A_52  : i32 {
      %mul3A_114 = arith.constant 5 : i32
      %mul3A_115 = arith.muli %scan3A_113, %mul3A_114 : i32
      %add3A_116 = arith.constant 0 : i32
      %add3A_117 = arith.addi %add3A_116, %mul3A_115 : i32
      %add3A_118 = arith.constant 4 : i32
      %add3A_119 = arith.addi %add3A_117, %add3A_118 : i32
      %dma_start3A_120 = arith.constant 4 : i32
      %dma_start3A_121 = arith.constant 0 : i32
      %dma_start3A_122 = arith.constant 0 : i32
      %dma_start3A_123 = tpu.memref_slice %arg9[%dma_start3A_120, %dma_start3A_121, %dma_start3A_122] : memref<5x128x16xf32, #tpu.memory_space<vmem>> -> memref<1x128x16xf32, #tpu.memory_space<vmem>>
      %dma_start3A_124 = tpu.memref_squeeze %dma_start3A_123 : memref<1x128x16xf32, #tpu.memory_space<vmem>> -> memref<128x16xf32, #tpu.memory_space<vmem>>
      %dma_start3A_125 = arith.constant 0 : i32
      %dma_start3A_126 = tpu.memref_slice %arg7[%add3A_119, %dma_start3A_125] : memref<79x128xi32, #tpu.memory_space<vmem>> -> memref<1x128xi32, #tpu.memory_space<vmem>>
      %dma_start3A_127 = tpu.memref_squeeze %dma_start3A_126 : memref<1x128xi32, #tpu.memory_space<vmem>> -> memref<128xi32, #tpu.memory_space<vmem>>
      %dma_start3A_128 = arith.constant 0 : i32
      %dma_start3A_129 = arith.constant 0 : i32
      %dma_start3A_130 = tpu.memref_slice %arg2[%dma_start3A_128, %dma_start3A_129] : memref<10000x16xf32, #tpu.memory_space<hbm>> -> memref<10000x16xf32, #tpu.memory_space<hbm>>
      tpu.enqueue_indirect_dma source(%dma_start3A_130 : memref<10000x16xf32, #tpu.memory_space<hbm>>) target(%dma_start3A_124 : memref<128x16xf32, #tpu.memory_space<vmem>>) offsets(%dma_start3A_127 : memref<128xi32, #tpu.memory_space<vmem>>) semaphore(%arg15 : memref<!tpu.dma_semaphore, #tpu.memory_space<semaphore_mem>>)
      %dma_wait3A_131 = arith.constant 0 : i32
      %dma_wait3A_132 = arith.constant 0 : i32
      %dma_wait3A_133 = arith.constant 0 : i32
      %dma_wait3A_134 = tpu.memref_slice %arg9[%dma_wait3A_131, %dma_wait3A_132, %dma_wait3A_133] : memref<5x128x16xf32, #tpu.memory_space<vmem>> -> memref<1x128x16xf32, #tpu.memory_space<vmem>>
      %dma_wait3A_135 = tpu.memref_squeeze %dma_wait3A_134 : memref<1x128x16xf32, #tpu.memory_space<vmem>> -> memref<128x16xf32, #tpu.memory_space<vmem>>
      %dma_wait3A_136 = arith.constant 0 : i32
      %dma_wait3A_137 = tpu.memref_slice %arg7[%add3A_117, %dma_wait3A_136] : memref<79x128xi32, #tpu.memory_space<vmem>> -> memref<1x128xi32, #tpu.memory_space<vmem>>
      %dma_wait3A_138 = tpu.memref_squeeze %dma_wait3A_137 : memref<1x128xi32, #tpu.memory_space<vmem>> -> memref<128xi32, #tpu.memory_space<vmem>>
      %dma_wait3A_139 = arith.constant 0 : i32
      %dma_wait3A_140 = arith.constant 0 : i32
      %dma_wait3A_141 = tpu.memref_slice %arg2[%dma_wait3A_139, %dma_wait3A_140] : memref<10000x16xf32, #tpu.memory_space<hbm>> -> memref<10000x16xf32, #tpu.memory_space<hbm>>
      tpu.wait_indirect_dma semaphore(%arg11 : memref<!tpu.dma_semaphore, #tpu.memory_space<semaphore_mem>>) src(%dma_wait3A_141 : memref<10000x16xf32, #tpu.memory_space<hbm>>) dst(%dma_wait3A_135 : memref<128x16xf32, #tpu.memory_space<vmem>>)
      %run_scoped3A_142 = arith.constant 0 : i32
      "tpu.region"() ({
        %run_scoped3A_251 = tpu.sem_alloc : memref<!tpu.dma_semaphore, #tpu.memory_space<semaphore_mem>>
        %dma_start3A_252 = arith.constant 0 : i32
        %dma_start3A_253 = arith.constant 0 : i32
        %dma_start3A_254 = tpu.memref_slice %arg9[%run_scoped3A_142, %dma_start3A_252, %dma_start3A_253] : memref<5x128x16xf32, #tpu.memory_space<vmem>> -> memref<1x128x16xf32, #tpu.memory_space<vmem>>
        %dma_start3A_255 = tpu.memref_squeeze %dma_start3A_254 : memref<1x128x16xf32, #tpu.memory_space<vmem>> -> memref<128x16xf32, #tpu.memory_space<vmem>>
        %dma_start3A_256 = arith.constant 0 : i32
        %dma_start3A_257 = tpu.memref_slice %arg8[%add3A_117, %dma_start3A_256] : memref<79x128xi32, #tpu.memory_space<vmem>> -> memref<1x128xi32, #tpu.memory_space<vmem>>
        %dma_start3A_258 = tpu.memref_squeeze %dma_start3A_257 : memref<1x128xi32, #tpu.memory_space<vmem>> -> memref<128xi32, #tpu.memory_space<vmem>>
        %dma_start3A_259 = arith.constant 0 : i32
        %dma_start3A_260 = arith.constant 0 : i32
        %dma_start3A_261 = tpu.memref_slice %arg10[%dma_start3A_259, %dma_start3A_260] : memref<10240x16xf32, #tpu.memory_space<vmem_shared>> -> memref<10240x16xf32, #tpu.memory_space<vmem_shared>>
        tpu.enqueue_indirect_dma source(%dma_start3A_255 : memref<128x16xf32, #tpu.memory_space<vmem>>) target(%dma_start3A_261 : memref<10240x16xf32, #tpu.memory_space<vmem_shared>>) offsets(%dma_start3A_258 : memref<128xi32, #tpu.memory_space<vmem>>) semaphore(%run_scoped3A_251 : memref<!tpu.dma_semaphore, #tpu.memory_space<semaphore_mem>>) {add = true}
        %dma_wait3A_262 = arith.constant 0 : i32
        %dma_wait3A_263 = arith.constant 0 : i32
        %dma_wait3A_264 = tpu.memref_slice %arg9[%run_scoped3A_142, %dma_wait3A_262, %dma_wait3A_263] : memref<5x128x16xf32, #tpu.memory_space<vmem>> -> memref<1x128x16xf32, #tpu.memory_space<vmem>>
        %dma_wait3A_265 = tpu.memref_squeeze %dma_wait3A_264 : memref<1x128x16xf32, #tpu.memory_space<vmem>> -> memref<128x16xf32, #tpu.memory_space<vmem>>
        %dma_wait3A_266 = arith.constant 0 : i32
        %dma_wait3A_267 = tpu.memref_slice %arg8[%add3A_117, %dma_wait3A_266] : memref<79x128xi32, #tpu.memory_space<vmem>> -> memref<1x128xi32, #tpu.memory_space<vmem>>
        %dma_wait3A_268 = tpu.memref_squeeze %dma_wait3A_267 : memref<1x128xi32, #tpu.memory_space<vmem>> -> memref<128xi32, #tpu.memory_space<vmem>>
        %dma_wait3A_269 = arith.constant 0 : i32
        %dma_wait3A_270 = arith.constant 0 : i32
        %dma_wait3A_271 = tpu.memref_slice %arg10[%dma_wait3A_269, %dma_wait3A_270] : memref<10240x16xf32, #tpu.memory_space<vmem_shared>> -> memref<10240x16xf32, #tpu.memory_space<vmem_shared>>
        tpu.wait_indirect_dma semaphore(%run_scoped3A_251 : memref<!tpu.dma_semaphore, #tpu.memory_space<semaphore_mem>>) src(%dma_wait3A_265 : memref<128x16xf32, #tpu.memory_space<vmem>>) dst(%dma_wait3A_271 : memref<10240x16xf32, #tpu.memory_space<vmem_shared>>)
        tpu.yield
      }) : () -> ()
      %add3A_143 = arith.constant 5 : i32
      %add3A_144 = arith.addi %add3A_117, %add3A_143 : i32
      %dma_start3A_145 = arith.constant 0 : i32
      %dma_start3A_146 = arith.constant 0 : i32
      %dma_start3A_147 = arith.constant 0 : i32
      %dma_start3A_148 = tpu.memref_slice %arg9[%dma_start3A_145, %dma_start3A_146, %dma_start3A_147] : memref<5x128x16xf32, #tpu.memory_space<vmem>> -> memref<1x128x16xf32, #tpu.memory_space<vmem>>
      %dma_start3A_149 = tpu.memref_squeeze %dma_start3A_148 : memref<1x128x16xf32, #tpu.memory_space<vmem>> -> memref<128x16xf32, #tpu.memory_space<vmem>>
      %dma_start3A_150 = arith.constant 0 : i32
      %dma_start3A_151 = tpu.memref_slice %arg7[%add3A_144, %dma_start3A_150] : memref<79x128xi32, #tpu.memory_space<vmem>> -> memref<1x128xi32, #tpu.memory_space<vmem>>
      %dma_start3A_152 = tpu.memref_squeeze %dma_start3A_151 : memref<1x128xi32, #tpu.memory_space<vmem>> -> memref<128xi32, #tpu.memory_space<vmem>>
      %dma_start3A_153 = arith.constant 0 : i32
      %dma_start3A_154 = arith.constant 0 : i32
      %dma_start3A_155 = tpu.memref_slice %arg2[%dma_start3A_153, %dma_start3A_154] : memref<10000x16xf32, #tpu.memory_space<hbm>> -> memref<10000x16xf32, #tpu.memory_space<hbm>>
      tpu.enqueue_indirect_dma source(%dma_start3A_155 : memref<10000x16xf32, #tpu.memory_space<hbm>>) target(%dma_start3A_149 : memref<128x16xf32, #tpu.memory_space<vmem>>) offsets(%dma_start3A_152 : memref<128xi32, #tpu.memory_space<vmem>>) semaphore(%arg11 : memref<!tpu.dma_semaphore, #tpu.memory_space<semaphore_mem>>)
      %add3A_156 = arith.constant 1 : i32
      %add3A_157 = arith.addi %add3A_117, %add3A_156 : i32
      %dma_wait3A_158 = arith.constant 1 : i32
      %dma_wait3A_159 = arith.constant 0 : i32
      %dma_wait3A_160 = arith.constant 0 : i32
      %dma_wait3A_161 = tpu.memref_slice %arg9[%dma_wait3A_158, %dma_wait3A_159, %dma_wait3A_160] : memref<5x128x16xf32, #tpu.memory_space<vmem>> -> memref<1x128x16xf32, #tpu.memory_space<vmem>>
      %dma_wait3A_162 = tpu.memref_squeeze %dma_wait3A_161 : memref<1x128x16xf32, #tpu.memory_space<vmem>> -> memref<128x16xf32, #tpu.memory_space<vmem>>
      %dma_wait3A_163 = arith.constant 0 : i32
      %dma_wait3A_164 = tpu.memref_slice %arg7[%add3A_157, %dma_wait3A_163] : memref<79x128xi32, #tpu.memory_space<vmem>> -> memref<1x128xi32, #tpu.memory_space<vmem>>
      %dma_wait3A_165 = tpu.memref_squeeze %dma_wait3A_164 : memref<1x128xi32, #tpu.memory_space<vmem>> -> memref<128xi32, #tpu.memory_space<vmem>>
      %dma_wait3A_166 = arith.constant 0 : i32
      %dma_wait3A_167 = arith.constant 0 : i32
      %dma_wait3A_168 = tpu.memref_slice %arg2[%dma_wait3A_166, %dma_wait3A_167] : memref<10000x16xf32, #tpu.memory_space<hbm>> -> memref<10000x16xf32, #tpu.memory_space<hbm>>
      tpu.wait_indirect_dma semaphore(%arg12 : memref<!tpu.dma_semaphore, #tpu.memory_space<semaphore_mem>>) src(%dma_wait3A_168 : memref<10000x16xf32, #tpu.memory_space<hbm>>) dst(%dma_wait3A_162 : memref<128x16xf32, #tpu.memory_space<vmem>>)
      %run_scoped3A_169 = arith.constant 1 : i32
      "tpu.region"() ({
        %run_scoped3A_251 = tpu.sem_alloc : memref<!tpu.dma_semaphore, #tpu.memory_space<semaphore_mem>>
        %dma_start3A_252 = arith.constant 0 : i32
        %dma_start3A_253 = arith.constant 0 : i32
        %dma_start3A_254 = tpu.memref_slice %arg9[%run_scoped3A_169, %dma_start3A_252, %dma_start3A_253] : memref<5x128x16xf32, #tpu.memory_space<vmem>> -> memref<1x128x16xf32, #tpu.memory_space<vmem>>
        %dma_start3A_255 = tpu.memref_squeeze %dma_start3A_254 : memref<1x128x16xf32, #tpu.memory_space<vmem>> -> memref<128x16xf32, #tpu.memory_space<vmem>>
        %dma_start3A_256 = arith.constant 0 : i32
        %dma_start3A_257 = tpu.memref_slice %arg8[%add3A_157, %dma_start3A_256] : memref<79x128xi32, #tpu.memory_space<vmem>> -> memref<1x128xi32, #tpu.memory_space<vmem>>
        %dma_start3A_258 = tpu.memref_squeeze %dma_start3A_257 : memref<1x128xi32, #tpu.memory_space<vmem>> -> memref<128xi32, #tpu.memory_space<vmem>>
        %dma_start3A_259 = arith.constant 0 : i32
        %dma_start3A_260 = arith.constant 0 : i32
        %dma_start3A_261 = tpu.memref_slice %arg10[%dma_start3A_259, %dma_start3A_260] : memref<10240x16xf32, #tpu.memory_space<vmem_shared>> -> memref<10240x16xf32, #tpu.memory_space<vmem_shared>>
        tpu.enqueue_indirect_dma source(%dma_start3A_255 : memref<128x16xf32, #tpu.memory_space<vmem>>) target(%dma_start3A_261 : memref<10240x16xf32, #tpu.memory_space<vmem_shared>>) offsets(%dma_start3A_258 : memref<128xi32, #tpu.memory_space<vmem>>) semaphore(%run_scoped3A_251 : memref<!tpu.dma_semaphore, #tpu.memory_space<semaphore_mem>>) {add = true}
        %dma_wait3A_262 = arith.constant 0 : i32
        %dma_wait3A_263 = arith.constant 0 : i32
        %dma_wait3A_264 = tpu.memref_slice %arg9[%run_scoped3A_169, %dma_wait3A_262, %dma_wait3A_263] : memref<5x128x16xf32, #tpu.memory_space<vmem>> -> memref<1x128x16xf32, #tpu.memory_space<vmem>>
        %dma_wait3A_265 = tpu.memref_squeeze %dma_wait3A_264 : memref<1x128x16xf32, #tpu.memory_space<vmem>> -> memref<128x16xf32, #tpu.memory_space<vmem>>
        %dma_wait3A_266 = arith.constant 0 : i32
        %dma_wait3A_267 = tpu.memref_slice %arg8[%add3A_157, %dma_wait3A_266] : memref<79x128xi32, #tpu.memory_space<vmem>> -> memref<1x128xi32, #tpu.memory_space<vmem>>
        %dma_wait3A_268 = tpu.memref_squeeze %dma_wait3A_267 : memref<1x128xi32, #tpu.memory_space<vmem>> -> memref<128xi32, #tpu.memory_space<vmem>>
        %dma_wait3A_269 = arith.constant 0 : i32
        %dma_wait3A_270 = arith.constant 0 : i32
        %dma_wait3A_271 = tpu.memref_slice %arg10[%dma_wait3A_269, %dma_wait3A_270] : memref<10240x16xf32, #tpu.memory_space<vmem_shared>> -> memref<10240x16xf32, #tpu.memory_space<vmem_shared>>
        tpu.wait_indirect_dma semaphore(%run_scoped3A_251 : memref<!tpu.dma_semaphore, #tpu.memory_space<semaphore_mem>>) src(%dma_wait3A_265 : memref<128x16xf32, #tpu.memory_space<vmem>>) dst(%dma_wait3A_271 : memref<10240x16xf32, #tpu.memory_space<vmem_shared>>)
        tpu.yield
      }) : () -> ()
      %add3A_170 = arith.constant 6 : i32
      %add3A_171 = arith.addi %add3A_117, %add3A_170 : i32
      %dma_start3A_172 = arith.constant 1 : i32
      %dma_start3A_173 = arith.constant 0 : i32
      %dma_start3A_174 = arith.constant 0 : i32
      %dma_start3A_175 = tpu.memref_slice %arg9[%dma_start3A_172, %dma_start3A_173, %dma_start3A_174] : memref<5x128x16xf32, #tpu.memory_space<vmem>> -> memref<1x128x16xf32, #tpu.memory_space<vmem>>
      %dma_start3A_176 = tpu.memref_squeeze %dma_start3A_175 : memref<1x128x16xf32, #tpu.memory_space<vmem>> -> memref<128x16xf32, #tpu.memory_space<vmem>>
      %dma_start3A_177 = arith.constant 0 : i32
      %dma_start3A_178 = tpu.memref_slice %arg7[%add3A_171, %dma_start3A_177] : memref<79x128xi32, #tpu.memory_space<vmem>> -> memref<1x128xi32, #tpu.memory_space<vmem>>
      %dma_start3A_179 = tpu.memref_squeeze %dma_start3A_178 : memref<1x128xi32, #tpu.memory_space<vmem>> -> memref<128xi32, #tpu.memory_space<vmem>>
      %dma_start3A_180 = arith.constant 0 : i32
      %dma_start3A_181 = arith.constant 0 : i32
      %dma_start3A_182 = tpu.memref_slice %arg2[%dma_start3A_180, %dma_start3A_181] : memref<10000x16xf32, #tpu.memory_space<hbm>> -> memref<10000x16xf32, #tpu.memory_space<hbm>>
      tpu.enqueue_indirect_dma source(%dma_start3A_182 : memref<10000x16xf32, #tpu.memory_space<hbm>>) target(%dma_start3A_176 : memref<128x16xf32, #tpu.memory_space<vmem>>) offsets(%dma_start3A_179 : memref<128xi32, #tpu.memory_space<vmem>>) semaphore(%arg12 : memref<!tpu.dma_semaphore, #tpu.memory_space<semaphore_mem>>)
      %add3A_183 = arith.constant 2 : i32
      %add3A_184 = arith.addi %add3A_117, %add3A_183 : i32
      %dma_wait3A_185 = arith.constant 2 : i32
      %dma_wait3A_186 = arith.constant 0 : i32
      %dma_wait3A_187 = arith.constant 0 : i32
      %dma_wait3A_188 = tpu.memref_slice %arg9[%dma_wait3A_185, %dma_wait3A_186, %dma_wait3A_187] : memref<5x128x16xf32, #tpu.memory_space<vmem>> -> memref<1x128x16xf32, #tpu.memory_space<vmem>>
      %dma_wait3A_189 = tpu.memref_squeeze %dma_wait3A_188 : memref<1x128x16xf32, #tpu.memory_space<vmem>> -> memref<128x16xf32, #tpu.memory_space<vmem>>
      %dma_wait3A_190 = arith.constant 0 : i32
      %dma_wait3A_191 = tpu.memref_slice %arg7[%add3A_184, %dma_wait3A_190] : memref<79x128xi32, #tpu.memory_space<vmem>> -> memref<1x128xi32, #tpu.memory_space<vmem>>
      %dma_wait3A_192 = tpu.memref_squeeze %dma_wait3A_191 : memref<1x128xi32, #tpu.memory_space<vmem>> -> memref<128xi32, #tpu.memory_space<vmem>>
      %dma_wait3A_193 = arith.constant 0 : i32
      %dma_wait3A_194 = arith.constant 0 : i32
      %dma_wait3A_195 = tpu.memref_slice %arg2[%dma_wait3A_193, %dma_wait3A_194] : memref<10000x16xf32, #tpu.memory_space<hbm>> -> memref<10000x16xf32, #tpu.memory_space<hbm>>
      tpu.wait_indirect_dma semaphore(%arg13 : memref<!tpu.dma_semaphore, #tpu.memory_space<semaphore_mem>>) src(%dma_wait3A_195 : memref<10000x16xf32, #tpu.memory_space<hbm>>) dst(%dma_wait3A_189 : memref<128x16xf32, #tpu.memory_space<vmem>>)
      %run_scoped3A_196 = arith.constant 2 : i32
      "tpu.region"() ({
        %run_scoped3A_251 = tpu.sem_alloc : memref<!tpu.dma_semaphore, #tpu.memory_space<semaphore_mem>>
        %dma_start3A_252 = arith.constant 0 : i32
        %dma_start3A_253 = arith.constant 0 : i32
        %dma_start3A_254 = tpu.memref_slice %arg9[%run_scoped3A_196, %dma_start3A_252, %dma_start3A_253] : memref<5x128x16xf32, #tpu.memory_space<vmem>> -> memref<1x128x16xf32, #tpu.memory_space<vmem>>
        %dma_start3A_255 = tpu.memref_squeeze %dma_start3A_254 : memref<1x128x16xf32, #tpu.memory_space<vmem>> -> memref<128x16xf32, #tpu.memory_space<vmem>>
        %dma_start3A_256 = arith.constant 0 : i32
        %dma_start3A_257 = tpu.memref_slice %arg8[%add3A_184, %dma_start3A_256] : memref<79x128xi32, #tpu.memory_space<vmem>> -> memref<1x128xi32, #tpu.memory_space<vmem>>
        %dma_start3A_258 = tpu.memref_squeeze %dma_start3A_257 : memref<1x128xi32, #tpu.memory_space<vmem>> -> memref<128xi32, #tpu.memory_space<vmem>>
        %dma_start3A_259 = arith.constant 0 : i32
        %dma_start3A_260 = arith.constant 0 : i32
        %dma_start3A_261 = tpu.memref_slice %arg10[%dma_start3A_259, %dma_start3A_260] : memref<10240x16xf32, #tpu.memory_space<vmem_shared>> -> memref<10240x16xf32, #tpu.memory_space<vmem_shared>>
        tpu.enqueue_indirect_dma source(%dma_start3A_255 : memref<128x16xf32, #tpu.memory_space<vmem>>) target(%dma_start3A_261 : memref<10240x16xf32, #tpu.memory_space<vmem_shared>>) offsets(%dma_start3A_258 : memref<128xi32, #tpu.memory_space<vmem>>) semaphore(%run_scoped3A_251 : memref<!tpu.dma_semaphore, #tpu.memory_space<semaphore_mem>>) {add = true}
        %dma_wait3A_262 = arith.constant 0 : i32
        %dma_wait3A_263 = arith.constant 0 : i32
        %dma_wait3A_264 = tpu.memref_slice %arg9[%run_scoped3A_196, %dma_wait3A_262, %dma_wait3A_263] : memref<5x128x16xf32, #tpu.memory_space<vmem>> -> memref<1x128x16xf32, #tpu.memory_space<vmem>>
        %dma_wait3A_265 = tpu.memref_squeeze %dma_wait3A_264 : memref<1x128x16xf32, #tpu.memory_space<vmem>> -> memref<128x16xf32, #tpu.memory_space<vmem>>
        %dma_wait3A_266 = arith.constant 0 : i32
        %dma_wait3A_267 = tpu.memref_slice %arg8[%add3A_184, %dma_wait3A_266] : memref<79x128xi32, #tpu.memory_space<vmem>> -> memref<1x128xi32, #tpu.memory_space<vmem>>
        %dma_wait3A_268 = tpu.memref_squeeze %dma_wait3A_267 : memref<1x128xi32, #tpu.memory_space<vmem>> -> memref<128xi32, #tpu.memory_space<vmem>>
        %dma_wait3A_269 = arith.constant 0 : i32
        %dma_wait3A_270 = arith.constant 0 : i32
        %dma_wait3A_271 = tpu.memref_slice %arg10[%dma_wait3A_269, %dma_wait3A_270] : memref<10240x16xf32, #tpu.memory_space<vmem_shared>> -> memref<10240x16xf32, #tpu.memory_space<vmem_shared>>
        tpu.wait_indirect_dma semaphore(%run_scoped3A_251 : memref<!tpu.dma_semaphore, #tpu.memory_space<semaphore_mem>>) src(%dma_wait3A_265 : memref<128x16xf32, #tpu.memory_space<vmem>>) dst(%dma_wait3A_271 : memref<10240x16xf32, #tpu.memory_space<vmem_shared>>)
        tpu.yield
      }) : () -> ()
      %add3A_197 = arith.constant 7 : i32
      %add3A_198 = arith.addi %add3A_117, %add3A_197 : i32
      %dma_start3A_199 = arith.constant 2 : i32
      %dma_start3A_200 = arith.constant 0 : i32
      %dma_start3A_201 = arith.constant 0 : i32
      %dma_start3A_202 = tpu.memref_slice %arg9[%dma_start3A_199, %dma_start3A_200, %dma_start3A_201] : memref<5x128x16xf32, #tpu.memory_space<vmem>> -> memref<1x128x16xf32, #tpu.memory_space<vmem>>
      %dma_start3A_203 = tpu.memref_squeeze %dma_start3A_202 : memref<1x128x16xf32, #tpu.memory_space<vmem>> -> memref<128x16xf32, #tpu.memory_space<vmem>>
      %dma_start3A_204 = arith.constant 0 : i32
      %dma_start3A_205 = tpu.memref_slice %arg7[%add3A_198, %dma_start3A_204] : memref<79x128xi32, #tpu.memory_space<vmem>> -> memref<1x128xi32, #tpu.memory_space<vmem>>
      %dma_start3A_206 = tpu.memref_squeeze %dma_start3A_205 : memref<1x128xi32, #tpu.memory_space<vmem>> -> memref<128xi32, #tpu.memory_space<vmem>>
      %dma_start3A_207 = arith.constant 0 : i32
      %dma_start3A_208 = arith.constant 0 : i32
      %dma_start3A_209 = tpu.memref_slice %arg2[%dma_start3A_207, %dma_start3A_208] : memref<10000x16xf32, #tpu.memory_space<hbm>> -> memref<10000x16xf32, #tpu.memory_space<hbm>>
      tpu.enqueue_indirect_dma source(%dma_start3A_209 : memref<10000x16xf32, #tpu.memory_space<hbm>>) target(%dma_start3A_203 : memref<128x16xf32, #tpu.memory_space<vmem>>) offsets(%dma_start3A_206 : memref<128xi32, #tpu.memory_space<vmem>>) semaphore(%arg13 : memref<!tpu.dma_semaphore, #tpu.memory_space<semaphore_mem>>)
      %add3A_210 = arith.constant 3 : i32
      %add3A_211 = arith.addi %add3A_117, %add3A_210 : i32
      %dma_wait3A_212 = arith.constant 3 : i32
      %dma_wait3A_213 = arith.constant 0 : i32
      %dma_wait3A_214 = arith.constant 0 : i32
      %dma_wait3A_215 = tpu.memref_slice %arg9[%dma_wait3A_212, %dma_wait3A_213, %dma_wait3A_214] : memref<5x128x16xf32, #tpu.memory_space<vmem>> -> memref<1x128x16xf32, #tpu.memory_space<vmem>>
      %dma_wait3A_216 = tpu.memref_squeeze %dma_wait3A_215 : memref<1x128x16xf32, #tpu.memory_space<vmem>> -> memref<128x16xf32, #tpu.memory_space<vmem>>
      %dma_wait3A_217 = arith.constant 0 : i32
      %dma_wait3A_218 = tpu.memref_slice %arg7[%add3A_211, %dma_wait3A_217] : memref<79x128xi32, #tpu.memory_space<vmem>> -> memref<1x128xi32, #tpu.memory_space<vmem>>
      %dma_wait3A_219 = tpu.memref_squeeze %dma_wait3A_218 : memref<1x128xi32, #tpu.memory_space<vmem>> -> memref<128xi32, #tpu.memory_space<vmem>>
      %dma_wait3A_220 = arith.constant 0 : i32
      %dma_wait3A_221 = arith.constant 0 : i32
      %dma_wait3A_222 = tpu.memref_slice %arg2[%dma_wait3A_220, %dma_wait3A_221] : memref<10000x16xf32, #tpu.memory_space<hbm>> -> memref<10000x16xf32, #tpu.memory_space<hbm>>
      tpu.wait_indirect_dma semaphore(%arg14 : memref<!tpu.dma_semaphore, #tpu.memory_space<semaphore_mem>>) src(%dma_wait3A_222 : memref<10000x16xf32, #tpu.memory_space<hbm>>) dst(%dma_wait3A_216 : memref<128x16xf32, #tpu.memory_space<vmem>>)
      %run_scoped3A_223 = arith.constant 3 : i32
      "tpu.region"() ({
        %run_scoped3A_251 = tpu.sem_alloc : memref<!tpu.dma_semaphore, #tpu.memory_space<semaphore_mem>>
        %dma_start3A_252 = arith.constant 0 : i32
        %dma_start3A_253 = arith.constant 0 : i32
        %dma_start3A_254 = tpu.memref_slice %arg9[%run_scoped3A_223, %dma_start3A_252, %dma_start3A_253] : memref<5x128x16xf32, #tpu.memory_space<vmem>> -> memref<1x128x16xf32, #tpu.memory_space<vmem>>
        %dma_start3A_255 = tpu.memref_squeeze %dma_start3A_254 : memref<1x128x16xf32, #tpu.memory_space<vmem>> -> memref<128x16xf32, #tpu.memory_space<vmem>>
        %dma_start3A_256 = arith.constant 0 : i32
        %dma_start3A_257 = tpu.memref_slice %arg8[%add3A_211, %dma_start3A_256] : memref<79x128xi32, #tpu.memory_space<vmem>> -> memref<1x128xi32, #tpu.memory_space<vmem>>
        %dma_start3A_258 = tpu.memref_squeeze %dma_start3A_257 : memref<1x128xi32, #tpu.memory_space<vmem>> -> memref<128xi32, #tpu.memory_space<vmem>>
        %dma_start3A_259 = arith.constant 0 : i32
        %dma_start3A_260 = arith.constant 0 : i32
        %dma_start3A_261 = tpu.memref_slice %arg10[%dma_start3A_259, %dma_start3A_260] : memref<10240x16xf32, #tpu.memory_space<vmem_shared>> -> memref<10240x16xf32, #tpu.memory_space<vmem_shared>>
        tpu.enqueue_indirect_dma source(%dma_start3A_255 : memref<128x16xf32, #tpu.memory_space<vmem>>) target(%dma_start3A_261 : memref<10240x16xf32, #tpu.memory_space<vmem_shared>>) offsets(%dma_start3A_258 : memref<128xi32, #tpu.memory_space<vmem>>) semaphore(%run_scoped3A_251 : memref<!tpu.dma_semaphore, #tpu.memory_space<semaphore_mem>>) {add = true}
        %dma_wait3A_262 = arith.constant 0 : i32
        %dma_wait3A_263 = arith.constant 0 : i32
        %dma_wait3A_264 = tpu.memref_slice %arg9[%run_scoped3A_223, %dma_wait3A_262, %dma_wait3A_263] : memref<5x128x16xf32, #tpu.memory_space<vmem>> -> memref<1x128x16xf32, #tpu.memory_space<vmem>>
        %dma_wait3A_265 = tpu.memref_squeeze %dma_wait3A_264 : memref<1x128x16xf32, #tpu.memory_space<vmem>> -> memref<128x16xf32, #tpu.memory_space<vmem>>
        %dma_wait3A_266 = arith.constant 0 : i32
        %dma_wait3A_267 = tpu.memref_slice %arg8[%add3A_211, %dma_wait3A_266] : memref<79x128xi32, #tpu.memory_space<vmem>> -> memref<1x128xi32, #tpu.memory_space<vmem>>
        %dma_wait3A_268 = tpu.memref_squeeze %dma_wait3A_267 : memref<1x128xi32, #tpu.memory_space<vmem>> -> memref<128xi32, #tpu.memory_space<vmem>>
        %dma_wait3A_269 = arith.constant 0 : i32
        %dma_wait3A_270 = arith.constant 0 : i32
        %dma_wait3A_271 = tpu.memref_slice %arg10[%dma_wait3A_269, %dma_wait3A_270] : memref<10240x16xf32, #tpu.memory_space<vmem_shared>> -> memref<10240x16xf32, #tpu.memory_space<vmem_shared>>
        tpu.wait_indirect_dma semaphore(%run_scoped3A_251 : memref<!tpu.dma_semaphore, #tpu.memory_space<semaphore_mem>>) src(%dma_wait3A_265 : memref<128x16xf32, #tpu.memory_space<vmem>>) dst(%dma_wait3A_271 : memref<10240x16xf32, #tpu.memory_space<vmem_shared>>)
        tpu.yield
      }) : () -> ()
      %add3A_224 = arith.constant 8 : i32
      %add3A_225 = arith.addi %add3A_117, %add3A_224 : i32
      %dma_start3A_226 = arith.constant 3 : i32
      %dma_start3A_227 = arith.constant 0 : i32
      %dma_start3A_228 = arith.constant 0 : i32
      %dma_start3A_229 = tpu.memref_slice %arg9[%dma_start3A_226, %dma_start3A_227, %dma_start3A_228] : memref<5x128x16xf32, #tpu.memory_space<vmem>> -> memref<1x128x16xf32, #tpu.memory_space<vmem>>
      %dma_start3A_230 = tpu.memref_squeeze %dma_start3A_229 : memref<1x128x16xf32, #tpu.memory_space<vmem>> -> memref<128x16xf32, #tpu.memory_space<vmem>>
      %dma_start3A_231 = arith.constant 0 : i32
      %dma_start3A_232 = tpu.memref_slice %arg7[%add3A_225, %dma_start3A_231] : memref<79x128xi32, #tpu.memory_space<vmem>> -> memref<1x128xi32, #tpu.memory_space<vmem>>
      %dma_start3A_233 = tpu.memref_squeeze %dma_start3A_232 : memref<1x128xi32, #tpu.memory_space<vmem>> -> memref<128xi32, #tpu.memory_space<vmem>>
      %dma_start3A_234 = arith.constant 0 : i32
      %dma_start3A_235 = arith.constant 0 : i32
      %dma_start3A_236 = tpu.memref_slice %arg2[%dma_start3A_234, %dma_start3A_235] : memref<10000x16xf32, #tpu.memory_space<hbm>> -> memref<10000x16xf32, #tpu.memory_space<hbm>>
      tpu.enqueue_indirect_dma source(%dma_start3A_236 : memref<10000x16xf32, #tpu.memory_space<hbm>>) target(%dma_start3A_230 : memref<128x16xf32, #tpu.memory_space<vmem>>) offsets(%dma_start3A_233 : memref<128xi32, #tpu.memory_space<vmem>>) semaphore(%arg14 : memref<!tpu.dma_semaphore, #tpu.memory_space<semaphore_mem>>)
      %add3A_237 = arith.constant 4 : i32
      %add3A_238 = arith.addi %add3A_117, %add3A_237 : i32
      %dma_wait3A_239 = arith.constant 4 : i32
      %dma_wait3A_240 = arith.constant 0 : i32
      %dma_wait3A_241 = arith.constant 0 : i32
      %dma_wait3A_242 = tpu.memref_slice %arg9[%dma_wait3A_239, %dma_wait3A_240, %dma_wait3A_241] : memref<5x128x16xf32, #tpu.memory_space<vmem>> -> memref<1x128x16xf32, #tpu.memory_space<vmem>>
      %dma_wait3A_243 = tpu.memref_squeeze %dma_wait3A_242 : memref<1x128x16xf32, #tpu.memory_space<vmem>> -> memref<128x16xf32, #tpu.memory_space<vmem>>
      %dma_wait3A_244 = arith.constant 0 : i32
      %dma_wait3A_245 = tpu.memref_slice %arg7[%add3A_238, %dma_wait3A_244] : memref<79x128xi32, #tpu.memory_space<vmem>> -> memref<1x128xi32, #tpu.memory_space<vmem>>
      %dma_wait3A_246 = tpu.memref_squeeze %dma_wait3A_245 : memref<1x128xi32, #tpu.memory_space<vmem>> -> memref<128xi32, #tpu.memory_space<vmem>>
      %dma_wait3A_247 = arith.constant 0 : i32
      %dma_wait3A_248 = arith.constant 0 : i32
      %dma_wait3A_249 = tpu.memref_slice %arg2[%dma_wait3A_247, %dma_wait3A_248] : memref<10000x16xf32, #tpu.memory_space<hbm>> -> memref<10000x16xf32, #tpu.memory_space<hbm>>
      tpu.wait_indirect_dma semaphore(%arg15 : memref<!tpu.dma_semaphore, #tpu.memory_space<semaphore_mem>>) src(%dma_wait3A_249 : memref<10000x16xf32, #tpu.memory_space<hbm>>) dst(%dma_wait3A_243 : memref<128x16xf32, #tpu.memory_space<vmem>>)
      %run_scoped3A_250 = arith.constant 4 : i32
      "tpu.region"() ({
        %run_scoped3A_251 = tpu.sem_alloc : memref<!tpu.dma_semaphore, #tpu.memory_space<semaphore_mem>>
        %dma_start3A_252 = arith.constant 0 : i32
        %dma_start3A_253 = arith.constant 0 : i32
        %dma_start3A_254 = tpu.memref_slice %arg9[%run_scoped3A_250, %dma_start3A_252, %dma_start3A_253] : memref<5x128x16xf32, #tpu.memory_space<vmem>> -> memref<1x128x16xf32, #tpu.memory_space<vmem>>
        %dma_start3A_255 = tpu.memref_squeeze %dma_start3A_254 : memref<1x128x16xf32, #tpu.memory_space<vmem>> -> memref<128x16xf32, #tpu.memory_space<vmem>>
        %dma_start3A_256 = arith.constant 0 : i32
        %dma_start3A_257 = tpu.memref_slice %arg8[%add3A_238, %dma_start3A_256] : memref<79x128xi32, #tpu.memory_space<vmem>> -> memref<1x128xi32, #tpu.memory_space<vmem>>
        %dma_start3A_258 = tpu.memref_squeeze %dma_start3A_257 : memref<1x128xi32, #tpu.memory_space<vmem>> -> memref<128xi32, #tpu.memory_space<vmem>>
        %dma_start3A_259 = arith.constant 0 : i32
        %dma_start3A_260 = arith.constant 0 : i32
        %dma_start3A_261 = tpu.memref_slice %arg10[%dma_start3A_259, %dma_start3A_260] : memref<10240x16xf32, #tpu.memory_space<vmem_shared>> -> memref<10240x16xf32, #tpu.memory_space<vmem_shared>>
        tpu.enqueue_indirect_dma source(%dma_start3A_255 : memref<128x16xf32, #tpu.memory_space<vmem>>) target(%dma_start3A_261 : memref<10240x16xf32, #tpu.memory_space<vmem_shared>>) offsets(%dma_start3A_258 : memref<128xi32, #tpu.memory_space<vmem>>) semaphore(%run_scoped3A_251 : memref<!tpu.dma_semaphore, #tpu.memory_space<semaphore_mem>>) {add = true}
        %dma_wait3A_262 = arith.constant 0 : i32
        %dma_wait3A_263 = arith.constant 0 : i32
        %dma_wait3A_264 = tpu.memref_slice %arg9[%run_scoped3A_250, %dma_wait3A_262, %dma_wait3A_263] : memref<5x128x16xf32, #tpu.memory_space<vmem>> -> memref<1x128x16xf32, #tpu.memory_space<vmem>>
        %dma_wait3A_265 = tpu.memref_squeeze %dma_wait3A_264 : memref<1x128x16xf32, #tpu.memory_space<vmem>> -> memref<128x16xf32, #tpu.memory_space<vmem>>
        %dma_wait3A_266 = arith.constant 0 : i32
        %dma_wait3A_267 = tpu.memref_slice %arg8[%add3A_238, %dma_wait3A_266] : memref<79x128xi32, #tpu.memory_space<vmem>> -> memref<1x128xi32, #tpu.memory_space<vmem>>
        %dma_wait3A_268 = tpu.memref_squeeze %dma_wait3A_267 : memref<1x128xi32, #tpu.memory_space<vmem>> -> memref<128xi32, #tpu.memory_space<vmem>>
        %dma_wait3A_269 = arith.constant 0 : i32
        %dma_wait3A_270 = arith.constant 0 : i32
        %dma_wait3A_271 = tpu.memref_slice %arg10[%dma_wait3A_269, %dma_wait3A_270] : memref<10240x16xf32, #tpu.memory_space<vmem_shared>> -> memref<10240x16xf32, #tpu.memory_space<vmem_shared>>
        tpu.wait_indirect_dma semaphore(%run_scoped3A_251 : memref<!tpu.dma_semaphore, #tpu.memory_space<semaphore_mem>>) src(%dma_wait3A_265 : memref<128x16xf32, #tpu.memory_space<vmem>>) dst(%dma_wait3A_271 : memref<10240x16xf32, #tpu.memory_space<vmem_shared>>)
        tpu.yield
      }) : () -> ()
    }
    %scan3A_53 = arith.constant 15 : i32
    %dma_wait3A = arith.constant 75 : i32
    %dma_wait3A_54 = arith.constant 0 : i32
    %dma_wait3A_55 = arith.constant 0 : i32
    %dma_wait3A_56 = arith.constant 0 : i32
    %dma_wait3A_57 = tpu.memref_slice %arg9[%dma_wait3A_54, %dma_wait3A_55, %dma_wait3A_56] : memref<5x128x16xf32, #tpu.memory_space<vmem>> -> memref<1x128x16xf32, #tpu.memory_space<vmem>>
    %dma_wait3A_58 = tpu.memref_squeeze %dma_wait3A_57 : memref<1x128x16xf32, #tpu.memory_space<vmem>> -> memref<128x16xf32, #tpu.memory_space<vmem>>
    %dma_wait3A_59 = arith.constant 0 : i32
    %dma_wait3A_60 = tpu.memref_slice %arg7[%dma_wait3A, %dma_wait3A_59] : memref<79x128xi32, #tpu.memory_space<vmem>> -> memref<1x128xi32, #tpu.memory_space<vmem>>
    %dma_wait3A_61 = tpu.memref_squeeze %dma_wait3A_60 : memref<1x128xi32, #tpu.memory_space<vmem>> -> memref<128xi32, #tpu.memory_space<vmem>>
    %dma_wait3A_62 = arith.constant 0 : i32
    %dma_wait3A_63 = arith.constant 0 : i32
    %dma_wait3A_64 = tpu.memref_slice %arg2[%dma_wait3A_62, %dma_wait3A_63] : memref<10000x16xf32, #tpu.memory_space<hbm>> -> memref<10000x16xf32, #tpu.memory_space<hbm>>
    tpu.wait_indirect_dma semaphore(%arg11 : memref<!tpu.dma_semaphore, #tpu.memory_space<semaphore_mem>>) src(%dma_wait3A_64 : memref<10000x16xf32, #tpu.memory_space<hbm>>) dst(%dma_wait3A_58 : memref<128x16xf32, #tpu.memory_space<vmem>>)
    %run_scoped3A = arith.constant 0 : i32
    %run_scoped3A_65 = arith.constant 75 : i32
    "tpu.region"() ({
      %run_scoped3A_113 = tpu.sem_alloc : memref<!tpu.dma_semaphore, #tpu.memory_space<semaphore_mem>>
      %dma_start3A_114 = arith.constant 0 : i32
      %dma_start3A_115 = arith.constant 0 : i32
      %dma_start3A_116 = tpu.memref_slice %arg9[%run_scoped3A, %dma_start3A_114, %dma_start3A_115] : memref<5x128x16xf32, #tpu.memory_space<vmem>> -> memref<1x128x16xf32, #tpu.memory_space<vmem>>
      %dma_start3A_117 = tpu.memref_squeeze %dma_start3A_116 : memref<1x128x16xf32, #tpu.memory_space<vmem>> -> memref<128x16xf32, #tpu.memory_space<vmem>>
      %dma_start3A_118 = arith.constant 0 : i32
      %dma_start3A_119 = tpu.memref_slice %arg8[%run_scoped3A_65, %dma_start3A_118] : memref<79x128xi32, #tpu.memory_space<vmem>> -> memref<1x128xi32, #tpu.memory_space<vmem>>
      %dma_start3A_120 = tpu.memref_squeeze %dma_start3A_119 : memref<1x128xi32, #tpu.memory_space<vmem>> -> memref<128xi32, #tpu.memory_space<vmem>>
      %dma_start3A_121 = arith.constant 0 : i32
      %dma_start3A_122 = arith.constant 0 : i32
      %dma_start3A_123 = tpu.memref_slice %arg10[%dma_start3A_121, %dma_start3A_122] : memref<10240x16xf32, #tpu.memory_space<vmem_shared>> -> memref<10240x16xf32, #tpu.memory_space<vmem_shared>>
      tpu.enqueue_indirect_dma source(%dma_start3A_117 : memref<128x16xf32, #tpu.memory_space<vmem>>) target(%dma_start3A_123 : memref<10240x16xf32, #tpu.memory_space<vmem_shared>>) offsets(%dma_start3A_120 : memref<128xi32, #tpu.memory_space<vmem>>) semaphore(%run_scoped3A_113 : memref<!tpu.dma_semaphore, #tpu.memory_space<semaphore_mem>>) {add = true}
      %dma_wait3A_124 = arith.constant 0 : i32
      %dma_wait3A_125 = arith.constant 0 : i32
      %dma_wait3A_126 = tpu.memref_slice %arg9[%run_scoped3A, %dma_wait3A_124, %dma_wait3A_125] : memref<5x128x16xf32, #tpu.memory_space<vmem>> -> memref<1x128x16xf32, #tpu.memory_space<vmem>>
      %dma_wait3A_127 = tpu.memref_squeeze %dma_wait3A_126 : memref<1x128x16xf32, #tpu.memory_space<vmem>> -> memref<128x16xf32, #tpu.memory_space<vmem>>
      %dma_wait3A_128 = arith.constant 0 : i32
      %dma_wait3A_129 = tpu.memref_slice %arg8[%run_scoped3A_65, %dma_wait3A_128] : memref<79x128xi32, #tpu.memory_space<vmem>> -> memref<1x128xi32, #tpu.memory_space<vmem>>
      %dma_wait3A_130 = tpu.memref_squeeze %dma_wait3A_129 : memref<1x128xi32, #tpu.memory_space<vmem>> -> memref<128xi32, #tpu.memory_space<vmem>>
      %dma_wait3A_131 = arith.constant 0 : i32
      %dma_wait3A_132 = arith.constant 0 : i32
      %dma_wait3A_133 = tpu.memref_slice %arg10[%dma_wait3A_131, %dma_wait3A_132] : memref<10240x16xf32, #tpu.memory_space<vmem_shared>> -> memref<10240x16xf32, #tpu.memory_space<vmem_shared>>
      tpu.wait_indirect_dma semaphore(%run_scoped3A_113 : memref<!tpu.dma_semaphore, #tpu.memory_space<semaphore_mem>>) src(%dma_wait3A_127 : memref<128x16xf32, #tpu.memory_space<vmem>>) dst(%dma_wait3A_133 : memref<10240x16xf32, #tpu.memory_space<vmem_shared>>)
      tpu.yield
    }) : () -> ()
    %dma_wait3A_66 = arith.constant 76 : i32
    %dma_wait3A_67 = arith.constant 1 : i32
    %dma_wait3A_68 = arith.constant 0 : i32
    %dma_wait3A_69 = arith.constant 0 : i32
    %dma_wait3A_70 = tpu.memref_slice %arg9[%dma_wait3A_67, %dma_wait3A_68, %dma_wait3A_69] : memref<5x128x16xf32, #tpu.memory_space<vmem>> -> memref<1x128x16xf32, #tpu.memory_space<vmem>>
    %dma_wait3A_71 = tpu.memref_squeeze %dma_wait3A_70 : memref<1x128x16xf32, #tpu.memory_space<vmem>> -> memref<128x16xf32, #tpu.memory_space<vmem>>
    %dma_wait3A_72 = arith.constant 0 : i32
    %dma_wait3A_73 = tpu.memref_slice %arg7[%dma_wait3A_66, %dma_wait3A_72] : memref<79x128xi32, #tpu.memory_space<vmem>> -> memref<1x128xi32, #tpu.memory_space<vmem>>
    %dma_wait3A_74 = tpu.memref_squeeze %dma_wait3A_73 : memref<1x128xi32, #tpu.memory_space<vmem>> -> memref<128xi32, #tpu.memory_space<vmem>>
    %dma_wait3A_75 = arith.constant 0 : i32
    %dma_wait3A_76 = arith.constant 0 : i32
    %dma_wait3A_77 = tpu.memref_slice %arg2[%dma_wait3A_75, %dma_wait3A_76] : memref<10000x16xf32, #tpu.memory_space<hbm>> -> memref<10000x16xf32, #tpu.memory_space<hbm>>
    tpu.wait_indirect_dma semaphore(%arg12 : memref<!tpu.dma_semaphore, #tpu.memory_space<semaphore_mem>>) src(%dma_wait3A_77 : memref<10000x16xf32, #tpu.memory_space<hbm>>) dst(%dma_wait3A_71 : memref<128x16xf32, #tpu.memory_space<vmem>>)
    %run_scoped3A_78 = arith.constant 1 : i32
    %run_scoped3A_79 = arith.constant 76 : i32
    "tpu.region"() ({
      %run_scoped3A_113 = tpu.sem_alloc : memref<!tpu.dma_semaphore, #tpu.memory_space<semaphore_mem>>
      %dma_start3A_114 = arith.constant 0 : i32
      %dma_start3A_115 = arith.constant 0 : i32
      %dma_start3A_116 = tpu.memref_slice %arg9[%run_scoped3A_78, %dma_start3A_114, %dma_start3A_115] : memref<5x128x16xf32, #tpu.memory_space<vmem>> -> memref<1x128x16xf32, #tpu.memory_space<vmem>>
      %dma_start3A_117 = tpu.memref_squeeze %dma_start3A_116 : memref<1x128x16xf32, #tpu.memory_space<vmem>> -> memref<128x16xf32, #tpu.memory_space<vmem>>
      %dma_start3A_118 = arith.constant 0 : i32
      %dma_start3A_119 = tpu.memref_slice %arg8[%run_scoped3A_79, %dma_start3A_118] : memref<79x128xi32, #tpu.memory_space<vmem>> -> memref<1x128xi32, #tpu.memory_space<vmem>>
      %dma_start3A_120 = tpu.memref_squeeze %dma_start3A_119 : memref<1x128xi32, #tpu.memory_space<vmem>> -> memref<128xi32, #tpu.memory_space<vmem>>
      %dma_start3A_121 = arith.constant 0 : i32
      %dma_start3A_122 = arith.constant 0 : i32
      %dma_start3A_123 = tpu.memref_slice %arg10[%dma_start3A_121, %dma_start3A_122] : memref<10240x16xf32, #tpu.memory_space<vmem_shared>> -> memref<10240x16xf32, #tpu.memory_space<vmem_shared>>
      tpu.enqueue_indirect_dma source(%dma_start3A_117 : memref<128x16xf32, #tpu.memory_space<vmem>>) target(%dma_start3A_123 : memref<10240x16xf32, #tpu.memory_space<vmem_shared>>) offsets(%dma_start3A_120 : memref<128xi32, #tpu.memory_space<vmem>>) semaphore(%run_scoped3A_113 : memref<!tpu.dma_semaphore, #tpu.memory_space<semaphore_mem>>) {add = true}
      %dma_wait3A_124 = arith.constant 0 : i32
      %dma_wait3A_125 = arith.constant 0 : i32
      %dma_wait3A_126 = tpu.memref_slice %arg9[%run_scoped3A_78, %dma_wait3A_124, %dma_wait3A_125] : memref<5x128x16xf32, #tpu.memory_space<vmem>> -> memref<1x128x16xf32, #tpu.memory_space<vmem>>
      %dma_wait3A_127 = tpu.memref_squeeze %dma_wait3A_126 : memref<1x128x16xf32, #tpu.memory_space<vmem>> -> memref<128x16xf32, #tpu.memory_space<vmem>>
      %dma_wait3A_128 = arith.constant 0 : i32
      %dma_wait3A_129 = tpu.memref_slice %arg8[%run_scoped3A_79, %dma_wait3A_128] : memref<79x128xi32, #tpu.memory_space<vmem>> -> memref<1x128xi32, #tpu.memory_space<vmem>>
      %dma_wait3A_130 = tpu.memref_squeeze %dma_wait3A_129 : memref<1x128xi32, #tpu.memory_space<vmem>> -> memref<128xi32, #tpu.memory_space<vmem>>
      %dma_wait3A_131 = arith.constant 0 : i32
      %dma_wait3A_132 = arith.constant 0 : i32
      %dma_wait3A_133 = tpu.memref_slice %arg10[%dma_wait3A_131, %dma_wait3A_132] : memref<10240x16xf32, #tpu.memory_space<vmem_shared>> -> memref<10240x16xf32, #tpu.memory_space<vmem_shared>>
      tpu.wait_indirect_dma semaphore(%run_scoped3A_113 : memref<!tpu.dma_semaphore, #tpu.memory_space<semaphore_mem>>) src(%dma_wait3A_127 : memref<128x16xf32, #tpu.memory_space<vmem>>) dst(%dma_wait3A_133 : memref<10240x16xf32, #tpu.memory_space<vmem_shared>>)
      tpu.yield
    }) : () -> ()
    %dma_wait3A_80 = arith.constant 77 : i32
    %dma_wait3A_81 = arith.constant 2 : i32
    %dma_wait3A_82 = arith.constant 0 : i32
    %dma_wait3A_83 = arith.constant 0 : i32
    %dma_wait3A_84 = tpu.memref_slice %arg9[%dma_wait3A_81, %dma_wait3A_82, %dma_wait3A_83] : memref<5x128x16xf32, #tpu.memory_space<vmem>> -> memref<1x128x16xf32, #tpu.memory_space<vmem>>
    %dma_wait3A_85 = tpu.memref_squeeze %dma_wait3A_84 : memref<1x128x16xf32, #tpu.memory_space<vmem>> -> memref<128x16xf32, #tpu.memory_space<vmem>>
    %dma_wait3A_86 = arith.constant 0 : i32
    %dma_wait3A_87 = tpu.memref_slice %arg7[%dma_wait3A_80, %dma_wait3A_86] : memref<79x128xi32, #tpu.memory_space<vmem>> -> memref<1x128xi32, #tpu.memory_space<vmem>>
    %dma_wait3A_88 = tpu.memref_squeeze %dma_wait3A_87 : memref<1x128xi32, #tpu.memory_space<vmem>> -> memref<128xi32, #tpu.memory_space<vmem>>
    %dma_wait3A_89 = arith.constant 0 : i32
    %dma_wait3A_90 = arith.constant 0 : i32
    %dma_wait3A_91 = tpu.memref_slice %arg2[%dma_wait3A_89, %dma_wait3A_90] : memref<10000x16xf32, #tpu.memory_space<hbm>> -> memref<10000x16xf32, #tpu.memory_space<hbm>>
    tpu.wait_indirect_dma semaphore(%arg13 : memref<!tpu.dma_semaphore, #tpu.memory_space<semaphore_mem>>) src(%dma_wait3A_91 : memref<10000x16xf32, #tpu.memory_space<hbm>>) dst(%dma_wait3A_85 : memref<128x16xf32, #tpu.memory_space<vmem>>)
    %run_scoped3A_92 = arith.constant 2 : i32
    %run_scoped3A_93 = arith.constant 77 : i32
    "tpu.region"() ({
      %run_scoped3A_113 = tpu.sem_alloc : memref<!tpu.dma_semaphore, #tpu.memory_space<semaphore_mem>>
      %dma_start3A_114 = arith.constant 0 : i32
      %dma_start3A_115 = arith.constant 0 : i32
      %dma_start3A_116 = tpu.memref_slice %arg9[%run_scoped3A_92, %dma_start3A_114, %dma_start3A_115] : memref<5x128x16xf32, #tpu.memory_space<vmem>> -> memref<1x128x16xf32, #tpu.memory_space<vmem>>
      %dma_start3A_117 = tpu.memref_squeeze %dma_start3A_116 : memref<1x128x16xf32, #tpu.memory_space<vmem>> -> memref<128x16xf32, #tpu.memory_space<vmem>>
      %dma_start3A_118 = arith.constant 0 : i32
      %dma_start3A_119 = tpu.memref_slice %arg8[%run_scoped3A_93, %dma_start3A_118] : memref<79x128xi32, #tpu.memory_space<vmem>> -> memref<1x128xi32, #tpu.memory_space<vmem>>
      %dma_start3A_120 = tpu.memref_squeeze %dma_start3A_119 : memref<1x128xi32, #tpu.memory_space<vmem>> -> memref<128xi32, #tpu.memory_space<vmem>>
      %dma_start3A_121 = arith.constant 0 : i32
      %dma_start3A_122 = arith.constant 0 : i32
      %dma_start3A_123 = tpu.memref_slice %arg10[%dma_start3A_121, %dma_start3A_122] : memref<10240x16xf32, #tpu.memory_space<vmem_shared>> -> memref<10240x16xf32, #tpu.memory_space<vmem_shared>>
      tpu.enqueue_indirect_dma source(%dma_start3A_117 : memref<128x16xf32, #tpu.memory_space<vmem>>) target(%dma_start3A_123 : memref<10240x16xf32, #tpu.memory_space<vmem_shared>>) offsets(%dma_start3A_120 : memref<128xi32, #tpu.memory_space<vmem>>) semaphore(%run_scoped3A_113 : memref<!tpu.dma_semaphore, #tpu.memory_space<semaphore_mem>>) {add = true}
      %dma_wait3A_124 = arith.constant 0 : i32
      %dma_wait3A_125 = arith.constant 0 : i32
      %dma_wait3A_126 = tpu.memref_slice %arg9[%run_scoped3A_92, %dma_wait3A_124, %dma_wait3A_125] : memref<5x128x16xf32, #tpu.memory_space<vmem>> -> memref<1x128x16xf32, #tpu.memory_space<vmem>>
      %dma_wait3A_127 = tpu.memref_squeeze %dma_wait3A_126 : memref<1x128x16xf32, #tpu.memory_space<vmem>> -> memref<128x16xf32, #tpu.memory_space<vmem>>
      %dma_wait3A_128 = arith.constant 0 : i32
      %dma_wait3A_129 = tpu.memref_slice %arg8[%run_scoped3A_93, %dma_wait3A_128] : memref<79x128xi32, #tpu.memory_space<vmem>> -> memref<1x128xi32, #tpu.memory_space<vmem>>
      %dma_wait3A_130 = tpu.memref_squeeze %dma_wait3A_129 : memref<1x128xi32, #tpu.memory_space<vmem>> -> memref<128xi32, #tpu.memory_space<vmem>>
      %dma_wait3A_131 = arith.constant 0 : i32
      %dma_wait3A_132 = arith.constant 0 : i32
      %dma_wait3A_133 = tpu.memref_slice %arg10[%dma_wait3A_131, %dma_wait3A_132] : memref<10240x16xf32, #tpu.memory_space<vmem_shared>> -> memref<10240x16xf32, #tpu.memory_space<vmem_shared>>
      tpu.wait_indirect_dma semaphore(%run_scoped3A_113 : memref<!tpu.dma_semaphore, #tpu.memory_space<semaphore_mem>>) src(%dma_wait3A_127 : memref<128x16xf32, #tpu.memory_space<vmem>>) dst(%dma_wait3A_133 : memref<10240x16xf32, #tpu.memory_space<vmem_shared>>)
      tpu.yield
    }) : () -> ()
    %dma_wait3A_94 = arith.constant 78 : i32
    %dma_wait3A_95 = arith.constant 3 : i32
    %dma_wait3A_96 = arith.constant 0 : i32
    %dma_wait3A_97 = arith.constant 0 : i32
    %dma_wait3A_98 = tpu.memref_slice %arg9[%dma_wait3A_95, %dma_wait3A_96, %dma_wait3A_97] : memref<5x128x16xf32, #tpu.memory_space<vmem>> -> memref<1x128x16xf32, #tpu.memory_space<vmem>>
    %dma_wait3A_99 = tpu.memref_squeeze %dma_wait3A_98 : memref<1x128x16xf32, #tpu.memory_space<vmem>> -> memref<128x16xf32, #tpu.memory_space<vmem>>
    %dma_wait3A_100 = arith.constant 0 : i32
    %dma_wait3A_101 = tpu.memref_slice %arg7[%dma_wait3A_94, %dma_wait3A_100] : memref<79x128xi32, #tpu.memory_space<vmem>> -> memref<1x128xi32, #tpu.memory_space<vmem>>
    %dma_wait3A_102 = tpu.memref_squeeze %dma_wait3A_101 : memref<1x128xi32, #tpu.memory_space<vmem>> -> memref<128xi32, #tpu.memory_space<vmem>>
    %dma_wait3A_103 = arith.constant 0 : i32
    %dma_wait3A_104 = arith.constant 0 : i32
    %dma_wait3A_105 = tpu.memref_slice %arg2[%dma_wait3A_103, %dma_wait3A_104] : memref<10000x16xf32, #tpu.memory_space<hbm>> -> memref<10000x16xf32, #tpu.memory_space<hbm>>
    tpu.wait_indirect_dma semaphore(%arg14 : memref<!tpu.dma_semaphore, #tpu.memory_space<semaphore_mem>>) src(%dma_wait3A_105 : memref<10000x16xf32, #tpu.memory_space<hbm>>) dst(%dma_wait3A_99 : memref<128x16xf32, #tpu.memory_space<vmem>>)
    %run_scoped3A_106 = arith.constant 3 : i32
    %run_scoped3A_107 = arith.constant 78 : i32
    "tpu.region"() ({
      %run_scoped3A_113 = tpu.sem_alloc : memref<!tpu.dma_semaphore, #tpu.memory_space<semaphore_mem>>
      %dma_start3A_114 = arith.constant 0 : i32
      %dma_start3A_115 = arith.constant 0 : i32
      %dma_start3A_116 = tpu.memref_slice %arg9[%run_scoped3A_106, %dma_start3A_114, %dma_start3A_115] : memref<5x128x16xf32, #tpu.memory_space<vmem>> -> memref<1x128x16xf32, #tpu.memory_space<vmem>>
      %dma_start3A_117 = tpu.memref_squeeze %dma_start3A_116 : memref<1x128x16xf32, #tpu.memory_space<vmem>> -> memref<128x16xf32, #tpu.memory_space<vmem>>
      %dma_start3A_118 = arith.constant 0 : i32
      %dma_start3A_119 = tpu.memref_slice %arg8[%run_scoped3A_107, %dma_start3A_118] : memref<79x128xi32, #tpu.memory_space<vmem>> -> memref<1x128xi32, #tpu.memory_space<vmem>>
      %dma_start3A_120 = tpu.memref_squeeze %dma_start3A_119 : memref<1x128xi32, #tpu.memory_space<vmem>> -> memref<128xi32, #tpu.memory_space<vmem>>
      %dma_start3A_121 = arith.constant 0 : i32
      %dma_start3A_122 = arith.constant 0 : i32
      %dma_start3A_123 = tpu.memref_slice %arg10[%dma_start3A_121, %dma_start3A_122] : memref<10240x16xf32, #tpu.memory_space<vmem_shared>> -> memref<10240x16xf32, #tpu.memory_space<vmem_shared>>
      tpu.enqueue_indirect_dma source(%dma_start3A_117 : memref<128x16xf32, #tpu.memory_space<vmem>>) target(%dma_start3A_123 : memref<10240x16xf32, #tpu.memory_space<vmem_shared>>) offsets(%dma_start3A_120 : memref<128xi32, #tpu.memory_space<vmem>>) semaphore(%run_scoped3A_113 : memref<!tpu.dma_semaphore, #tpu.memory_space<semaphore_mem>>) {add = true}
      %dma_wait3A_124 = arith.constant 0 : i32
      %dma_wait3A_125 = arith.constant 0 : i32
      %dma_wait3A_126 = tpu.memref_slice %arg9[%run_scoped3A_106, %dma_wait3A_124, %dma_wait3A_125] : memref<5x128x16xf32, #tpu.memory_space<vmem>> -> memref<1x128x16xf32, #tpu.memory_space<vmem>>
      %dma_wait3A_127 = tpu.memref_squeeze %dma_wait3A_126 : memref<1x128x16xf32, #tpu.memory_space<vmem>> -> memref<128x16xf32, #tpu.memory_space<vmem>>
      %dma_wait3A_128 = arith.constant 0 : i32
      %dma_wait3A_129 = tpu.memref_slice %arg8[%run_scoped3A_107, %dma_wait3A_128] : memref<79x128xi32, #tpu.memory_space<vmem>> -> memref<1x128xi32, #tpu.memory_space<vmem>>
      %dma_wait3A_130 = tpu.memref_squeeze %dma_wait3A_129 : memref<1x128xi32, #tpu.memory_space<vmem>> -> memref<128xi32, #tpu.memory_space<vmem>>
      %dma_wait3A_131 = arith.constant 0 : i32
      %dma_wait3A_132 = arith.constant 0 : i32
      %dma_wait3A_133 = tpu.memref_slice %arg10[%dma_wait3A_131, %dma_wait3A_132] : memref<10240x16xf32, #tpu.memory_space<vmem_shared>> -> memref<10240x16xf32, #tpu.memory_space<vmem_shared>>
      tpu.wait_indirect_dma semaphore(%run_scoped3A_113 : memref<!tpu.dma_semaphore, #tpu.memory_space<semaphore_mem>>) src(%dma_wait3A_127 : memref<128x16xf32, #tpu.memory_space<vmem>>) dst(%dma_wait3A_133 : memref<10240x16xf32, #tpu.memory_space<vmem_shared>>)
      tpu.yield
    }) : () -> ()
    %barrier3A_108 = arith.constant 0 : index
    tpu.barrier barrier_id(%barrier3A_108)
    %mul3A_109 = arith.constant 640 : i32
    %mul3A_110 = arith.muli %arg1, %mul3A_109 : i32
    %mul3A_111 = arith.constant 640 : i32
    %mul3A_112 = arith.muli %arg1, %mul3A_111 : i32
    "tpu.region"() ({
      %run_scoped3A_113 = tpu.sem_alloc : memref<!tpu.dma_semaphore, #tpu.memory_space<semaphore_mem>>
      %dma_start3A_114 = arith.constant 0 : i32
      %dma_start3A_115 = tpu.memref_slice %arg6[%arg0, %mul3A_112, %dma_start3A_114] : memref<2x10240x16xf32, #tpu.memory_space<hbm>> -> memref<1x640x16xf32, #tpu.memory_space<hbm>>
      %dma_start3A_116 = tpu.memref_squeeze %dma_start3A_115 : memref<1x640x16xf32, #tpu.memory_space<hbm>> -> memref<640x16xf32, #tpu.memory_space<hbm>>
      %dma_start3A_117 = arith.constant 0 : i32
      %dma_start3A_118 = tpu.memref_slice %arg10[%mul3A_110, %dma_start3A_117] : memref<10240x16xf32, #tpu.memory_space<vmem_shared>> -> memref<640x16xf32, #tpu.memory_space<vmem_shared>>
      tpu.enqueue_dma source(%dma_start3A_118 : memref<640x16xf32, #tpu.memory_space<vmem_shared>>) target(%dma_start3A_116 : memref<640x16xf32, #tpu.memory_space<hbm>>) target_semaphore(%run_scoped3A_113 : memref<!tpu.dma_semaphore, #tpu.memory_space<semaphore_mem>>)
      %dma_wait3A_119 = arith.constant 0 : i32
      %dma_wait3A_120 = tpu.memref_slice %arg6[%arg0, %mul3A_112, %dma_wait3A_119] : memref<2x10240x16xf32, #tpu.memory_space<hbm>> -> memref<1x640x16xf32, #tpu.memory_space<hbm>>
      %dma_wait3A_121 = tpu.memref_squeeze %dma_wait3A_120 : memref<1x640x16xf32, #tpu.memory_space<hbm>> -> memref<640x16xf32, #tpu.memory_space<hbm>>
      %dma_wait3A_122 = arith.constant 0 : i32
      %dma_wait3A_123 = tpu.memref_slice %arg10[%mul3A_110, %dma_wait3A_122] : memref<10240x16xf32, #tpu.memory_space<vmem_shared>> -> memref<640x16xf32, #tpu.memory_space<vmem_shared>>
      tpu.wait_dma2 semaphore(%run_scoped3A_113 : memref<!tpu.dma_semaphore, #tpu.memory_space<semaphore_mem>>) src(%dma_wait3A_123 : memref<640x16xf32, #tpu.memory_space<vmem_shared>>) dst(%dma_wait3A_121 : memref<640x16xf32, #tpu.memory_space<hbm>>)
      tpu.yield
    }) : () -> ()
    return
  }
}

#map = affine_map<(d0, d1) -> (0, 0)>
#map1 = affine_map<(d0, d1) -> (0, 0, 0)>
module attributes {stable_mosaic.version = 14 : i64} {
  func.func @_sc_spmm(%arg0: i32, %arg1: i32, %arg2: memref<10000x16xf32, #tpu.memory_space<hbm>>, %arg3: memref<32x79x128xi32, #tpu.memory_space<hbm>>, %arg4: memref<32x79x128xi32, #tpu.memory_space<hbm>>, %arg5: memref<640x16xf32, #tpu.memory_space<hbm>>, %arg6: memref<2x10240x16xf32, #tpu.memory_space<hbm>>, %arg7: memref<79x128xi32, #tpu.memory_space<vmem>>, %arg8: memref<79x128xi32, #tpu.memory_space<vmem>>, %arg9: memref<5x128x16xf32, #tpu.memory_space<vmem>>, %arg10: memref<10240x16xf32, #tpu.memory_space<vmem_shared>>, %arg11: memref<!tpu.dma_semaphore, #tpu.memory_space<semaphore_mem>>, %arg12: memref<!tpu.dma_semaphore, #tpu.memory_space<semaphore_mem>>, %arg13: memref<!tpu.dma_semaphore, #tpu.memory_space<semaphore_mem>>, %arg14: memref<!tpu.dma_semaphore, #tpu.memory_space<semaphore_mem>>, %arg15: memref<!tpu.dma_semaphore, #tpu.memory_space<semaphore_mem>>) attributes {dimension_semantics = [#tpu.dimension_semantics<core_parallel>, #tpu.dimension_semantics<subcore_parallel>], iteration_bounds = array<i64: 2, 16>, scalar_prefetch = 0 : i64, scratch_operands = 9 : i64, tpu.core_type = #tpu.core_type<sc_vector_subcore>, window_params = [{transform_indices = #map}, {transform_indices = #map1}, {transform_indices = #map1}, {transform_indices = #map}, {transform_indices = #map1}]} {
    %mul3A = arith.constant 2 : i32
    %mul3A_0 = arith.muli %arg1, %mul3A : i32
    %add3A = arith.addi %mul3A_0, %arg0 : i32
    %mul3A_1 = arith.constant 640 : i32
    %mul3A_2 = arith.muli %arg1, %mul3A_1 : i32
    "tpu.region"() ({
      %run_scoped3A_113 = tpu.sem_alloc : memref<!tpu.dma_semaphore, #tpu.memory_space<semaphore_mem>>
      %dma_start3A_114 = arith.constant 0 : i32
      %dma_start3A_115 = tpu.memref_slice %arg10[%mul3A_2, %dma_start3A_114] : memref<10240x16xf32, #tpu.memory_space<vmem_shared>> -> memref<640x16xf32, #tpu.memory_space<vmem_shared>>
      tpu.enqueue_dma source(%arg5 : memref<640x16xf32, #tpu.memory_space<hbm>>) target(%dma_start3A_115 : memref<640x16xf32, #tpu.memory_space<vmem_shared>>) target_semaphore(%run_scoped3A_113 : memref<!tpu.dma_semaphore, #tpu.memory_space<semaphore_mem>>)
      %dma_wait3A_116 = arith.constant 0 : i32
      %dma_wait3A_117 = tpu.memref_slice %arg10[%mul3A_2, %dma_wait3A_116] : memref<10240x16xf32, #tpu.memory_space<vmem_shared>> -> memref<640x16xf32, #tpu.memory_space<vmem_shared>>
      tpu.wait_dma2 semaphore(%run_scoped3A_113 : memref<!tpu.dma_semaphore, #tpu.memory_space<semaphore_mem>>) src(%arg5 : memref<640x16xf32, #tpu.memory_space<hbm>>) dst(%dma_wait3A_117 : memref<640x16xf32, #tpu.memory_space<vmem_shared>>)
      tpu.yield
    }) : () -> ()
    "tpu.region"() ({
      %run_scoped3A_113 = tpu.sem_alloc : memref<!tpu.dma_semaphore, #tpu.memory_space<semaphore_mem>>
      %dma_start3A_114 = arith.constant 0 : i32
      %dma_start3A_115 = arith.constant 0 : i32
      %dma_start3A_116 = tpu.memref_slice %arg3[%add3A, %dma_start3A_114, %dma_start3A_115] : memref<32x79x128xi32, #tpu.memory_space<hbm>> -> memref<1x79x128xi32, #tpu.memory_space<hbm>>
      %dma_start3A_117 = tpu.memref_squeeze %dma_start3A_116 : memref<1x79x128xi32, #tpu.memory_space<hbm>> -> memref<79x128xi32, #tpu.memory_space<hbm>>
      %dma_start3A_118 = arith.constant 0 : i32
      %dma_start3A_119 = arith.constant 0 : i32
      %dma_start3A_120 = tpu.memref_slice %arg3[%add3A, %dma_start3A_118, %dma_start3A_119] : memref<32x79x128xi32, #tpu.memory_space<hbm>> -> memref<1x79x128xi32, #tpu.memory_space<hbm>>
      %dma_start3A_121 = tpu.memref_squeeze %dma_start3A_120 : memref<1x79x128xi32, #tpu.memory_space<hbm>> -> memref<79x128xi32, #tpu.memory_space<hbm>>
      tpu.enqueue_dma source(%dma_start3A_121 : memref<79x128xi32, #tpu.memory_space<hbm>>) target(%arg7 : memref<79x128xi32, #tpu.memory_space<vmem>>) target_semaphore(%run_scoped3A_113 : memref<!tpu.dma_semaphore, #tpu.memory_space<semaphore_mem>>)
      %dma_wait3A_122 = arith.constant 0 : i32
      %dma_wait3A_123 = arith.constant 0 : i32
      %dma_wait3A_124 = tpu.memref_slice %arg3[%add3A, %dma_wait3A_122, %dma_wait3A_123] : memref<32x79x128xi32, #tpu.memory_space<hbm>> -> memref<1x79x128xi32, #tpu.memory_space<hbm>>
      %dma_wait3A_125 = tpu.memref_squeeze %dma_wait3A_124 : memref<1x79x128xi32, #tpu.memory_space<hbm>> -> memref<79x128xi32, #tpu.memory_space<hbm>>
      %dma_wait3A_126 = arith.constant 0 : i32
      %dma_wait3A_127 = arith.constant 0 : i32
      %dma_wait3A_128 = tpu.memref_slice %arg3[%add3A, %dma_wait3A_126, %dma_wait3A_127] : memref<32x79x128xi32, #tpu.memory_space<hbm>> -> memref<1x79x128xi32, #tpu.memory_space<hbm>>
      %dma_wait3A_129 = tpu.memref_squeeze %dma_wait3A_128 : memref<1x79x128xi32, #tpu.memory_space<hbm>> -> memref<79x128xi32, #tpu.memory_space<hbm>>
      tpu.wait_dma2 semaphore(%run_scoped3A_113 : memref<!tpu.dma_semaphore, #tpu.memory_space<semaphore_mem>>) src(%dma_wait3A_129 : memref<79x128xi32, #tpu.memory_space<hbm>>) dst(%arg7 : memref<79x128xi32, #tpu.memory_space<vmem>>)
      tpu.yield
    }) : () -> ()
    "tpu.region"() ({
      %run_scoped3A_113 = tpu.sem_alloc : memref<!tpu.dma_semaphore, #tpu.memory_space<semaphore_mem>>
      %dma_start3A_114 = arith.constant 0 : i32
      %dma_start3A_115 = arith.constant 0 : i32
      %dma_start3A_116 = tpu.memref_slice %arg4[%add3A, %dma_start3A_114, %dma_start3A_115] : memref<32x79x128xi32, #tpu.memory_space<hbm>> -> memref<1x79x128xi32, #tpu.memory_space<hbm>>
      %dma_start3A_117 = tpu.memref_squeeze %dma_start3A_116 : memref<1x79x128xi32, #tpu.memory_space<hbm>> -> memref<79x128xi32, #tpu.memory_space<hbm>>
      %dma_start3A_118 = arith.constant 0 : i32
      %dma_start3A_119 = arith.constant 0 : i32
      %dma_start3A_120 = tpu.memref_slice %arg4[%add3A, %dma_start3A_118, %dma_start3A_119] : memref<32x79x128xi32, #tpu.memory_space<hbm>> -> memref<1x79x128xi32, #tpu.memory_space<hbm>>
      %dma_start3A_121 = tpu.memref_squeeze %dma_start3A_120 : memref<1x79x128xi32, #tpu.memory_space<hbm>> -> memref<79x128xi32, #tpu.memory_space<hbm>>
      tpu.enqueue_dma source(%dma_start3A_121 : memref<79x128xi32, #tpu.memory_space<hbm>>) target(%arg8 : memref<79x128xi32, #tpu.memory_space<vmem>>) target_semaphore(%run_scoped3A_113 : memref<!tpu.dma_semaphore, #tpu.memory_space<semaphore_mem>>)
      %dma_wait3A_122 = arith.constant 0 : i32
      %dma_wait3A_123 = arith.constant 0 : i32
      %dma_wait3A_124 = tpu.memref_slice %arg4[%add3A, %dma_wait3A_122, %dma_wait3A_123] : memref<32x79x128xi32, #tpu.memory_space<hbm>> -> memref<1x79x128xi32, #tpu.memory_space<hbm>>
      %dma_wait3A_125 = tpu.memref_squeeze %dma_wait3A_124 : memref<1x79x128xi32, #tpu.memory_space<hbm>> -> memref<79x128xi32, #tpu.memory_space<hbm>>
      %dma_wait3A_126 = arith.constant 0 : i32
      %dma_wait3A_127 = arith.constant 0 : i32
      %dma_wait3A_128 = tpu.memref_slice %arg4[%add3A, %dma_wait3A_126, %dma_wait3A_127] : memref<32x79x128xi32, #tpu.memory_space<hbm>> -> memref<1x79x128xi32, #tpu.memory_space<hbm>>
      %dma_wait3A_129 = tpu.memref_squeeze %dma_wait3A_128 : memref<1x79x128xi32, #tpu.memory_space<hbm>> -> memref<79x128xi32, #tpu.memory_space<hbm>>
      tpu.wait_dma2 semaphore(%run_scoped3A_113 : memref<!tpu.dma_semaphore, #tpu.memory_space<semaphore_mem>>) src(%dma_wait3A_129 : memref<79x128xi32, #tpu.memory_space<hbm>>) dst(%arg8 : memref<79x128xi32, #tpu.memory_space<vmem>>)
      tpu.yield
    }) : () -> ()
    %barrier3A = arith.constant 0 : index
    tpu.barrier barrier_id(%barrier3A)
    %dma_start3A = arith.constant 0 : i32
    %dma_start3A_3 = arith.constant 0 : i32
    %dma_start3A_4 = arith.constant 0 : i32
    %dma_start3A_5 = arith.constant 0 : i32
    %dma_start3A_6 = tpu.memref_slice %arg9[%dma_start3A_3, %dma_start3A_4, %dma_start3A_5] : memref<5x128x16xf32, #tpu.memory_space<vmem>> -> memref<1x128x16xf32, #tpu.memory_space<vmem>>
    %dma_start3A_7 = tpu.memref_squeeze %dma_start3A_6 : memref<1x128x16xf32, #tpu.memory_space<vmem>> -> memref<128x16xf32, #tpu.memory_space<vmem>>
    %dma_start3A_8 = arith.constant 0 : i32
    %dma_start3A_9 = tpu.memref_slice %arg7[%dma_start3A, %dma_start3A_8] : memref<79x128xi32, #tpu.memory_space<vmem>> -> memref<1x128xi32, #tpu.memory_space<vmem>>
    %dma_start3A_10 = tpu.memref_squeeze %dma_start3A_9 : memref<1x128xi32, #tpu.memory_space<vmem>> -> memref<128xi32, #tpu.memory_space<vmem>>
    %dma_start3A_11 = arith.constant 0 : i32
    %dma_start3A_12 = arith.constant 0 : i32
    %dma_start3A_13 = tpu.memref_slice %arg2[%dma_start3A_11, %dma_start3A_12] : memref<10000x16xf32, #tpu.memory_space<hbm>> -> memref<10000x16xf32, #tpu.memory_space<hbm>>
    tpu.enqueue_indirect_dma source(%dma_start3A_13 : memref<10000x16xf32, #tpu.memory_space<hbm>>) target(%dma_start3A_7 : memref<128x16xf32, #tpu.memory_space<vmem>>) offsets(%dma_start3A_10 : memref<128xi32, #tpu.memory_space<vmem>>) semaphore(%arg11 : memref<!tpu.dma_semaphore, #tpu.memory_space<semaphore_mem>>)
    %dma_start3A_14 = arith.constant 1 : i32
    %dma_start3A_15 = arith.constant 1 : i32
    %dma_start3A_16 = arith.constant 0 : i32
    %dma_start3A_17 = arith.constant 0 : i32
    %dma_start3A_18 = tpu.memref_slice %arg9[%dma_start3A_15, %dma_start3A_16, %dma_start3A_17] : memref<5x128x16xf32, #tpu.memory_space<vmem>> -> memref<1x128x16xf32, #tpu.memory_space<vmem>>
    %dma_start3A_19 = tpu.memref_squeeze %dma_start3A_18 : memref<1x128x16xf32, #tpu.memory_space<vmem>> -> memref<128x16xf32, #tpu.memory_space<vmem>>
    %dma_start3A_20 = arith.constant 0 : i32
    %dma_start3A_21 = tpu.memref_slice %arg7[%dma_start3A_14, %dma_start3A_20] : memref<79x128xi32, #tpu.memory_space<vmem>> -> memref<1x128xi32, #tpu.memory_space<vmem>>
    %dma_start3A_22 = tpu.memref_squeeze %dma_start3A_21 : memref<1x128xi32, #tpu.memory_space<vmem>> -> memref<128xi32, #tpu.memory_space<vmem>>
    %dma_start3A_23 = arith.constant 0 : i32
    %dma_start3A_24 = arith.constant 0 : i32
    %dma_start3A_25 = tpu.memref_slice %arg2[%dma_start3A_23, %dma_start3A_24] : memref<10000x16xf32, #tpu.memory_space<hbm>> -> memref<10000x16xf32, #tpu.memory_space<hbm>>
    tpu.enqueue_indirect_dma source(%dma_start3A_25 : memref<10000x16xf32, #tpu.memory_space<hbm>>) target(%dma_start3A_19 : memref<128x16xf32, #tpu.memory_space<vmem>>) offsets(%dma_start3A_22 : memref<128xi32, #tpu.memory_space<vmem>>) semaphore(%arg12 : memref<!tpu.dma_semaphore, #tpu.memory_space<semaphore_mem>>)
    %dma_start3A_26 = arith.constant 2 : i32
    %dma_start3A_27 = arith.constant 2 : i32
    %dma_start3A_28 = arith.constant 0 : i32
    %dma_start3A_29 = arith.constant 0 : i32
    %dma_start3A_30 = tpu.memref_slice %arg9[%dma_start3A_27, %dma_start3A_28, %dma_start3A_29] : memref<5x128x16xf32, #tpu.memory_space<vmem>> -> memref<1x128x16xf32, #tpu.memory_space<vmem>>
    %dma_start3A_31 = tpu.memref_squeeze %dma_start3A_30 : memref<1x128x16xf32, #tpu.memory_space<vmem>> -> memref<128x16xf32, #tpu.memory_space<vmem>>
    %dma_start3A_32 = arith.constant 0 : i32
    %dma_start3A_33 = tpu.memref_slice %arg7[%dma_start3A_26, %dma_start3A_32] : memref<79x128xi32, #tpu.memory_space<vmem>> -> memref<1x128xi32, #tpu.memory_space<vmem>>
    %dma_start3A_34 = tpu.memref_squeeze %dma_start3A_33 : memref<1x128xi32, #tpu.memory_space<vmem>> -> memref<128xi32, #tpu.memory_space<vmem>>
    %dma_start3A_35 = arith.constant 0 : i32
    %dma_start3A_36 = arith.constant 0 : i32
    %dma_start3A_37 = tpu.memref_slice %arg2[%dma_start3A_35, %dma_start3A_36] : memref<10000x16xf32, #tpu.memory_space<hbm>> -> memref<10000x16xf32, #tpu.memory_space<hbm>>
    tpu.enqueue_indirect_dma source(%dma_start3A_37 : memref<10000x16xf32, #tpu.memory_space<hbm>>) target(%dma_start3A_31 : memref<128x16xf32, #tpu.memory_space<vmem>>) offsets(%dma_start3A_34 : memref<128xi32, #tpu.memory_space<vmem>>) semaphore(%arg13 : memref<!tpu.dma_semaphore, #tpu.memory_space<semaphore_mem>>)
    %dma_start3A_38 = arith.constant 3 : i32
    %dma_start3A_39 = arith.constant 3 : i32
    %dma_start3A_40 = arith.constant 0 : i32
    %dma_start3A_41 = arith.constant 0 : i32
    %dma_start3A_42 = tpu.memref_slice %arg9[%dma_start3A_39, %dma_start3A_40, %dma_start3A_41] : memref<5x128x16xf32, #tpu.memory_space<vmem>> -> memref<1x128x16xf32, #tpu.memory_space<vmem>>
    %dma_start3A_43 = tpu.memref_squeeze %dma_start3A_42 : memref<1x128x16xf32, #tpu.memory_space<vmem>> -> memref<128x16xf32, #tpu.memory_space<vmem>>
    %dma_start3A_44 = arith.constant 0 : i32
    %dma_start3A_45 = tpu.memref_slice %arg7[%dma_start3A_38, %dma_start3A_44] : memref<79x128xi32, #tpu.memory_space<vmem>> -> memref<1x128xi32, #tpu.memory_space<vmem>>
    %dma_start3A_46 = tpu.memref_squeeze %dma_start3A_45 : memref<1x128xi32, #tpu.memory_space<vmem>> -> memref<128xi32, #tpu.memory_space<vmem>>
    %dma_start3A_47 = arith.constant 0 : i32
    %dma_start3A_48 = arith.constant 0 : i32
    %dma_start3A_49 = tpu.memref_slice %arg2[%dma_start3A_47, %dma_start3A_48] : memref<10000x16xf32, #tpu.memory_space<hbm>> -> memref<10000x16xf32, #tpu.memory_space<hbm>>
    tpu.enqueue_indirect_dma source(%dma_start3A_49 : memref<10000x16xf32, #tpu.memory_space<hbm>>) target(%dma_start3A_43 : memref<128x16xf32, #tpu.memory_space<vmem>>) offsets(%dma_start3A_46 : memref<128xi32, #tpu.memory_space<vmem>>) semaphore(%arg14 : memref<!tpu.dma_semaphore, #tpu.memory_space<semaphore_mem>>)
    %scan3A = arith.constant 0 : i32
    %scan3A_50 = arith.constant 15 : i32
    %scan3A_51 = arith.addi %scan3A, %scan3A_50 : i32
    %scan3A_52 = arith.constant 1 : i32
    scf.for %scan3A_113 = %scan3A to %scan3A_51 step %scan3A_52  : i32 {
      %mul3A_114 = arith.constant 5 : i32
      %mul3A_115 = arith.muli %scan3A_113, %mul3A_114 : i32
      %add3A_116 = arith.constant 0 : i32
      %add3A_117 = arith.addi %add3A_116, %mul3A_115 : i32
      %add3A_118 = arith.constant 4 : i32
      %add3A_119 = arith.addi %add3A_117, %add3A_118 : i32
      %dma_start3A_120 = arith.constant 4 : i32
      %dma_start3A_121 = arith.constant 0 : i32
      %dma_start3A_122 = arith.constant 0 : i32
      %dma_start3A_123 = tpu.memref_slice %arg9[%dma_start3A_120, %dma_start3A_121, %dma_start3A_122] : memref<5x128x16xf32, #tpu.memory_space<vmem>> -> memref<1x128x16xf32, #tpu.memory_space<vmem>>
      %dma_start3A_124 = tpu.memref_squeeze %dma_start3A_123 : memref<1x128x16xf32, #tpu.memory_space<vmem>> -> memref<128x16xf32, #tpu.memory_space<vmem>>
      %dma_start3A_125 = arith.constant 0 : i32
      %dma_start3A_126 = tpu.memref_slice %arg7[%add3A_119, %dma_start3A_125] : memref<79x128xi32, #tpu.memory_space<vmem>> -> memref<1x128xi32, #tpu.memory_space<vmem>>
      %dma_start3A_127 = tpu.memref_squeeze %dma_start3A_126 : memref<1x128xi32, #tpu.memory_space<vmem>> -> memref<128xi32, #tpu.memory_space<vmem>>
      %dma_start3A_128 = arith.constant 0 : i32
      %dma_start3A_129 = arith.constant 0 : i32
      %dma_start3A_130 = tpu.memref_slice %arg2[%dma_start3A_128, %dma_start3A_129] : memref<10000x16xf32, #tpu.memory_space<hbm>> -> memref<10000x16xf32, #tpu.memory_space<hbm>>
      tpu.enqueue_indirect_dma source(%dma_start3A_130 : memref<10000x16xf32, #tpu.memory_space<hbm>>) target(%dma_start3A_124 : memref<128x16xf32, #tpu.memory_space<vmem>>) offsets(%dma_start3A_127 : memref<128xi32, #tpu.memory_space<vmem>>) semaphore(%arg15 : memref<!tpu.dma_semaphore, #tpu.memory_space<semaphore_mem>>)
      %dma_wait3A_131 = arith.constant 0 : i32
      %dma_wait3A_132 = arith.constant 0 : i32
      %dma_wait3A_133 = arith.constant 0 : i32
      %dma_wait3A_134 = tpu.memref_slice %arg9[%dma_wait3A_131, %dma_wait3A_132, %dma_wait3A_133] : memref<5x128x16xf32, #tpu.memory_space<vmem>> -> memref<1x128x16xf32, #tpu.memory_space<vmem>>
      %dma_wait3A_135 = tpu.memref_squeeze %dma_wait3A_134 : memref<1x128x16xf32, #tpu.memory_space<vmem>> -> memref<128x16xf32, #tpu.memory_space<vmem>>
      %dma_wait3A_136 = arith.constant 0 : i32
      %dma_wait3A_137 = tpu.memref_slice %arg7[%add3A_117, %dma_wait3A_136] : memref<79x128xi32, #tpu.memory_space<vmem>> -> memref<1x128xi32, #tpu.memory_space<vmem>>
      %dma_wait3A_138 = tpu.memref_squeeze %dma_wait3A_137 : memref<1x128xi32, #tpu.memory_space<vmem>> -> memref<128xi32, #tpu.memory_space<vmem>>
      %dma_wait3A_139 = arith.constant 0 : i32
      %dma_wait3A_140 = arith.constant 0 : i32
      %dma_wait3A_141 = tpu.memref_slice %arg2[%dma_wait3A_139, %dma_wait3A_140] : memref<10000x16xf32, #tpu.memory_space<hbm>> -> memref<10000x16xf32, #tpu.memory_space<hbm>>
      tpu.wait_indirect_dma semaphore(%arg11 : memref<!tpu.dma_semaphore, #tpu.memory_space<semaphore_mem>>) src(%dma_wait3A_141 : memref<10000x16xf32, #tpu.memory_space<hbm>>) dst(%dma_wait3A_135 : memref<128x16xf32, #tpu.memory_space<vmem>>)
      %run_scoped3A_142 = arith.constant 0 : i32
      "tpu.region"() ({
        %run_scoped3A_251 = tpu.sem_alloc : memref<!tpu.dma_semaphore, #tpu.memory_space<semaphore_mem>>
        %dma_start3A_252 = arith.constant 0 : i32
        %dma_start3A_253 = arith.constant 0 : i32
        %dma_start3A_254 = tpu.memref_slice %arg9[%run_scoped3A_142, %dma_start3A_252, %dma_start3A_253] : memref<5x128x16xf32, #tpu.memory_space<vmem>> -> memref<1x128x16xf32, #tpu.memory_space<vmem>>
        %dma_start3A_255 = tpu.memref_squeeze %dma_start3A_254 : memref<1x128x16xf32, #tpu.memory_space<vmem>> -> memref<128x16xf32, #tpu.memory_space<vmem>>
        %dma_start3A_256 = arith.constant 0 : i32
        %dma_start3A_257 = tpu.memref_slice %arg8[%add3A_117, %dma_start3A_256] : memref<79x128xi32, #tpu.memory_space<vmem>> -> memref<1x128xi32, #tpu.memory_space<vmem>>
        %dma_start3A_258 = tpu.memref_squeeze %dma_start3A_257 : memref<1x128xi32, #tpu.memory_space<vmem>> -> memref<128xi32, #tpu.memory_space<vmem>>
        %dma_start3A_259 = arith.constant 0 : i32
        %dma_start3A_260 = arith.constant 0 : i32
        %dma_start3A_261 = tpu.memref_slice %arg10[%dma_start3A_259, %dma_start3A_260] : memref<10240x16xf32, #tpu.memory_space<vmem_shared>> -> memref<10240x16xf32, #tpu.memory_space<vmem_shared>>
        tpu.enqueue_indirect_dma source(%dma_start3A_255 : memref<128x16xf32, #tpu.memory_space<vmem>>) target(%dma_start3A_261 : memref<10240x16xf32, #tpu.memory_space<vmem_shared>>) offsets(%dma_start3A_258 : memref<128xi32, #tpu.memory_space<vmem>>) semaphore(%run_scoped3A_251 : memref<!tpu.dma_semaphore, #tpu.memory_space<semaphore_mem>>) {add = true}
        %dma_wait3A_262 = arith.constant 0 : i32
        %dma_wait3A_263 = arith.constant 0 : i32
        %dma_wait3A_264 = tpu.memref_slice %arg9[%run_scoped3A_142, %dma_wait3A_262, %dma_wait3A_263] : memref<5x128x16xf32, #tpu.memory_space<vmem>> -> memref<1x128x16xf32, #tpu.memory_space<vmem>>
        %dma_wait3A_265 = tpu.memref_squeeze %dma_wait3A_264 : memref<1x128x16xf32, #tpu.memory_space<vmem>> -> memref<128x16xf32, #tpu.memory_space<vmem>>
        %dma_wait3A_266 = arith.constant 0 : i32
        %dma_wait3A_267 = tpu.memref_slice %arg8[%add3A_117, %dma_wait3A_266] : memref<79x128xi32, #tpu.memory_space<vmem>> -> memref<1x128xi32, #tpu.memory_space<vmem>>
        %dma_wait3A_268 = tpu.memref_squeeze %dma_wait3A_267 : memref<1x128xi32, #tpu.memory_space<vmem>> -> memref<128xi32, #tpu.memory_space<vmem>>
        %dma_wait3A_269 = arith.constant 0 : i32
        %dma_wait3A_270 = arith.constant 0 : i32
        %dma_wait3A_271 = tpu.memref_slice %arg10[%dma_wait3A_269, %dma_wait3A_270] : memref<10240x16xf32, #tpu.memory_space<vmem_shared>> -> memref<10240x16xf32, #tpu.memory_space<vmem_shared>>
        tpu.wait_indirect_dma semaphore(%run_scoped3A_251 : memref<!tpu.dma_semaphore, #tpu.memory_space<semaphore_mem>>) src(%dma_wait3A_265 : memref<128x16xf32, #tpu.memory_space<vmem>>) dst(%dma_wait3A_271 : memref<10240x16xf32, #tpu.memory_space<vmem_shared>>)
        tpu.yield
      }) : () -> ()
      %add3A_143 = arith.constant 5 : i32
      %add3A_144 = arith.addi %add3A_117, %add3A_143 : i32
      %dma_start3A_145 = arith.constant 0 : i32
      %dma_start3A_146 = arith.constant 0 : i32
      %dma_start3A_147 = arith.constant 0 : i32
      %dma_start3A_148 = tpu.memref_slice %arg9[%dma_start3A_145, %dma_start3A_146, %dma_start3A_147] : memref<5x128x16xf32, #tpu.memory_space<vmem>> -> memref<1x128x16xf32, #tpu.memory_space<vmem>>
      %dma_start3A_149 = tpu.memref_squeeze %dma_start3A_148 : memref<1x128x16xf32, #tpu.memory_space<vmem>> -> memref<128x16xf32, #tpu.memory_space<vmem>>
      %dma_start3A_150 = arith.constant 0 : i32
      %dma_start3A_151 = tpu.memref_slice %arg7[%add3A_144, %dma_start3A_150] : memref<79x128xi32, #tpu.memory_space<vmem>> -> memref<1x128xi32, #tpu.memory_space<vmem>>
      %dma_start3A_152 = tpu.memref_squeeze %dma_start3A_151 : memref<1x128xi32, #tpu.memory_space<vmem>> -> memref<128xi32, #tpu.memory_space<vmem>>
      %dma_start3A_153 = arith.constant 0 : i32
      %dma_start3A_154 = arith.constant 0 : i32
      %dma_start3A_155 = tpu.memref_slice %arg2[%dma_start3A_153, %dma_start3A_154] : memref<10000x16xf32, #tpu.memory_space<hbm>> -> memref<10000x16xf32, #tpu.memory_space<hbm>>
      tpu.enqueue_indirect_dma source(%dma_start3A_155 : memref<10000x16xf32, #tpu.memory_space<hbm>>) target(%dma_start3A_149 : memref<128x16xf32, #tpu.memory_space<vmem>>) offsets(%dma_start3A_152 : memref<128xi32, #tpu.memory_space<vmem>>) semaphore(%arg11 : memref<!tpu.dma_semaphore, #tpu.memory_space<semaphore_mem>>)
      %add3A_156 = arith.constant 1 : i32
      %add3A_157 = arith.addi %add3A_117, %add3A_156 : i32
      %dma_wait3A_158 = arith.constant 1 : i32
      %dma_wait3A_159 = arith.constant 0 : i32
      %dma_wait3A_160 = arith.constant 0 : i32
      %dma_wait3A_161 = tpu.memref_slice %arg9[%dma_wait3A_158, %dma_wait3A_159, %dma_wait3A_160] : memref<5x128x16xf32, #tpu.memory_space<vmem>> -> memref<1x128x16xf32, #tpu.memory_space<vmem>>
      %dma_wait3A_162 = tpu.memref_squeeze %dma_wait3A_161 : memref<1x128x16xf32, #tpu.memory_space<vmem>> -> memref<128x16xf32, #tpu.memory_space<vmem>>
      %dma_wait3A_163 = arith.constant 0 : i32
      %dma_wait3A_164 = tpu.memref_slice %arg7[%add3A_157, %dma_wait3A_163] : memref<79x128xi32, #tpu.memory_space<vmem>> -> memref<1x128xi32, #tpu.memory_space<vmem>>
      %dma_wait3A_165 = tpu.memref_squeeze %dma_wait3A_164 : memref<1x128xi32, #tpu.memory_space<vmem>> -> memref<128xi32, #tpu.memory_space<vmem>>
      %dma_wait3A_166 = arith.constant 0 : i32
      %dma_wait3A_167 = arith.constant 0 : i32
      %dma_wait3A_168 = tpu.memref_slice %arg2[%dma_wait3A_166, %dma_wait3A_167] : memref<10000x16xf32, #tpu.memory_space<hbm>> -> memref<10000x16xf32, #tpu.memory_space<hbm>>
      tpu.wait_indirect_dma semaphore(%arg12 : memref<!tpu.dma_semaphore, #tpu.memory_space<semaphore_mem>>) src(%dma_wait3A_168 : memref<10000x16xf32, #tpu.memory_space<hbm>>) dst(%dma_wait3A_162 : memref<128x16xf32, #tpu.memory_space<vmem>>)
      %run_scoped3A_169 = arith.constant 1 : i32
      "tpu.region"() ({
        %run_scoped3A_251 = tpu.sem_alloc : memref<!tpu.dma_semaphore, #tpu.memory_space<semaphore_mem>>
        %dma_start3A_252 = arith.constant 0 : i32
        %dma_start3A_253 = arith.constant 0 : i32
        %dma_start3A_254 = tpu.memref_slice %arg9[%run_scoped3A_169, %dma_start3A_252, %dma_start3A_253] : memref<5x128x16xf32, #tpu.memory_space<vmem>> -> memref<1x128x16xf32, #tpu.memory_space<vmem>>
        %dma_start3A_255 = tpu.memref_squeeze %dma_start3A_254 : memref<1x128x16xf32, #tpu.memory_space<vmem>> -> memref<128x16xf32, #tpu.memory_space<vmem>>
        %dma_start3A_256 = arith.constant 0 : i32
        %dma_start3A_257 = tpu.memref_slice %arg8[%add3A_157, %dma_start3A_256] : memref<79x128xi32, #tpu.memory_space<vmem>> -> memref<1x128xi32, #tpu.memory_space<vmem>>
        %dma_start3A_258 = tpu.memref_squeeze %dma_start3A_257 : memref<1x128xi32, #tpu.memory_space<vmem>> -> memref<128xi32, #tpu.memory_space<vmem>>
        %dma_start3A_259 = arith.constant 0 : i32
        %dma_start3A_260 = arith.constant 0 : i32
        %dma_start3A_261 = tpu.memref_slice %arg10[%dma_start3A_259, %dma_start3A_260] : memref<10240x16xf32, #tpu.memory_space<vmem_shared>> -> memref<10240x16xf32, #tpu.memory_space<vmem_shared>>
        tpu.enqueue_indirect_dma source(%dma_start3A_255 : memref<128x16xf32, #tpu.memory_space<vmem>>) target(%dma_start3A_261 : memref<10240x16xf32, #tpu.memory_space<vmem_shared>>) offsets(%dma_start3A_258 : memref<128xi32, #tpu.memory_space<vmem>>) semaphore(%run_scoped3A_251 : memref<!tpu.dma_semaphore, #tpu.memory_space<semaphore_mem>>) {add = true}
        %dma_wait3A_262 = arith.constant 0 : i32
        %dma_wait3A_263 = arith.constant 0 : i32
        %dma_wait3A_264 = tpu.memref_slice %arg9[%run_scoped3A_169, %dma_wait3A_262, %dma_wait3A_263] : memref<5x128x16xf32, #tpu.memory_space<vmem>> -> memref<1x128x16xf32, #tpu.memory_space<vmem>>
        %dma_wait3A_265 = tpu.memref_squeeze %dma_wait3A_264 : memref<1x128x16xf32, #tpu.memory_space<vmem>> -> memref<128x16xf32, #tpu.memory_space<vmem>>
        %dma_wait3A_266 = arith.constant 0 : i32
        %dma_wait3A_267 = tpu.memref_slice %arg8[%add3A_157, %dma_wait3A_266] : memref<79x128xi32, #tpu.memory_space<vmem>> -> memref<1x128xi32, #tpu.memory_space<vmem>>
        %dma_wait3A_268 = tpu.memref_squeeze %dma_wait3A_267 : memref<1x128xi32, #tpu.memory_space<vmem>> -> memref<128xi32, #tpu.memory_space<vmem>>
        %dma_wait3A_269 = arith.constant 0 : i32
        %dma_wait3A_270 = arith.constant 0 : i32
        %dma_wait3A_271 = tpu.memref_slice %arg10[%dma_wait3A_269, %dma_wait3A_270] : memref<10240x16xf32, #tpu.memory_space<vmem_shared>> -> memref<10240x16xf32, #tpu.memory_space<vmem_shared>>
        tpu.wait_indirect_dma semaphore(%run_scoped3A_251 : memref<!tpu.dma_semaphore, #tpu.memory_space<semaphore_mem>>) src(%dma_wait3A_265 : memref<128x16xf32, #tpu.memory_space<vmem>>) dst(%dma_wait3A_271 : memref<10240x16xf32, #tpu.memory_space<vmem_shared>>)
        tpu.yield
      }) : () -> ()
      %add3A_170 = arith.constant 6 : i32
      %add3A_171 = arith.addi %add3A_117, %add3A_170 : i32
      %dma_start3A_172 = arith.constant 1 : i32
      %dma_start3A_173 = arith.constant 0 : i32
      %dma_start3A_174 = arith.constant 0 : i32
      %dma_start3A_175 = tpu.memref_slice %arg9[%dma_start3A_172, %dma_start3A_173, %dma_start3A_174] : memref<5x128x16xf32, #tpu.memory_space<vmem>> -> memref<1x128x16xf32, #tpu.memory_space<vmem>>
      %dma_start3A_176 = tpu.memref_squeeze %dma_start3A_175 : memref<1x128x16xf32, #tpu.memory_space<vmem>> -> memref<128x16xf32, #tpu.memory_space<vmem>>
      %dma_start3A_177 = arith.constant 0 : i32
      %dma_start3A_178 = tpu.memref_slice %arg7[%add3A_171, %dma_start3A_177] : memref<79x128xi32, #tpu.memory_space<vmem>> -> memref<1x128xi32, #tpu.memory_space<vmem>>
      %dma_start3A_179 = tpu.memref_squeeze %dma_start3A_178 : memref<1x128xi32, #tpu.memory_space<vmem>> -> memref<128xi32, #tpu.memory_space<vmem>>
      %dma_start3A_180 = arith.constant 0 : i32
      %dma_start3A_181 = arith.constant 0 : i32
      %dma_start3A_182 = tpu.memref_slice %arg2[%dma_start3A_180, %dma_start3A_181] : memref<10000x16xf32, #tpu.memory_space<hbm>> -> memref<10000x16xf32, #tpu.memory_space<hbm>>
      tpu.enqueue_indirect_dma source(%dma_start3A_182 : memref<10000x16xf32, #tpu.memory_space<hbm>>) target(%dma_start3A_176 : memref<128x16xf32, #tpu.memory_space<vmem>>) offsets(%dma_start3A_179 : memref<128xi32, #tpu.memory_space<vmem>>) semaphore(%arg12 : memref<!tpu.dma_semaphore, #tpu.memory_space<semaphore_mem>>)
      %add3A_183 = arith.constant 2 : i32
      %add3A_184 = arith.addi %add3A_117, %add3A_183 : i32
      %dma_wait3A_185 = arith.constant 2 : i32
      %dma_wait3A_186 = arith.constant 0 : i32
      %dma_wait3A_187 = arith.constant 0 : i32
      %dma_wait3A_188 = tpu.memref_slice %arg9[%dma_wait3A_185, %dma_wait3A_186, %dma_wait3A_187] : memref<5x128x16xf32, #tpu.memory_space<vmem>> -> memref<1x128x16xf32, #tpu.memory_space<vmem>>
      %dma_wait3A_189 = tpu.memref_squeeze %dma_wait3A_188 : memref<1x128x16xf32, #tpu.memory_space<vmem>> -> memref<128x16xf32, #tpu.memory_space<vmem>>
      %dma_wait3A_190 = arith.constant 0 : i32
      %dma_wait3A_191 = tpu.memref_slice %arg7[%add3A_184, %dma_wait3A_190] : memref<79x128xi32, #tpu.memory_space<vmem>> -> memref<1x128xi32, #tpu.memory_space<vmem>>
      %dma_wait3A_192 = tpu.memref_squeeze %dma_wait3A_191 : memref<1x128xi32, #tpu.memory_space<vmem>> -> memref<128xi32, #tpu.memory_space<vmem>>
      %dma_wait3A_193 = arith.constant 0 : i32
      %dma_wait3A_194 = arith.constant 0 : i32
      %dma_wait3A_195 = tpu.memref_slice %arg2[%dma_wait3A_193, %dma_wait3A_194] : memref<10000x16xf32, #tpu.memory_space<hbm>> -> memref<10000x16xf32, #tpu.memory_space<hbm>>
      tpu.wait_indirect_dma semaphore(%arg13 : memref<!tpu.dma_semaphore, #tpu.memory_space<semaphore_mem>>) src(%dma_wait3A_195 : memref<10000x16xf32, #tpu.memory_space<hbm>>) dst(%dma_wait3A_189 : memref<128x16xf32, #tpu.memory_space<vmem>>)
      %run_scoped3A_196 = arith.constant 2 : i32
      "tpu.region"() ({
        %run_scoped3A_251 = tpu.sem_alloc : memref<!tpu.dma_semaphore, #tpu.memory_space<semaphore_mem>>
        %dma_start3A_252 = arith.constant 0 : i32
        %dma_start3A_253 = arith.constant 0 : i32
        %dma_start3A_254 = tpu.memref_slice %arg9[%run_scoped3A_196, %dma_start3A_252, %dma_start3A_253] : memref<5x128x16xf32, #tpu.memory_space<vmem>> -> memref<1x128x16xf32, #tpu.memory_space<vmem>>
        %dma_start3A_255 = tpu.memref_squeeze %dma_start3A_254 : memref<1x128x16xf32, #tpu.memory_space<vmem>> -> memref<128x16xf32, #tpu.memory_space<vmem>>
        %dma_start3A_256 = arith.constant 0 : i32
        %dma_start3A_257 = tpu.memref_slice %arg8[%add3A_184, %dma_start3A_256] : memref<79x128xi32, #tpu.memory_space<vmem>> -> memref<1x128xi32, #tpu.memory_space<vmem>>
        %dma_start3A_258 = tpu.memref_squeeze %dma_start3A_257 : memref<1x128xi32, #tpu.memory_space<vmem>> -> memref<128xi32, #tpu.memory_space<vmem>>
        %dma_start3A_259 = arith.constant 0 : i32
        %dma_start3A_260 = arith.constant 0 : i32
        %dma_start3A_261 = tpu.memref_slice %arg10[%dma_start3A_259, %dma_start3A_260] : memref<10240x16xf32, #tpu.memory_space<vmem_shared>> -> memref<10240x16xf32, #tpu.memory_space<vmem_shared>>
        tpu.enqueue_indirect_dma source(%dma_start3A_255 : memref<128x16xf32, #tpu.memory_space<vmem>>) target(%dma_start3A_261 : memref<10240x16xf32, #tpu.memory_space<vmem_shared>>) offsets(%dma_start3A_258 : memref<128xi32, #tpu.memory_space<vmem>>) semaphore(%run_scoped3A_251 : memref<!tpu.dma_semaphore, #tpu.memory_space<semaphore_mem>>) {add = true}
        %dma_wait3A_262 = arith.constant 0 : i32
        %dma_wait3A_263 = arith.constant 0 : i32
        %dma_wait3A_264 = tpu.memref_slice %arg9[%run_scoped3A_196, %dma_wait3A_262, %dma_wait3A_263] : memref<5x128x16xf32, #tpu.memory_space<vmem>> -> memref<1x128x16xf32, #tpu.memory_space<vmem>>
        %dma_wait3A_265 = tpu.memref_squeeze %dma_wait3A_264 : memref<1x128x16xf32, #tpu.memory_space<vmem>> -> memref<128x16xf32, #tpu.memory_space<vmem>>
        %dma_wait3A_266 = arith.constant 0 : i32
        %dma_wait3A_267 = tpu.memref_slice %arg8[%add3A_184, %dma_wait3A_266] : memref<79x128xi32, #tpu.memory_space<vmem>> -> memref<1x128xi32, #tpu.memory_space<vmem>>
        %dma_wait3A_268 = tpu.memref_squeeze %dma_wait3A_267 : memref<1x128xi32, #tpu.memory_space<vmem>> -> memref<128xi32, #tpu.memory_space<vmem>>
        %dma_wait3A_269 = arith.constant 0 : i32
        %dma_wait3A_270 = arith.constant 0 : i32
        %dma_wait3A_271 = tpu.memref_slice %arg10[%dma_wait3A_269, %dma_wait3A_270] : memref<10240x16xf32, #tpu.memory_space<vmem_shared>> -> memref<10240x16xf32, #tpu.memory_space<vmem_shared>>
        tpu.wait_indirect_dma semaphore(%run_scoped3A_251 : memref<!tpu.dma_semaphore, #tpu.memory_space<semaphore_mem>>) src(%dma_wait3A_265 : memref<128x16xf32, #tpu.memory_space<vmem>>) dst(%dma_wait3A_271 : memref<10240x16xf32, #tpu.memory_space<vmem_shared>>)
        tpu.yield
      }) : () -> ()
      %add3A_197 = arith.constant 7 : i32
      %add3A_198 = arith.addi %add3A_117, %add3A_197 : i32
      %dma_start3A_199 = arith.constant 2 : i32
      %dma_start3A_200 = arith.constant 0 : i32
      %dma_start3A_201 = arith.constant 0 : i32
      %dma_start3A_202 = tpu.memref_slice %arg9[%dma_start3A_199, %dma_start3A_200, %dma_start3A_201] : memref<5x128x16xf32, #tpu.memory_space<vmem>> -> memref<1x128x16xf32, #tpu.memory_space<vmem>>
      %dma_start3A_203 = tpu.memref_squeeze %dma_start3A_202 : memref<1x128x16xf32, #tpu.memory_space<vmem>> -> memref<128x16xf32, #tpu.memory_space<vmem>>
      %dma_start3A_204 = arith.constant 0 : i32
      %dma_start3A_205 = tpu.memref_slice %arg7[%add3A_198, %dma_start3A_204] : memref<79x128xi32, #tpu.memory_space<vmem>> -> memref<1x128xi32, #tpu.memory_space<vmem>>
      %dma_start3A_206 = tpu.memref_squeeze %dma_start3A_205 : memref<1x128xi32, #tpu.memory_space<vmem>> -> memref<128xi32, #tpu.memory_space<vmem>>
      %dma_start3A_207 = arith.constant 0 : i32
      %dma_start3A_208 = arith.constant 0 : i32
      %dma_start3A_209 = tpu.memref_slice %arg2[%dma_start3A_207, %dma_start3A_208] : memref<10000x16xf32, #tpu.memory_space<hbm>> -> memref<10000x16xf32, #tpu.memory_space<hbm>>
      tpu.enqueue_indirect_dma source(%dma_start3A_209 : memref<10000x16xf32, #tpu.memory_space<hbm>>) target(%dma_start3A_203 : memref<128x16xf32, #tpu.memory_space<vmem>>) offsets(%dma_start3A_206 : memref<128xi32, #tpu.memory_space<vmem>>) semaphore(%arg13 : memref<!tpu.dma_semaphore, #tpu.memory_space<semaphore_mem>>)
      %add3A_210 = arith.constant 3 : i32
      %add3A_211 = arith.addi %add3A_117, %add3A_210 : i32
      %dma_wait3A_212 = arith.constant 3 : i32
      %dma_wait3A_213 = arith.constant 0 : i32
      %dma_wait3A_214 = arith.constant 0 : i32
      %dma_wait3A_215 = tpu.memref_slice %arg9[%dma_wait3A_212, %dma_wait3A_213, %dma_wait3A_214] : memref<5x128x16xf32, #tpu.memory_space<vmem>> -> memref<1x128x16xf32, #tpu.memory_space<vmem>>
      %dma_wait3A_216 = tpu.memref_squeeze %dma_wait3A_215 : memref<1x128x16xf32, #tpu.memory_space<vmem>> -> memref<128x16xf32, #tpu.memory_space<vmem>>
      %dma_wait3A_217 = arith.constant 0 : i32
      %dma_wait3A_218 = tpu.memref_slice %arg7[%add3A_211, %dma_wait3A_217] : memref<79x128xi32, #tpu.memory_space<vmem>> -> memref<1x128xi32, #tpu.memory_space<vmem>>
      %dma_wait3A_219 = tpu.memref_squeeze %dma_wait3A_218 : memref<1x128xi32, #tpu.memory_space<vmem>> -> memref<128xi32, #tpu.memory_space<vmem>>
      %dma_wait3A_220 = arith.constant 0 : i32
      %dma_wait3A_221 = arith.constant 0 : i32
      %dma_wait3A_222 = tpu.memref_slice %arg2[%dma_wait3A_220, %dma_wait3A_221] : memref<10000x16xf32, #tpu.memory_space<hbm>> -> memref<10000x16xf32, #tpu.memory_space<hbm>>
      tpu.wait_indirect_dma semaphore(%arg14 : memref<!tpu.dma_semaphore, #tpu.memory_space<semaphore_mem>>) src(%dma_wait3A_222 : memref<10000x16xf32, #tpu.memory_space<hbm>>) dst(%dma_wait3A_216 : memref<128x16xf32, #tpu.memory_space<vmem>>)
      %run_scoped3A_223 = arith.constant 3 : i32
      "tpu.region"() ({
        %run_scoped3A_251 = tpu.sem_alloc : memref<!tpu.dma_semaphore, #tpu.memory_space<semaphore_mem>>
        %dma_start3A_252 = arith.constant 0 : i32
        %dma_start3A_253 = arith.constant 0 : i32
        %dma_start3A_254 = tpu.memref_slice %arg9[%run_scoped3A_223, %dma_start3A_252, %dma_start3A_253] : memref<5x128x16xf32, #tpu.memory_space<vmem>> -> memref<1x128x16xf32, #tpu.memory_space<vmem>>
        %dma_start3A_255 = tpu.memref_squeeze %dma_start3A_254 : memref<1x128x16xf32, #tpu.memory_space<vmem>> -> memref<128x16xf32, #tpu.memory_space<vmem>>
        %dma_start3A_256 = arith.constant 0 : i32
        %dma_start3A_257 = tpu.memref_slice %arg8[%add3A_211, %dma_start3A_256] : memref<79x128xi32, #tpu.memory_space<vmem>> -> memref<1x128xi32, #tpu.memory_space<vmem>>
        %dma_start3A_258 = tpu.memref_squeeze %dma_start3A_257 : memref<1x128xi32, #tpu.memory_space<vmem>> -> memref<128xi32, #tpu.memory_space<vmem>>
        %dma_start3A_259 = arith.constant 0 : i32
        %dma_start3A_260 = arith.constant 0 : i32
        %dma_start3A_261 = tpu.memref_slice %arg10[%dma_start3A_259, %dma_start3A_260] : memref<10240x16xf32, #tpu.memory_space<vmem_shared>> -> memref<10240x16xf32, #tpu.memory_space<vmem_shared>>
        tpu.enqueue_indirect_dma source(%dma_start3A_255 : memref<128x16xf32, #tpu.memory_space<vmem>>) target(%dma_start3A_261 : memref<10240x16xf32, #tpu.memory_space<vmem_shared>>) offsets(%dma_start3A_258 : memref<128xi32, #tpu.memory_space<vmem>>) semaphore(%run_scoped3A_251 : memref<!tpu.dma_semaphore, #tpu.memory_space<semaphore_mem>>) {add = true}
        %dma_wait3A_262 = arith.constant 0 : i32
        %dma_wait3A_263 = arith.constant 0 : i32
        %dma_wait3A_264 = tpu.memref_slice %arg9[%run_scoped3A_223, %dma_wait3A_262, %dma_wait3A_263] : memref<5x128x16xf32, #tpu.memory_space<vmem>> -> memref<1x128x16xf32, #tpu.memory_space<vmem>>
        %dma_wait3A_265 = tpu.memref_squeeze %dma_wait3A_264 : memref<1x128x16xf32, #tpu.memory_space<vmem>> -> memref<128x16xf32, #tpu.memory_space<vmem>>
        %dma_wait3A_266 = arith.constant 0 : i32
        %dma_wait3A_267 = tpu.memref_slice %arg8[%add3A_211, %dma_wait3A_266] : memref<79x128xi32, #tpu.memory_space<vmem>> -> memref<1x128xi32, #tpu.memory_space<vmem>>
        %dma_wait3A_268 = tpu.memref_squeeze %dma_wait3A_267 : memref<1x128xi32, #tpu.memory_space<vmem>> -> memref<128xi32, #tpu.memory_space<vmem>>
        %dma_wait3A_269 = arith.constant 0 : i32
        %dma_wait3A_270 = arith.constant 0 : i32
        %dma_wait3A_271 = tpu.memref_slice %arg10[%dma_wait3A_269, %dma_wait3A_270] : memref<10240x16xf32, #tpu.memory_space<vmem_shared>> -> memref<10240x16xf32, #tpu.memory_space<vmem_shared>>
        tpu.wait_indirect_dma semaphore(%run_scoped3A_251 : memref<!tpu.dma_semaphore, #tpu.memory_space<semaphore_mem>>) src(%dma_wait3A_265 : memref<128x16xf32, #tpu.memory_space<vmem>>) dst(%dma_wait3A_271 : memref<10240x16xf32, #tpu.memory_space<vmem_shared>>)
        tpu.yield
      }) : () -> ()
      %add3A_224 = arith.constant 8 : i32
      %add3A_225 = arith.addi %add3A_117, %add3A_224 : i32
      %dma_start3A_226 = arith.constant 3 : i32
      %dma_start3A_227 = arith.constant 0 : i32
      %dma_start3A_228 = arith.constant 0 : i32
      %dma_start3A_229 = tpu.memref_slice %arg9[%dma_start3A_226, %dma_start3A_227, %dma_start3A_228] : memref<5x128x16xf32, #tpu.memory_space<vmem>> -> memref<1x128x16xf32, #tpu.memory_space<vmem>>
      %dma_start3A_230 = tpu.memref_squeeze %dma_start3A_229 : memref<1x128x16xf32, #tpu.memory_space<vmem>> -> memref<128x16xf32, #tpu.memory_space<vmem>>
      %dma_start3A_231 = arith.constant 0 : i32
      %dma_start3A_232 = tpu.memref_slice %arg7[%add3A_225, %dma_start3A_231] : memref<79x128xi32, #tpu.memory_space<vmem>> -> memref<1x128xi32, #tpu.memory_space<vmem>>
      %dma_start3A_233 = tpu.memref_squeeze %dma_start3A_232 : memref<1x128xi32, #tpu.memory_space<vmem>> -> memref<128xi32, #tpu.memory_space<vmem>>
      %dma_start3A_234 = arith.constant 0 : i32
      %dma_start3A_235 = arith.constant 0 : i32
      %dma_start3A_236 = tpu.memref_slice %arg2[%dma_start3A_234, %dma_start3A_235] : memref<10000x16xf32, #tpu.memory_space<hbm>> -> memref<10000x16xf32, #tpu.memory_space<hbm>>
      tpu.enqueue_indirect_dma source(%dma_start3A_236 : memref<10000x16xf32, #tpu.memory_space<hbm>>) target(%dma_start3A_230 : memref<128x16xf32, #tpu.memory_space<vmem>>) offsets(%dma_start3A_233 : memref<128xi32, #tpu.memory_space<vmem>>) semaphore(%arg14 : memref<!tpu.dma_semaphore, #tpu.memory_space<semaphore_mem>>)
      %add3A_237 = arith.constant 4 : i32
      %add3A_238 = arith.addi %add3A_117, %add3A_237 : i32
      %dma_wait3A_239 = arith.constant 4 : i32
      %dma_wait3A_240 = arith.constant 0 : i32
      %dma_wait3A_241 = arith.constant 0 : i32
      %dma_wait3A_242 = tpu.memref_slice %arg9[%dma_wait3A_239, %dma_wait3A_240, %dma_wait3A_241] : memref<5x128x16xf32, #tpu.memory_space<vmem>> -> memref<1x128x16xf32, #tpu.memory_space<vmem>>
      %dma_wait3A_243 = tpu.memref_squeeze %dma_wait3A_242 : memref<1x128x16xf32, #tpu.memory_space<vmem>> -> memref<128x16xf32, #tpu.memory_space<vmem>>
      %dma_wait3A_244 = arith.constant 0 : i32
      %dma_wait3A_245 = tpu.memref_slice %arg7[%add3A_238, %dma_wait3A_244] : memref<79x128xi32, #tpu.memory_space<vmem>> -> memref<1x128xi32, #tpu.memory_space<vmem>>
      %dma_wait3A_246 = tpu.memref_squeeze %dma_wait3A_245 : memref<1x128xi32, #tpu.memory_space<vmem>> -> memref<128xi32, #tpu.memory_space<vmem>>
      %dma_wait3A_247 = arith.constant 0 : i32
      %dma_wait3A_248 = arith.constant 0 : i32
      %dma_wait3A_249 = tpu.memref_slice %arg2[%dma_wait3A_247, %dma_wait3A_248] : memref<10000x16xf32, #tpu.memory_space<hbm>> -> memref<10000x16xf32, #tpu.memory_space<hbm>>
      tpu.wait_indirect_dma semaphore(%arg15 : memref<!tpu.dma_semaphore, #tpu.memory_space<semaphore_mem>>) src(%dma_wait3A_249 : memref<10000x16xf32, #tpu.memory_space<hbm>>) dst(%dma_wait3A_243 : memref<128x16xf32, #tpu.memory_space<vmem>>)
      %run_scoped3A_250 = arith.constant 4 : i32
      "tpu.region"() ({
        %run_scoped3A_251 = tpu.sem_alloc : memref<!tpu.dma_semaphore, #tpu.memory_space<semaphore_mem>>
        %dma_start3A_252 = arith.constant 0 : i32
        %dma_start3A_253 = arith.constant 0 : i32
        %dma_start3A_254 = tpu.memref_slice %arg9[%run_scoped3A_250, %dma_start3A_252, %dma_start3A_253] : memref<5x128x16xf32, #tpu.memory_space<vmem>> -> memref<1x128x16xf32, #tpu.memory_space<vmem>>
        %dma_start3A_255 = tpu.memref_squeeze %dma_start3A_254 : memref<1x128x16xf32, #tpu.memory_space<vmem>> -> memref<128x16xf32, #tpu.memory_space<vmem>>
        %dma_start3A_256 = arith.constant 0 : i32
        %dma_start3A_257 = tpu.memref_slice %arg8[%add3A_238, %dma_start3A_256] : memref<79x128xi32, #tpu.memory_space<vmem>> -> memref<1x128xi32, #tpu.memory_space<vmem>>
        %dma_start3A_258 = tpu.memref_squeeze %dma_start3A_257 : memref<1x128xi32, #tpu.memory_space<vmem>> -> memref<128xi32, #tpu.memory_space<vmem>>
        %dma_start3A_259 = arith.constant 0 : i32
        %dma_start3A_260 = arith.constant 0 : i32
        %dma_start3A_261 = tpu.memref_slice %arg10[%dma_start3A_259, %dma_start3A_260] : memref<10240x16xf32, #tpu.memory_space<vmem_shared>> -> memref<10240x16xf32, #tpu.memory_space<vmem_shared>>
        tpu.enqueue_indirect_dma source(%dma_start3A_255 : memref<128x16xf32, #tpu.memory_space<vmem>>) target(%dma_start3A_261 : memref<10240x16xf32, #tpu.memory_space<vmem_shared>>) offsets(%dma_start3A_258 : memref<128xi32, #tpu.memory_space<vmem>>) semaphore(%run_scoped3A_251 : memref<!tpu.dma_semaphore, #tpu.memory_space<semaphore_mem>>) {add = true}
        %dma_wait3A_262 = arith.constant 0 : i32
        %dma_wait3A_263 = arith.constant 0 : i32
        %dma_wait3A_264 = tpu.memref_slice %arg9[%run_scoped3A_250, %dma_wait3A_262, %dma_wait3A_263] : memref<5x128x16xf32, #tpu.memory_space<vmem>> -> memref<1x128x16xf32, #tpu.memory_space<vmem>>
        %dma_wait3A_265 = tpu.memref_squeeze %dma_wait3A_264 : memref<1x128x16xf32, #tpu.memory_space<vmem>> -> memref<128x16xf32, #tpu.memory_space<vmem>>
        %dma_wait3A_266 = arith.constant 0 : i32
        %dma_wait3A_267 = tpu.memref_slice %arg8[%add3A_238, %dma_wait3A_266] : memref<79x128xi32, #tpu.memory_space<vmem>> -> memref<1x128xi32, #tpu.memory_space<vmem>>
        %dma_wait3A_268 = tpu.memref_squeeze %dma_wait3A_267 : memref<1x128xi32, #tpu.memory_space<vmem>> -> memref<128xi32, #tpu.memory_space<vmem>>
        %dma_wait3A_269 = arith.constant 0 : i32
        %dma_wait3A_270 = arith.constant 0 : i32
        %dma_wait3A_271 = tpu.memref_slice %arg10[%dma_wait3A_269, %dma_wait3A_270] : memref<10240x16xf32, #tpu.memory_space<vmem_shared>> -> memref<10240x16xf32, #tpu.memory_space<vmem_shared>>
        tpu.wait_indirect_dma semaphore(%run_scoped3A_251 : memref<!tpu.dma_semaphore, #tpu.memory_space<semaphore_mem>>) src(%dma_wait3A_265 : memref<128x16xf32, #tpu.memory_space<vmem>>) dst(%dma_wait3A_271 : memref<10240x16xf32, #tpu.memory_space<vmem_shared>>)
        tpu.yield
      }) : () -> ()
    }
    %scan3A_53 = arith.constant 15 : i32
    %dma_wait3A = arith.constant 75 : i32
    %dma_wait3A_54 = arith.constant 0 : i32
    %dma_wait3A_55 = arith.constant 0 : i32
    %dma_wait3A_56 = arith.constant 0 : i32
    %dma_wait3A_57 = tpu.memref_slice %arg9[%dma_wait3A_54, %dma_wait3A_55, %dma_wait3A_56] : memref<5x128x16xf32, #tpu.memory_space<vmem>> -> memref<1x128x16xf32, #tpu.memory_space<vmem>>
    %dma_wait3A_58 = tpu.memref_squeeze %dma_wait3A_57 : memref<1x128x16xf32, #tpu.memory_space<vmem>> -> memref<128x16xf32, #tpu.memory_space<vmem>>
    %dma_wait3A_59 = arith.constant 0 : i32
    %dma_wait3A_60 = tpu.memref_slice %arg7[%dma_wait3A, %dma_wait3A_59] : memref<79x128xi32, #tpu.memory_space<vmem>> -> memref<1x128xi32, #tpu.memory_space<vmem>>
    %dma_wait3A_61 = tpu.memref_squeeze %dma_wait3A_60 : memref<1x128xi32, #tpu.memory_space<vmem>> -> memref<128xi32, #tpu.memory_space<vmem>>
    %dma_wait3A_62 = arith.constant 0 : i32
    %dma_wait3A_63 = arith.constant 0 : i32
    %dma_wait3A_64 = tpu.memref_slice %arg2[%dma_wait3A_62, %dma_wait3A_63] : memref<10000x16xf32, #tpu.memory_space<hbm>> -> memref<10000x16xf32, #tpu.memory_space<hbm>>
    tpu.wait_indirect_dma semaphore(%arg11 : memref<!tpu.dma_semaphore, #tpu.memory_space<semaphore_mem>>) src(%dma_wait3A_64 : memref<10000x16xf32, #tpu.memory_space<hbm>>) dst(%dma_wait3A_58 : memref<128x16xf32, #tpu.memory_space<vmem>>)
    %run_scoped3A = arith.constant 0 : i32
    %run_scoped3A_65 = arith.constant 75 : i32
    "tpu.region"() ({
      %run_scoped3A_113 = tpu.sem_alloc : memref<!tpu.dma_semaphore, #tpu.memory_space<semaphore_mem>>
      %dma_start3A_114 = arith.constant 0 : i32
      %dma_start3A_115 = arith.constant 0 : i32
      %dma_start3A_116 = tpu.memref_slice %arg9[%run_scoped3A, %dma_start3A_114, %dma_start3A_115] : memref<5x128x16xf32, #tpu.memory_space<vmem>> -> memref<1x128x16xf32, #tpu.memory_space<vmem>>
      %dma_start3A_117 = tpu.memref_squeeze %dma_start3A_116 : memref<1x128x16xf32, #tpu.memory_space<vmem>> -> memref<128x16xf32, #tpu.memory_space<vmem>>
      %dma_start3A_118 = arith.constant 0 : i32
      %dma_start3A_119 = tpu.memref_slice %arg8[%run_scoped3A_65, %dma_start3A_118] : memref<79x128xi32, #tpu.memory_space<vmem>> -> memref<1x128xi32, #tpu.memory_space<vmem>>
      %dma_start3A_120 = tpu.memref_squeeze %dma_start3A_119 : memref<1x128xi32, #tpu.memory_space<vmem>> -> memref<128xi32, #tpu.memory_space<vmem>>
      %dma_start3A_121 = arith.constant 0 : i32
      %dma_start3A_122 = arith.constant 0 : i32
      %dma_start3A_123 = tpu.memref_slice %arg10[%dma_start3A_121, %dma_start3A_122] : memref<10240x16xf32, #tpu.memory_space<vmem_shared>> -> memref<10240x16xf32, #tpu.memory_space<vmem_shared>>
      tpu.enqueue_indirect_dma source(%dma_start3A_117 : memref<128x16xf32, #tpu.memory_space<vmem>>) target(%dma_start3A_123 : memref<10240x16xf32, #tpu.memory_space<vmem_shared>>) offsets(%dma_start3A_120 : memref<128xi32, #tpu.memory_space<vmem>>) semaphore(%run_scoped3A_113 : memref<!tpu.dma_semaphore, #tpu.memory_space<semaphore_mem>>) {add = true}
      %dma_wait3A_124 = arith.constant 0 : i32
      %dma_wait3A_125 = arith.constant 0 : i32
      %dma_wait3A_126 = tpu.memref_slice %arg9[%run_scoped3A, %dma_wait3A_124, %dma_wait3A_125] : memref<5x128x16xf32, #tpu.memory_space<vmem>> -> memref<1x128x16xf32, #tpu.memory_space<vmem>>
      %dma_wait3A_127 = tpu.memref_squeeze %dma_wait3A_126 : memref<1x128x16xf32, #tpu.memory_space<vmem>> -> memref<128x16xf32, #tpu.memory_space<vmem>>
      %dma_wait3A_128 = arith.constant 0 : i32
      %dma_wait3A_129 = tpu.memref_slice %arg8[%run_scoped3A_65, %dma_wait3A_128] : memref<79x128xi32, #tpu.memory_space<vmem>> -> memref<1x128xi32, #tpu.memory_space<vmem>>
      %dma_wait3A_130 = tpu.memref_squeeze %dma_wait3A_129 : memref<1x128xi32, #tpu.memory_space<vmem>> -> memref<128xi32, #tpu.memory_space<vmem>>
      %dma_wait3A_131 = arith.constant 0 : i32
      %dma_wait3A_132 = arith.constant 0 : i32
      %dma_wait3A_133 = tpu.memref_slice %arg10[%dma_wait3A_131, %dma_wait3A_132] : memref<10240x16xf32, #tpu.memory_space<vmem_shared>> -> memref<10240x16xf32, #tpu.memory_space<vmem_shared>>
      tpu.wait_indirect_dma semaphore(%run_scoped3A_113 : memref<!tpu.dma_semaphore, #tpu.memory_space<semaphore_mem>>) src(%dma_wait3A_127 : memref<128x16xf32, #tpu.memory_space<vmem>>) dst(%dma_wait3A_133 : memref<10240x16xf32, #tpu.memory_space<vmem_shared>>)
      tpu.yield
    }) : () -> ()
    %dma_wait3A_66 = arith.constant 76 : i32
    %dma_wait3A_67 = arith.constant 1 : i32
    %dma_wait3A_68 = arith.constant 0 : i32
    %dma_wait3A_69 = arith.constant 0 : i32
    %dma_wait3A_70 = tpu.memref_slice %arg9[%dma_wait3A_67, %dma_wait3A_68, %dma_wait3A_69] : memref<5x128x16xf32, #tpu.memory_space<vmem>> -> memref<1x128x16xf32, #tpu.memory_space<vmem>>
    %dma_wait3A_71 = tpu.memref_squeeze %dma_wait3A_70 : memref<1x128x16xf32, #tpu.memory_space<vmem>> -> memref<128x16xf32, #tpu.memory_space<vmem>>
    %dma_wait3A_72 = arith.constant 0 : i32
    %dma_wait3A_73 = tpu.memref_slice %arg7[%dma_wait3A_66, %dma_wait3A_72] : memref<79x128xi32, #tpu.memory_space<vmem>> -> memref<1x128xi32, #tpu.memory_space<vmem>>
    %dma_wait3A_74 = tpu.memref_squeeze %dma_wait3A_73 : memref<1x128xi32, #tpu.memory_space<vmem>> -> memref<128xi32, #tpu.memory_space<vmem>>
    %dma_wait3A_75 = arith.constant 0 : i32
    %dma_wait3A_76 = arith.constant 0 : i32
    %dma_wait3A_77 = tpu.memref_slice %arg2[%dma_wait3A_75, %dma_wait3A_76] : memref<10000x16xf32, #tpu.memory_space<hbm>> -> memref<10000x16xf32, #tpu.memory_space<hbm>>
    tpu.wait_indirect_dma semaphore(%arg12 : memref<!tpu.dma_semaphore, #tpu.memory_space<semaphore_mem>>) src(%dma_wait3A_77 : memref<10000x16xf32, #tpu.memory_space<hbm>>) dst(%dma_wait3A_71 : memref<128x16xf32, #tpu.memory_space<vmem>>)
    %run_scoped3A_78 = arith.constant 1 : i32
    %run_scoped3A_79 = arith.constant 76 : i32
    "tpu.region"() ({
      %run_scoped3A_113 = tpu.sem_alloc : memref<!tpu.dma_semaphore, #tpu.memory_space<semaphore_mem>>
      %dma_start3A_114 = arith.constant 0 : i32
      %dma_start3A_115 = arith.constant 0 : i32
      %dma_start3A_116 = tpu.memref_slice %arg9[%run_scoped3A_78, %dma_start3A_114, %dma_start3A_115] : memref<5x128x16xf32, #tpu.memory_space<vmem>> -> memref<1x128x16xf32, #tpu.memory_space<vmem>>
      %dma_start3A_117 = tpu.memref_squeeze %dma_start3A_116 : memref<1x128x16xf32, #tpu.memory_space<vmem>> -> memref<128x16xf32, #tpu.memory_space<vmem>>
      %dma_start3A_118 = arith.constant 0 : i32
      %dma_start3A_119 = tpu.memref_slice %arg8[%run_scoped3A_79, %dma_start3A_118] : memref<79x128xi32, #tpu.memory_space<vmem>> -> memref<1x128xi32, #tpu.memory_space<vmem>>
      %dma_start3A_120 = tpu.memref_squeeze %dma_start3A_119 : memref<1x128xi32, #tpu.memory_space<vmem>> -> memref<128xi32, #tpu.memory_space<vmem>>
      %dma_start3A_121 = arith.constant 0 : i32
      %dma_start3A_122 = arith.constant 0 : i32
      %dma_start3A_123 = tpu.memref_slice %arg10[%dma_start3A_121, %dma_start3A_122] : memref<10240x16xf32, #tpu.memory_space<vmem_shared>> -> memref<10240x16xf32, #tpu.memory_space<vmem_shared>>
      tpu.enqueue_indirect_dma source(%dma_start3A_117 : memref<128x16xf32, #tpu.memory_space<vmem>>) target(%dma_start3A_123 : memref<10240x16xf32, #tpu.memory_space<vmem_shared>>) offsets(%dma_start3A_120 : memref<128xi32, #tpu.memory_space<vmem>>) semaphore(%run_scoped3A_113 : memref<!tpu.dma_semaphore, #tpu.memory_space<semaphore_mem>>) {add = true}
      %dma_wait3A_124 = arith.constant 0 : i32
      %dma_wait3A_125 = arith.constant 0 : i32
      %dma_wait3A_126 = tpu.memref_slice %arg9[%run_scoped3A_78, %dma_wait3A_124, %dma_wait3A_125] : memref<5x128x16xf32, #tpu.memory_space<vmem>> -> memref<1x128x16xf32, #tpu.memory_space<vmem>>
      %dma_wait3A_127 = tpu.memref_squeeze %dma_wait3A_126 : memref<1x128x16xf32, #tpu.memory_space<vmem>> -> memref<128x16xf32, #tpu.memory_space<vmem>>
      %dma_wait3A_128 = arith.constant 0 : i32
      %dma_wait3A_129 = tpu.memref_slice %arg8[%run_scoped3A_79, %dma_wait3A_128] : memref<79x128xi32, #tpu.memory_space<vmem>> -> memref<1x128xi32, #tpu.memory_space<vmem>>
      %dma_wait3A_130 = tpu.memref_squeeze %dma_wait3A_129 : memref<1x128xi32, #tpu.memory_space<vmem>> -> memref<128xi32, #tpu.memory_space<vmem>>
      %dma_wait3A_131 = arith.constant 0 : i32
      %dma_wait3A_132 = arith.constant 0 : i32
      %dma_wait3A_133 = tpu.memref_slice %arg10[%dma_wait3A_131, %dma_wait3A_132] : memref<10240x16xf32, #tpu.memory_space<vmem_shared>> -> memref<10240x16xf32, #tpu.memory_space<vmem_shared>>
      tpu.wait_indirect_dma semaphore(%run_scoped3A_113 : memref<!tpu.dma_semaphore, #tpu.memory_space<semaphore_mem>>) src(%dma_wait3A_127 : memref<128x16xf32, #tpu.memory_space<vmem>>) dst(%dma_wait3A_133 : memref<10240x16xf32, #tpu.memory_space<vmem_shared>>)
      tpu.yield
    }) : () -> ()
    %dma_wait3A_80 = arith.constant 77 : i32
    %dma_wait3A_81 = arith.constant 2 : i32
    %dma_wait3A_82 = arith.constant 0 : i32
    %dma_wait3A_83 = arith.constant 0 : i32
    %dma_wait3A_84 = tpu.memref_slice %arg9[%dma_wait3A_81, %dma_wait3A_82, %dma_wait3A_83] : memref<5x128x16xf32, #tpu.memory_space<vmem>> -> memref<1x128x16xf32, #tpu.memory_space<vmem>>
    %dma_wait3A_85 = tpu.memref_squeeze %dma_wait3A_84 : memref<1x128x16xf32, #tpu.memory_space<vmem>> -> memref<128x16xf32, #tpu.memory_space<vmem>>
    %dma_wait3A_86 = arith.constant 0 : i32
    %dma_wait3A_87 = tpu.memref_slice %arg7[%dma_wait3A_80, %dma_wait3A_86] : memref<79x128xi32, #tpu.memory_space<vmem>> -> memref<1x128xi32, #tpu.memory_space<vmem>>
    %dma_wait3A_88 = tpu.memref_squeeze %dma_wait3A_87 : memref<1x128xi32, #tpu.memory_space<vmem>> -> memref<128xi32, #tpu.memory_space<vmem>>
    %dma_wait3A_89 = arith.constant 0 : i32
    %dma_wait3A_90 = arith.constant 0 : i32
    %dma_wait3A_91 = tpu.memref_slice %arg2[%dma_wait3A_89, %dma_wait3A_90] : memref<10000x16xf32, #tpu.memory_space<hbm>> -> memref<10000x16xf32, #tpu.memory_space<hbm>>
    tpu.wait_indirect_dma semaphore(%arg13 : memref<!tpu.dma_semaphore, #tpu.memory_space<semaphore_mem>>) src(%dma_wait3A_91 : memref<10000x16xf32, #tpu.memory_space<hbm>>) dst(%dma_wait3A_85 : memref<128x16xf32, #tpu.memory_space<vmem>>)
    %run_scoped3A_92 = arith.constant 2 : i32
    %run_scoped3A_93 = arith.constant 77 : i32
    "tpu.region"() ({
      %run_scoped3A_113 = tpu.sem_alloc : memref<!tpu.dma_semaphore, #tpu.memory_space<semaphore_mem>>
      %dma_start3A_114 = arith.constant 0 : i32
      %dma_start3A_115 = arith.constant 0 : i32
      %dma_start3A_116 = tpu.memref_slice %arg9[%run_scoped3A_92, %dma_start3A_114, %dma_start3A_115] : memref<5x128x16xf32, #tpu.memory_space<vmem>> -> memref<1x128x16xf32, #tpu.memory_space<vmem>>
      %dma_start3A_117 = tpu.memref_squeeze %dma_start3A_116 : memref<1x128x16xf32, #tpu.memory_space<vmem>> -> memref<128x16xf32, #tpu.memory_space<vmem>>
      %dma_start3A_118 = arith.constant 0 : i32
      %dma_start3A_119 = tpu.memref_slice %arg8[%run_scoped3A_93, %dma_start3A_118] : memref<79x128xi32, #tpu.memory_space<vmem>> -> memref<1x128xi32, #tpu.memory_space<vmem>>
      %dma_start3A_120 = tpu.memref_squeeze %dma_start3A_119 : memref<1x128xi32, #tpu.memory_space<vmem>> -> memref<128xi32, #tpu.memory_space<vmem>>
      %dma_start3A_121 = arith.constant 0 : i32
      %dma_start3A_122 = arith.constant 0 : i32
      %dma_start3A_123 = tpu.memref_slice %arg10[%dma_start3A_121, %dma_start3A_122] : memref<10240x16xf32, #tpu.memory_space<vmem_shared>> -> memref<10240x16xf32, #tpu.memory_space<vmem_shared>>
      tpu.enqueue_indirect_dma source(%dma_start3A_117 : memref<128x16xf32, #tpu.memory_space<vmem>>) target(%dma_start3A_123 : memref<10240x16xf32, #tpu.memory_space<vmem_shared>>) offsets(%dma_start3A_120 : memref<128xi32, #tpu.memory_space<vmem>>) semaphore(%run_scoped3A_113 : memref<!tpu.dma_semaphore, #tpu.memory_space<semaphore_mem>>) {add = true}
      %dma_wait3A_124 = arith.constant 0 : i32
      %dma_wait3A_125 = arith.constant 0 : i32
      %dma_wait3A_126 = tpu.memref_slice %arg9[%run_scoped3A_92, %dma_wait3A_124, %dma_wait3A_125] : memref<5x128x16xf32, #tpu.memory_space<vmem>> -> memref<1x128x16xf32, #tpu.memory_space<vmem>>
      %dma_wait3A_127 = tpu.memref_squeeze %dma_wait3A_126 : memref<1x128x16xf32, #tpu.memory_space<vmem>> -> memref<128x16xf32, #tpu.memory_space<vmem>>
      %dma_wait3A_128 = arith.constant 0 : i32
      %dma_wait3A_129 = tpu.memref_slice %arg8[%run_scoped3A_93, %dma_wait3A_128] : memref<79x128xi32, #tpu.memory_space<vmem>> -> memref<1x128xi32, #tpu.memory_space<vmem>>
      %dma_wait3A_130 = tpu.memref_squeeze %dma_wait3A_129 : memref<1x128xi32, #tpu.memory_space<vmem>> -> memref<128xi32, #tpu.memory_space<vmem>>
      %dma_wait3A_131 = arith.constant 0 : i32
      %dma_wait3A_132 = arith.constant 0 : i32
      %dma_wait3A_133 = tpu.memref_slice %arg10[%dma_wait3A_131, %dma_wait3A_132] : memref<10240x16xf32, #tpu.memory_space<vmem_shared>> -> memref<10240x16xf32, #tpu.memory_space<vmem_shared>>
      tpu.wait_indirect_dma semaphore(%run_scoped3A_113 : memref<!tpu.dma_semaphore, #tpu.memory_space<semaphore_mem>>) src(%dma_wait3A_127 : memref<128x16xf32, #tpu.memory_space<vmem>>) dst(%dma_wait3A_133 : memref<10240x16xf32, #tpu.memory_space<vmem_shared>>)
      tpu.yield
    }) : () -> ()
    %dma_wait3A_94 = arith.constant 78 : i32
    %dma_wait3A_95 = arith.constant 3 : i32
    %dma_wait3A_96 = arith.constant 0 : i32
    %dma_wait3A_97 = arith.constant 0 : i32
    %dma_wait3A_98 = tpu.memref_slice %arg9[%dma_wait3A_95, %dma_wait3A_96, %dma_wait3A_97] : memref<5x128x16xf32, #tpu.memory_space<vmem>> -> memref<1x128x16xf32, #tpu.memory_space<vmem>>
    %dma_wait3A_99 = tpu.memref_squeeze %dma_wait3A_98 : memref<1x128x16xf32, #tpu.memory_space<vmem>> -> memref<128x16xf32, #tpu.memory_space<vmem>>
    %dma_wait3A_100 = arith.constant 0 : i32
    %dma_wait3A_101 = tpu.memref_slice %arg7[%dma_wait3A_94, %dma_wait3A_100] : memref<79x128xi32, #tpu.memory_space<vmem>> -> memref<1x128xi32, #tpu.memory_space<vmem>>
    %dma_wait3A_102 = tpu.memref_squeeze %dma_wait3A_101 : memref<1x128xi32, #tpu.memory_space<vmem>> -> memref<128xi32, #tpu.memory_space<vmem>>
    %dma_wait3A_103 = arith.constant 0 : i32
    %dma_wait3A_104 = arith.constant 0 : i32
    %dma_wait3A_105 = tpu.memref_slice %arg2[%dma_wait3A_103, %dma_wait3A_104] : memref<10000x16xf32, #tpu.memory_space<hbm>> -> memref<10000x16xf32, #tpu.memory_space<hbm>>
    tpu.wait_indirect_dma semaphore(%arg14 : memref<!tpu.dma_semaphore, #tpu.memory_space<semaphore_mem>>) src(%dma_wait3A_105 : memref<10000x16xf32, #tpu.memory_space<hbm>>) dst(%dma_wait3A_99 : memref<128x16xf32, #tpu.memory_space<vmem>>)
    %run_scoped3A_106 = arith.constant 3 : i32
    %run_scoped3A_107 = arith.constant 78 : i32
    "tpu.region"() ({
      %run_scoped3A_113 = tpu.sem_alloc : memref<!tpu.dma_semaphore, #tpu.memory_space<semaphore_mem>>
      %dma_start3A_114 = arith.constant 0 : i32
      %dma_start3A_115 = arith.constant 0 : i32
      %dma_start3A_116 = tpu.memref_slice %arg9[%run_scoped3A_106, %dma_start3A_114, %dma_start3A_115] : memref<5x128x16xf32, #tpu.memory_space<vmem>> -> memref<1x128x16xf32, #tpu.memory_space<vmem>>
      %dma_start3A_117 = tpu.memref_squeeze %dma_start3A_116 : memref<1x128x16xf32, #tpu.memory_space<vmem>> -> memref<128x16xf32, #tpu.memory_space<vmem>>
      %dma_start3A_118 = arith.constant 0 : i32
      %dma_start3A_119 = tpu.memref_slice %arg8[%run_scoped3A_107, %dma_start3A_118] : memref<79x128xi32, #tpu.memory_space<vmem>> -> memref<1x128xi32, #tpu.memory_space<vmem>>
      %dma_start3A_120 = tpu.memref_squeeze %dma_start3A_119 : memref<1x128xi32, #tpu.memory_space<vmem>> -> memref<128xi32, #tpu.memory_space<vmem>>
      %dma_start3A_121 = arith.constant 0 : i32
      %dma_start3A_122 = arith.constant 0 : i32
      %dma_start3A_123 = tpu.memref_slice %arg10[%dma_start3A_121, %dma_start3A_122] : memref<10240x16xf32, #tpu.memory_space<vmem_shared>> -> memref<10240x16xf32, #tpu.memory_space<vmem_shared>>
      tpu.enqueue_indirect_dma source(%dma_start3A_117 : memref<128x16xf32, #tpu.memory_space<vmem>>) target(%dma_start3A_123 : memref<10240x16xf32, #tpu.memory_space<vmem_shared>>) offsets(%dma_start3A_120 : memref<128xi32, #tpu.memory_space<vmem>>) semaphore(%run_scoped3A_113 : memref<!tpu.dma_semaphore, #tpu.memory_space<semaphore_mem>>) {add = true}
      %dma_wait3A_124 = arith.constant 0 : i32
      %dma_wait3A_125 = arith.constant 0 : i32
      %dma_wait3A_126 = tpu.memref_slice %arg9[%run_scoped3A_106, %dma_wait3A_124, %dma_wait3A_125] : memref<5x128x16xf32, #tpu.memory_space<vmem>> -> memref<1x128x16xf32, #tpu.memory_space<vmem>>
      %dma_wait3A_127 = tpu.memref_squeeze %dma_wait3A_126 : memref<1x128x16xf32, #tpu.memory_space<vmem>> -> memref<128x16xf32, #tpu.memory_space<vmem>>
      %dma_wait3A_128 = arith.constant 0 : i32
      %dma_wait3A_129 = tpu.memref_slice %arg8[%run_scoped3A_107, %dma_wait3A_128] : memref<79x128xi32, #tpu.memory_space<vmem>> -> memref<1x128xi32, #tpu.memory_space<vmem>>
      %dma_wait3A_130 = tpu.memref_squeeze %dma_wait3A_129 : memref<1x128xi32, #tpu.memory_space<vmem>> -> memref<128xi32, #tpu.memory_space<vmem>>
      %dma_wait3A_131 = arith.constant 0 : i32
      %dma_wait3A_132 = arith.constant 0 : i32
      %dma_wait3A_133 = tpu.memref_slice %arg10[%dma_wait3A_131, %dma_wait3A_132] : memref<10240x16xf32, #tpu.memory_space<vmem_shared>> -> memref<10240x16xf32, #tpu.memory_space<vmem_shared>>
      tpu.wait_indirect_dma semaphore(%run_scoped3A_113 : memref<!tpu.dma_semaphore, #tpu.memory_space<semaphore_mem>>) src(%dma_wait3A_127 : memref<128x16xf32, #tpu.memory_space<vmem>>) dst(%dma_wait3A_133 : memref<10240x16xf32, #tpu.memory_space<vmem_shared>>)
      tpu.yield
    }) : () -> ()
    %barrier3A_108 = arith.constant 0 : index
    tpu.barrier barrier_id(%barrier3A_108)
    %mul3A_109 = arith.constant 640 : i32
    %mul3A_110 = arith.muli %arg1, %mul3A_109 : i32
    %mul3A_111 = arith.constant 640 : i32
    %mul3A_112 = arith.muli %arg1, %mul3A_111 : i32
    "tpu.region"() ({
      %run_scoped3A_113 = tpu.sem_alloc : memref<!tpu.dma_semaphore, #tpu.memory_space<semaphore_mem>>
      %dma_start3A_114 = arith.constant 0 : i32
      %dma_start3A_115 = tpu.memref_slice %arg6[%arg0, %mul3A_112, %dma_start3A_114] : memref<2x10240x16xf32, #tpu.memory_space<hbm>> -> memref<1x640x16xf32, #tpu.memory_space<hbm>>
      %dma_start3A_116 = tpu.memref_squeeze %dma_start3A_115 : memref<1x640x16xf32, #tpu.memory_space<hbm>> -> memref<640x16xf32, #tpu.memory_space<hbm>>
      %dma_start3A_117 = arith.constant 0 : i32
      %dma_start3A_118 = tpu.memref_slice %arg10[%mul3A_110, %dma_start3A_117] : memref<10240x16xf32, #tpu.memory_space<vmem_shared>> -> memref<640x16xf32, #tpu.memory_space<vmem_shared>>
      tpu.enqueue_dma source(%dma_start3A_118 : memref<640x16xf32, #tpu.memory_space<vmem_shared>>) target(%dma_start3A_116 : memref<640x16xf32, #tpu.memory_space<hbm>>) target_semaphore(%run_scoped3A_113 : memref<!tpu.dma_semaphore, #tpu.memory_space<semaphore_mem>>)
      %dma_wait3A_119 = arith.constant 0 : i32
      %dma_wait3A_120 = tpu.memref_slice %arg6[%arg0, %mul3A_112, %dma_wait3A_119] : memref<2x10240x16xf32, #tpu.memory_space<hbm>> -> memref<1x640x16xf32, #tpu.memory_space<hbm>>
      %dma_wait3A_121 = tpu.memref_squeeze %dma_wait3A_120 : memref<1x640x16xf32, #tpu.memory_space<hbm>> -> memref<640x16xf32, #tpu.memory_space<hbm>>
      %dma_wait3A_122 = arith.constant 0 : i32
      %dma_wait3A_123 = tpu.memref_slice %arg10[%mul3A_110, %dma_wait3A_122] : memref<10240x16xf32, #tpu.memory_space<vmem_shared>> -> memref<640x16xf32, #tpu.memory_space<vmem_shared>>
      tpu.wait_dma2 semaphore(%run_scoped3A_113 : memref<!tpu.dma_semaphore, #tpu.memory_space<semaphore_mem>>) src(%dma_wait3A_123 : memref<640x16xf32, #tpu.memory_space<vmem_shared>>) dst(%dma_wait3A_121 : memref<640x16xf32, #tpu.memory_space<hbm>>)
      tpu.yield
    }) : () -> ()
    return
  }
}

module attributes {stable_mosaic.version = 14 : i64} {
  func.func @_pre_body(%arg0: i32, %arg1: memref<2000x128xf32, #tpu.memory_space<vmem>>, %arg2: memref<2x2000x16xf32, #tpu.memory_space<vmem>>, %arg3: memref<128x16xf32, #tpu.memory_space<vmem>>, %arg4: memref<128x16xf32, #tpu.memory_space<vmem>>, %arg5: memref<1x16xf32, #tpu.memory_space<vmem>>, %arg6: memref<2000x16xf32, #tpu.memory_space<vmem>>, %arg7: memref<2000x16xf32, #tpu.memory_space<vmem>>, %arg8: memref<2000x16xf32, #tpu.memory_space<vmem>>) attributes {dimension_semantics = [#tpu.dimension_semantics<arbitrary>], iteration_bounds = array<i64: 5>, scalar_prefetch = 0 : i64, scratch_operands = 0 : i64, tpu.core_type = #tpu.core_type<tc>, window_params = [{transform_indices = @transform_0, window_bounds = array<i64: 2000, 128>}, {transform_indices = @transform_1, window_bounds = array<i64: 2, 2000, 16>}, {pipeline_mode = #tpu.pipeline_mode<synchronous>, transform_indices = @transform_2, window_bounds = array<i64: 128, 16>}, {pipeline_mode = #tpu.pipeline_mode<synchronous>, transform_indices = @transform_3, window_bounds = array<i64: 128, 16>}, {pipeline_mode = #tpu.pipeline_mode<synchronous>, transform_indices = @transform_4, window_bounds = array<i64: 1, 16>}, {transform_indices = @transform_5, window_bounds = array<i64: 2000, 16>}, {transform_indices = @transform_6, window_bounds = array<i64: 2000, 16>}, {transform_indices = @transform_7, window_bounds = array<i64: 2000, 16>}]} {
    %get3A = arith.constant 0 : index
    %get3A_0 = arith.constant 0 : index
    %get3A_1 = vector.load %arg1[%get3A, %get3A_0] : memref<2000x128xf32, #tpu.memory_space<vmem>>, vector<2000x128xf32>
    %get3A_2 = arith.constant 0 : index
    %get3A_3 = arith.constant 0 : index
    %get3A_4 = arith.constant 0 : index
    %get3A_5 = vector.load %arg2[%get3A_2, %get3A_3, %get3A_4] : memref<2x2000x16xf32, #tpu.memory_space<vmem>>, vector<1x2000x16xf32>
    %get3A_6 = vector.shape_cast %get3A_5 : vector<1x2000x16xf32> to vector<2000x16xf32>
    %get3A_7 = arith.constant 1 : index
    %get3A_8 = arith.constant 0 : index
    %get3A_9 = arith.constant 0 : index
    %get3A_10 = vector.load %arg2[%get3A_7, %get3A_8, %get3A_9] : memref<2x2000x16xf32, #tpu.memory_space<vmem>>, vector<1x2000x16xf32>
    %get3A_11 = vector.shape_cast %get3A_10 : vector<1x2000x16xf32> to vector<2000x16xf32>
    %add3A = arith.addf %get3A_6, %get3A_11 : vector<2000x16xf32>
    %add3A_12 = arith.constant 1.000000e+00 : f32
    %add3A_13 = vector.broadcast %add3A_12 : f32 to vector<2000x16xf32>
    %add3A_14 = arith.addf %add3A, %add3A_13 : vector<2000x16xf32>
    %rsqrt3A = math.rsqrt %add3A_14 : vector<2000x16xf32>
    %swap3A = arith.constant 0 : index
    %swap3A_15 = arith.constant 0 : index
    %swap3A_16 = vector.load %arg6[%swap3A, %swap3A_15] : memref<2000x16xf32, #tpu.memory_space<vmem>>, vector<2000x16xf32>
    tpu.vector_store %arg6[%swap3A, %swap3A_15], %rsqrt3A {strides = array<i32>} : memref<2000x16xf32, #tpu.memory_space<vmem>>, vector<2000x16xf32>,
    %get3A_17 = arith.constant 0 : index
    %get3A_18 = arith.constant 0 : index
    %get3A_19 = vector.load %arg3[%get3A_17, %get3A_18] : memref<128x16xf32, #tpu.memory_space<vmem>>, vector<128x16xf32>
    %dot_general3A = arith.constant dense<0.000000e+00> : vector<2000x16xf32>
    %dot_general3A_20 = tpu.matmul %get3A_1, %get3A_19, %dot_general3A {dimension_numbers = #tpu.dot_dimension_numbers<[1], [0], [0], [1], [0, 0, 1, 1], [], []>, transpose_lhs_hint = false} : vector<2000x128xf32>, vector<128x16xf32>, vector<2000x16xf32> -> vector<2000x16xf32>
    %mul3A = arith.mulf %rsqrt3A, %dot_general3A_20 : vector<2000x16xf32>
    %swap3A_21 = arith.constant 0 : index
    %swap3A_22 = arith.constant 0 : index
    %swap3A_23 = vector.load %arg7[%swap3A_21, %swap3A_22] : memref<2000x16xf32, #tpu.memory_space<vmem>>, vector<2000x16xf32>
    tpu.vector_store %arg7[%swap3A_21, %swap3A_22], %mul3A {strides = array<i32>} : memref<2000x16xf32, #tpu.memory_space<vmem>>, vector<2000x16xf32>,
    %get3A_24 = arith.constant 0 : index
    %get3A_25 = arith.constant 0 : index
    %get3A_26 = vector.load %arg4[%get3A_24, %get3A_25] : memref<128x16xf32, #tpu.memory_space<vmem>>, vector<128x16xf32>
    %dot_general3A_27 = arith.constant dense<0.000000e+00> : vector<2000x16xf32>
    %dot_general3A_28 = tpu.matmul %get3A_1, %get3A_26, %dot_general3A_27 {dimension_numbers = #tpu.dot_dimension_numbers<[1], [0], [0], [1], [0, 0, 1, 1], [], []>, transpose_lhs_hint = false} : vector<2000x128xf32>, vector<128x16xf32>, vector<2000x16xf32> -> vector<2000x16xf32>
    %get3A_29 = arith.constant 0 : index
    %get3A_30 = arith.constant 0 : index
    %get3A_31 = vector.load %arg5[%get3A_29, %get3A_30] : memref<1x16xf32, #tpu.memory_space<vmem>>, vector<1x16xf32>
    %add3A_32 = vector.broadcast %get3A_31 : vector<1x16xf32> to vector<2000x16xf32>
    %add3A_33 = arith.addf %dot_general3A_28, %add3A_32 : vector<2000x16xf32>
    %swap3A_34 = arith.constant 0 : index
    %swap3A_35 = arith.constant 0 : index
    %swap3A_36 = vector.load %arg8[%swap3A_34, %swap3A_35] : memref<2000x16xf32, #tpu.memory_space<vmem>>, vector<2000x16xf32>
    tpu.vector_store %arg8[%swap3A_34, %swap3A_35], %add3A_33 {strides = array<i32>} : memref<2000x16xf32, #tpu.memory_space<vmem>>, vector<2000x16xf32>,
    return
  }
  func.func @transform_0(%arg0: i32) -> (i32, i32) {
    %c0_i32 = arith.constant 0 : i32
    %c0_i32_0 = arith.constant 0 : i32
    return %arg0, %c0_i32 : i32, i32
  }
  func.func @transform_1(%arg0: i32) -> (i32, i32, i32) {
    %c0_i32 = arith.constant 0 : i32
    %c0_i32_0 = arith.constant 0 : i32
    %c0_i32_1 = arith.constant 0 : i32
    return %c0_i32, %arg0, %c0_i32_0 : i32, i32, i32
  }
  func.func @transform_2(%arg0: i32) -> (i32, i32) {
    %c0_i32 = arith.constant 0 : i32
    %c0_i32_0 = arith.constant 0 : i32
    %c0_i32_1 = arith.constant 0 : i32
    return %c0_i32, %c0_i32_0 : i32, i32
  }
  func.func @transform_3(%arg0: i32) -> (i32, i32) {
    %c0_i32 = arith.constant 0 : i32
    %c0_i32_0 = arith.constant 0 : i32
    %c0_i32_1 = arith.constant 0 : i32
    return %c0_i32, %c0_i32_0 : i32, i32
  }
  func.func @transform_4(%arg0: i32) -> (i32, i32) {
    %c0_i32 = arith.constant 0 : i32
    %c0_i32_0 = arith.constant 0 : i32
    %c0_i32_1 = arith.constant 0 : i32
    return %c0_i32, %c0_i32_0 : i32, i32
  }
  func.func @transform_5(%arg0: i32) -> (i32, i32) {
    %c0_i32 = arith.constant 0 : i32
    %c0_i32_0 = arith.constant 0 : i32
    return %arg0, %c0_i32 : i32, i32
  }
  func.func @transform_6(%arg0: i32) -> (i32, i32) {
    %c0_i32 = arith.constant 0 : i32
    %c0_i32_0 = arith.constant 0 : i32
    return %arg0, %c0_i32 : i32, i32
  }
  func.func @transform_7(%arg0: i32) -> (i32, i32) {
    %c0_i32 = arith.constant 0 : i32
    %c0_i32_0 = arith.constant 0 : i32
    return %arg0, %c0_i32 : i32, i32
  }
}

module attributes {stable_mosaic.version = 14 : i64} {
  func.func @_mid_body(%arg0: i32, %arg1: memref<2x2000x16xf32, #tpu.memory_space<vmem>>, %arg2: memref<2000x16xf32, #tpu.memory_space<vmem>>, %arg3: memref<2000x16xf32, #tpu.memory_space<vmem>>, %arg4: memref<2000x16xf32, #tpu.memory_space<vmem>>, %arg5: memref<1x16xf32, #tpu.memory_space<vmem>>, %arg6: memref<16x128xf32, #tpu.memory_space<vmem>>, %arg7: memref<1x128xf32, #tpu.memory_space<vmem>>, %arg8: memref<2000x16xf32, #tpu.memory_space<vmem>>, %arg9: memref<2000x128xf32, #tpu.memory_space<vmem>>) attributes {dimension_semantics = [#tpu.dimension_semantics<arbitrary>], iteration_bounds = array<i64: 5>, scalar_prefetch = 0 : i64, scratch_operands = 0 : i64, tpu.core_type = #tpu.core_type<tc>, window_params = [{transform_indices = @transform_0, window_bounds = array<i64: 2, 2000, 16>}, {transform_indices = @transform_1, window_bounds = array<i64: 2000, 16>}, {transform_indices = @transform_2, window_bounds = array<i64: 2000, 16>}, {transform_indices = @transform_3, window_bounds = array<i64: 2000, 16>}, {pipeline_mode = #tpu.pipeline_mode<synchronous>, transform_indices = @transform_4, window_bounds = array<i64: 1, 16>}, {pipeline_mode = #tpu.pipeline_mode<synchronous>, transform_indices = @transform_5, window_bounds = array<i64: 16, 128>}, {pipeline_mode = #tpu.pipeline_mode<synchronous>, transform_indices = @transform_6, window_bounds = array<i64: 1, 128>}, {transform_indices = @transform_7, window_bounds = array<i64: 2000, 16>}, {transform_indices = @transform_8, window_bounds = array<i64: 2000, 128>}]} {
    %get3A = arith.constant 0 : index
    %get3A_0 = arith.constant 0 : index
    %get3A_1 = arith.constant 0 : index
    %get3A_2 = vector.load %arg1[%get3A, %get3A_0, %get3A_1] : memref<2x2000x16xf32, #tpu.memory_space<vmem>>, vector<1x2000x16xf32>
    %get3A_3 = vector.shape_cast %get3A_2 : vector<1x2000x16xf32> to vector<2000x16xf32>
    %get3A_4 = arith.constant 1 : index
    %get3A_5 = arith.constant 0 : index
    %get3A_6 = arith.constant 0 : index
    %get3A_7 = vector.load %arg1[%get3A_4, %get3A_5, %get3A_6] : memref<2x2000x16xf32, #tpu.memory_space<vmem>>, vector<1x2000x16xf32>
    %get3A_8 = vector.shape_cast %get3A_7 : vector<1x2000x16xf32> to vector<2000x16xf32>
    %add3A = arith.addf %get3A_3, %get3A_8 : vector<2000x16xf32>
    %get3A_9 = arith.constant 0 : index
    %get3A_10 = arith.constant 0 : index
    %get3A_11 = vector.load %arg2[%get3A_9, %get3A_10] : memref<2000x16xf32, #tpu.memory_space<vmem>>, vector<2000x16xf32>
    %add3A_12 = arith.addf %add3A, %get3A_11 : vector<2000x16xf32>
    %get3A_13 = arith.constant 0 : index
    %get3A_14 = arith.constant 0 : index
    %get3A_15 = vector.load %arg3[%get3A_13, %get3A_14] : memref<2000x16xf32, #tpu.memory_space<vmem>>, vector<2000x16xf32>
    %mul3A = arith.mulf %get3A_15, %add3A_12 : vector<2000x16xf32>
    %get3A_16 = arith.constant 0 : index
    %get3A_17 = arith.constant 0 : index
    %get3A_18 = vector.load %arg5[%get3A_16, %get3A_17] : memref<1x16xf32, #tpu.memory_space<vmem>>, vector<1x16xf32>
    %add3A_19 = vector.broadcast %get3A_18 : vector<1x16xf32> to vector<2000x16xf32>
    %add3A_20 = arith.addf %mul3A, %add3A_19 : vector<2000x16xf32>
    %max3A = arith.constant 0.000000e+00 : f32
    %max3A_21 = vector.broadcast %max3A : f32 to vector<2000x16xf32>
    %max3A_22 = arith.maximumf %add3A_20, %max3A_21 : vector<2000x16xf32>
    %get3A_23 = arith.constant 0 : index
    %get3A_24 = arith.constant 0 : index
    %get3A_25 = vector.load %arg4[%get3A_23, %get3A_24] : memref<2000x16xf32, #tpu.memory_space<vmem>>, vector<2000x16xf32>
    %add3A_26 = arith.addf %max3A_22, %get3A_25 : vector<2000x16xf32>
    %get3A_27 = arith.constant 0 : index
    %get3A_28 = arith.constant 0 : index
    %get3A_29 = vector.load %arg3[%get3A_27, %get3A_28] : memref<2000x16xf32, #tpu.memory_space<vmem>>, vector<2000x16xf32>
    %mul3A_30 = arith.mulf %get3A_29, %add3A_26 : vector<2000x16xf32>
    %swap3A = arith.constant 0 : index
    %swap3A_31 = arith.constant 0 : index
    %swap3A_32 = vector.load %arg8[%swap3A, %swap3A_31] : memref<2000x16xf32, #tpu.memory_space<vmem>>, vector<2000x16xf32>
    tpu.vector_store %arg8[%swap3A, %swap3A_31], %mul3A_30 {strides = array<i32>} : memref<2000x16xf32, #tpu.memory_space<vmem>>, vector<2000x16xf32>,
    %get3A_33 = arith.constant 0 : index
    %get3A_34 = arith.constant 0 : index
    %get3A_35 = vector.load %arg6[%get3A_33, %get3A_34] : memref<16x128xf32, #tpu.memory_space<vmem>>, vector<16x128xf32>
    %dot_general3A = arith.constant dense<0.000000e+00> : vector<2000x128xf32>
    %dot_general3A_36 = tpu.matmul %add3A_26, %get3A_35, %dot_general3A {dimension_numbers = #tpu.dot_dimension_numbers<[1], [0], [0], [1], [0, 0, 1, 1], [], []>, transpose_lhs_hint = false} : vector<2000x16xf32>, vector<16x128xf32>, vector<2000x128xf32> -> vector<2000x128xf32>
    %get3A_37 = arith.constant 0 : index
    %get3A_38 = arith.constant 0 : index
    %get3A_39 = vector.load %arg7[%get3A_37, %get3A_38] : memref<1x128xf32, #tpu.memory_space<vmem>>, vector<1x128xf32>
    %add3A_40 = vector.broadcast %get3A_39 : vector<1x128xf32> to vector<2000x128xf32>
    %add3A_41 = arith.addf %dot_general3A_36, %add3A_40 : vector<2000x128xf32>
    %swap3A_42 = arith.constant 0 : index
    %swap3A_43 = arith.constant 0 : index
    %swap3A_44 = vector.load %arg9[%swap3A_42, %swap3A_43] : memref<2000x128xf32, #tpu.memory_space<vmem>>, vector<2000x128xf32>
    tpu.vector_store %arg9[%swap3A_42, %swap3A_43], %add3A_41 {strides = array<i32>} : memref<2000x128xf32, #tpu.memory_space<vmem>>, vector<2000x128xf32>,
    return
  }
  func.func @transform_0(%arg0: i32) -> (i32, i32, i32) {
    %c0_i32 = arith.constant 0 : i32
    %c0_i32_0 = arith.constant 0 : i32
    %c0_i32_1 = arith.constant 0 : i32
    return %c0_i32, %arg0, %c0_i32_0 : i32, i32, i32
  }
  func.func @transform_1(%arg0: i32) -> (i32, i32) {
    %c0_i32 = arith.constant 0 : i32
    %c0_i32_0 = arith.constant 0 : i32
    return %arg0, %c0_i32 : i32, i32
  }
  func.func @transform_2(%arg0: i32) -> (i32, i32) {
    %c0_i32 = arith.constant 0 : i32
    %c0_i32_0 = arith.constant 0 : i32
    return %arg0, %c0_i32 : i32, i32
  }
  func.func @transform_3(%arg0: i32) -> (i32, i32) {
    %c0_i32 = arith.constant 0 : i32
    %c0_i32_0 = arith.constant 0 : i32
    return %arg0, %c0_i32 : i32, i32
  }
  func.func @transform_4(%arg0: i32) -> (i32, i32) {
    %c0_i32 = arith.constant 0 : i32
    %c0_i32_0 = arith.constant 0 : i32
    %c0_i32_1 = arith.constant 0 : i32
    return %c0_i32, %c0_i32_0 : i32, i32
  }
  func.func @transform_5(%arg0: i32) -> (i32, i32) {
    %c0_i32 = arith.constant 0 : i32
    %c0_i32_0 = arith.constant 0 : i32
    %c0_i32_1 = arith.constant 0 : i32
    return %c0_i32, %c0_i32_0 : i32, i32
  }
  func.func @transform_6(%arg0: i32) -> (i32, i32) {
    %c0_i32 = arith.constant 0 : i32
    %c0_i32_0 = arith.constant 0 : i32
    %c0_i32_1 = arith.constant 0 : i32
    return %c0_i32, %c0_i32_0 : i32, i32
  }
  func.func @transform_7(%arg0: i32) -> (i32, i32) {
    %c0_i32 = arith.constant 0 : i32
    %c0_i32_0 = arith.constant 0 : i32
    return %arg0, %c0_i32 : i32, i32
  }
  func.func @transform_8(%arg0: i32) -> (i32, i32) {
    %c0_i32 = arith.constant 0 : i32
    %c0_i32_0 = arith.constant 0 : i32
    return %arg0, %c0_i32 : i32, i32
  }
}

module attributes {stable_mosaic.version = 14 : i64} {
  func.func @_post_body(%arg0: i32, %arg1: memref<2x2000x16xf32, #tpu.memory_space<vmem>>, %arg2: memref<2000x16xf32, #tpu.memory_space<vmem>>, %arg3: memref<2000x16xf32, #tpu.memory_space<vmem>>, %arg4: memref<16x128xf32, #tpu.memory_space<vmem>>, %arg5: memref<1x128xf32, #tpu.memory_space<vmem>>, %arg6: memref<2000x128xf32, #tpu.memory_space<vmem>>, %arg7: memref<2000x128xf32, #tpu.memory_space<vmem>>) attributes {dimension_semantics = [#tpu.dimension_semantics<arbitrary>], iteration_bounds = array<i64: 5>, scalar_prefetch = 0 : i64, scratch_operands = 0 : i64, tpu.core_type = #tpu.core_type<tc>, window_params = [{transform_indices = @transform_0, window_bounds = array<i64: 2, 2000, 16>}, {transform_indices = @transform_1, window_bounds = array<i64: 2000, 16>}, {transform_indices = @transform_2, window_bounds = array<i64: 2000, 16>}, {pipeline_mode = #tpu.pipeline_mode<synchronous>, transform_indices = @transform_3, window_bounds = array<i64: 16, 128>}, {pipeline_mode = #tpu.pipeline_mode<synchronous>, transform_indices = @transform_4, window_bounds = array<i64: 1, 128>}, {transform_indices = @transform_5, window_bounds = array<i64: 2000, 128>}, {transform_indices = @transform_6, window_bounds = array<i64: 2000, 128>}]} {
    %get3A = arith.constant 0 : index
    %get3A_0 = arith.constant 0 : index
    %get3A_1 = vector.load %arg3[%get3A, %get3A_0] : memref<2000x16xf32, #tpu.memory_space<vmem>>, vector<2000x16xf32>
    %get3A_2 = arith.constant 0 : index
    %get3A_3 = arith.constant 0 : index
    %get3A_4 = arith.constant 0 : index
    %get3A_5 = vector.load %arg1[%get3A_2, %get3A_3, %get3A_4] : memref<2x2000x16xf32, #tpu.memory_space<vmem>>, vector<1x2000x16xf32>
    %get3A_6 = vector.shape_cast %get3A_5 : vector<1x2000x16xf32> to vector<2000x16xf32>
    %get3A_7 = arith.constant 1 : index
    %get3A_8 = arith.constant 0 : index
    %get3A_9 = arith.constant 0 : index
    %get3A_10 = vector.load %arg1[%get3A_7, %get3A_8, %get3A_9] : memref<2x2000x16xf32, #tpu.memory_space<vmem>>, vector<1x2000x16xf32>
    %get3A_11 = vector.shape_cast %get3A_10 : vector<1x2000x16xf32> to vector<2000x16xf32>
    %add3A = arith.addf %get3A_6, %get3A_11 : vector<2000x16xf32>
    %get3A_12 = arith.constant 0 : index
    %get3A_13 = arith.constant 0 : index
    %get3A_14 = vector.load %arg2[%get3A_12, %get3A_13] : memref<2000x16xf32, #tpu.memory_space<vmem>>, vector<2000x16xf32>
    %add3A_15 = arith.addf %add3A, %get3A_14 : vector<2000x16xf32>
    %mul3A = arith.mulf %get3A_1, %add3A_15 : vector<2000x16xf32>
    %get3A_16 = arith.constant 0 : index
    %get3A_17 = arith.constant 0 : index
    %get3A_18 = vector.load %arg4[%get3A_16, %get3A_17] : memref<16x128xf32, #tpu.memory_space<vmem>>, vector<16x128xf32>
    %dot_general3A = arith.constant dense<0.000000e+00> : vector<2000x128xf32>
    %dot_general3A_19 = tpu.matmul %mul3A, %get3A_18, %dot_general3A {dimension_numbers = #tpu.dot_dimension_numbers<[1], [0], [0], [1], [0, 0, 1, 1], [], []>, transpose_lhs_hint = false} : vector<2000x16xf32>, vector<16x128xf32>, vector<2000x128xf32> -> vector<2000x128xf32>
    %get3A_20 = arith.constant 0 : index
    %get3A_21 = arith.constant 0 : index
    %get3A_22 = vector.load %arg5[%get3A_20, %get3A_21] : memref<1x128xf32, #tpu.memory_space<vmem>>, vector<1x128xf32>
    %add3A_23 = vector.broadcast %get3A_22 : vector<1x128xf32> to vector<2000x128xf32>
    %add3A_24 = arith.addf %dot_general3A_19, %add3A_23 : vector<2000x128xf32>
    %max3A = arith.constant 0.000000e+00 : f32
    %max3A_25 = vector.broadcast %max3A : f32 to vector<2000x128xf32>
    %max3A_26 = arith.maximumf %add3A_24, %max3A_25 : vector<2000x128xf32>
    %get3A_27 = arith.constant 0 : index
    %get3A_28 = arith.constant 0 : index
    %get3A_29 = vector.load %arg6[%get3A_27, %get3A_28] : memref<2000x128xf32, #tpu.memory_space<vmem>>, vector<2000x128xf32>
    %add3A_30 = arith.addf %max3A_26, %get3A_29 : vector<2000x128xf32>
    %swap3A = arith.constant 0 : index
    %swap3A_31 = arith.constant 0 : index
    %swap3A_32 = vector.load %arg7[%swap3A, %swap3A_31] : memref<2000x128xf32, #tpu.memory_space<vmem>>, vector<2000x128xf32>
    tpu.vector_store %arg7[%swap3A, %swap3A_31], %add3A_30 {strides = array<i32>} : memref<2000x128xf32, #tpu.memory_space<vmem>>, vector<2000x128xf32>,
    return
  }
  func.func @transform_0(%arg0: i32) -> (i32, i32, i32) {
    %c0_i32 = arith.constant 0 : i32
    %c0_i32_0 = arith.constant 0 : i32
    %c0_i32_1 = arith.constant 0 : i32
    return %c0_i32, %arg0, %c0_i32_0 : i32, i32, i32
  }
  func.func @transform_1(%arg0: i32) -> (i32, i32) {
    %c0_i32 = arith.constant 0 : i32
    %c0_i32_0 = arith.constant 0 : i32
    return %arg0, %c0_i32 : i32, i32
  }
  func.func @transform_2(%arg0: i32) -> (i32, i32) {
    %c0_i32 = arith.constant 0 : i32
    %c0_i32_0 = arith.constant 0 : i32
    return %arg0, %c0_i32 : i32, i32
  }
  func.func @transform_3(%arg0: i32) -> (i32, i32) {
    %c0_i32 = arith.constant 0 : i32
    %c0_i32_0 = arith.constant 0 : i32
    %c0_i32_1 = arith.constant 0 : i32
    return %c0_i32, %c0_i32_0 : i32, i32
  }
  func.func @transform_4(%arg0: i32) -> (i32, i32) {
    %c0_i32 = arith.constant 0 : i32
    %c0_i32_0 = arith.constant 0 : i32
    %c0_i32_1 = arith.constant 0 : i32
    return %c0_i32, %c0_i32_0 : i32, i32
  }
  func.func @transform_5(%arg0: i32) -> (i32, i32) {
    %c0_i32 = arith.constant 0 : i32
    %c0_i32_0 = arith.constant 0 : i32
    return %arg0, %c0_i32 : i32, i32
  }
  func.func @transform_6(%arg0: i32) -> (i32, i32) {
    %c0_i32 = arith.constant 0 : i32
    %c0_i32_0 = arith.constant 0 : i32
    return %arg0, %c0_i32 : i32, i32
  }
}

</mosaic_0001>

<sc_bundles>
// kernel: kernel.11.cloned.1.call-start
scs
__scs_entry_jumppad:
0x0: {  	(pc) =	sbr.rel $0x88, $3  }
0x1: {  	(tag) =	ssettag $0x0;
	lr =	simm.s32 $0x1  }
0x2: {  	[smem:$0x3F97] =	sst lr;
	_ =	strace $0xD0000000  }
0x3: {  	_ = 	snop  }
0x4: {  	_ = 	snop  }
0x5: {  	_ = 	snop  }
0x6: {  	_ = 	snop  }
0x7: {  	_ = 	snop  }
__scs_overlays_trampoline_lowered:
0x8: {  	[smem:$0x3FA6] =	sst s0  }
0x9: {  	[smem:$0x3FA7] =	sst s1  }
0xa: {  	[smem:$0x3FA8] =	sst s2  }
0xb: {  	[smem:$0x3FA9] =	sst s3  }
0xc: {  	[smem:$0x3FAA] =	sst s4  }
0xd: {  	[smem:$0x3FAB] =	sst s5  }
0xe: {  	[smem:$0x3FAC] =	sst s6  }
0xf: {  	[smem:$0x3FAD] =	sst s7  }
0x10: {  	[smem:$0x3FAE] =	sst s8  }
0x11: {  	[smem:$0x3FAF] =	sst s9;
	s0 =	simm.s32 @!p0 $0x0  }
0x12: {  	s1 =	sld [smem:$0x3F95];
	s0 =	simm.s32 @p0 $0x1  }
0x13: {  	[smem:$0x3FB0] =	sst s0;
	s0 =	simm.s32 @!p1 $0x0  }
0x14: {  	s2 =	sld [smem:$0x3F94];
	s0 =	simm.s32 @p1 $0x1  }
0x15: {  	[smem:$0x3FB1] =	sst s0;
	s0 =	simm.s32 @!p2 $0x0  }
0x16: {  	s3 =	sld [smem:$0x3FDB];
	s0 =	simm.s32 @p2 $0x1  }
0x17: {  	s4 =	simm.s32 $0x1BF5;
	[smem:$0x3FB3] =	sst s0  }
0x18: {  	s0 =	sld [smem:$0x3F96];
	_ =	swait.ge [sflag:s4], $0x0  }
0x19: {  	s7 =	sld [smem:$0x3F97]  }
0x1a: {  	s8 =	sadd.s32 $0xFFFFE003, lr  }
0x1b: {  	s9 =	sadd.s32 $0xFFFFFEF7, lr;
	s5 =	simm.s32 $0xFFFFFFFF;
	p2 =	slt.u32 s8, $0xFFFFF086  }
0x1c: {  	p1 =	slt.u32 s9, $0xF7A;
	s5 =	simm.s32 @!p2 $0x0  }
0x1d: {  	s5 =	simm.s32 @p1 $0x1;
	p0 =	seq.s32 s7, s2  }
0x1e: {  	s7 =	smul.u32 @!p0 $0xF7A, s2;
	p2 =	seq.s32 @!p0 s5, $0x0  }
0x1f: {  	s9 =	smul.u32 $0xF7A, s1;
	s8 =	simm.s32 @!p0 $0x1BF5;
	p2 =	por !p2, p0  }
0x20: {  	[sflag:s8] =	ssyncset.s32 @!p0 $0xFFFFF086;
	s6 =	sadd.s32 @!p0 s3, s7;
	s7 =	simm.s32 @!p0 $0x108  }
0x21: {  	s3 =	sadd.s32 s3, s9;
	s6 =	sadd.s32 @!p0 $0x88, s6;
	s7 =	simm.s32 @p2 $0x1082  }
0x22: {  	[simem:s7], [sflag:s8] =	dma.local @!p0 [hbm:s6], $0xF7A  }
0x23: {  	s9 =	sor.u32 $0xD0000000, s2;
	s6 =	simm.s32 $0x108;
	_ =	swait.ge @!p0 [sflag:s8], $0x0  }
0x24: {  	s3 =	sadd.s32 $0x88, s3;
	s6 =	simm.s32 @!p1 $0x1082;
	[sflag:s4] =	ssyncset.s32 $0xFFFFF086  }
0x25: {  	[simem:s6], [sflag:s4] =	dma.local [hbm:s3], $0xF7A  }
0x26: {  	[smem:$0x3F97] =	sst s1;
	(tag) =	ssettag s2;
	_ =	strace s9  }
0x27: {  	s1 =	sld [smem:$0x3FA7]  }
0x28: {  	s2 =	sld [smem:$0x3FA8]  }
0x29: {  	s4 =	sld [smem:$0x3FAA]  }
0x2a: {  	p0 =	seq.s32 s5, $0x0;
	s5 =	sld [smem:$0x3FAB]  }
0x2b: {  	s6 =	sld [smem:$0x3FAC]  }
0x2c: {  	s7 =	sld [smem:$0x3FAD]  }
0x2d: {  	s3 =	simm.s32 $0x108;
	s8 =	sld [smem:$0x3FAE]  }
0x2e: {  	s3 =	simm.s32 @!p0 $0x1082;
	s9 =	sld [smem:$0x3FAF]  }
0x2f: {  	lr =	sadd.s32 s0, s3;
	s0 =	sld [smem:$0x3FA6]  }
0x30: {  	s3 =	sld [smem:$0x3FA9]  }
0x31: {  	[smem:$0x3FB2] =	sst s10  }
0x32: {  	s10 =	sld [smem:$0x3FB0];
	_ =	sdelay $0x3  }
0x33: {  	p0 =	seq.s32 s10, $0x1;
	s10 =	sld [smem:$0x3FB2];
	_ =	sdelay $0x3  }
0x34: {  	[smem:$0x3FB2] =	sst s10  }
0x35: {  	s10 =	sld [smem:$0x3FB1];
	_ =	sdelay $0x3  }
0x36: {  	p1 =	seq.s32 s10, $0x1;
	s10 =	sld [smem:$0x3FB2];
	_ =	sdelay $0x3  }
0x37: {  	[smem:$0x3FB2] =	sst s10  }
0x38: {  	s10 =	sld [smem:$0x3FB3]  }
0x39: {  	_ = 	snop;
	(pc) =	sbr.ind lr, $3  }
0x3a: {  	_ = 	snop  }
0x3b: {  	_ = 	snop  }
0x3c: {  	p2 =	seq.s32 s10, $0x1;
	s10 =	sld [smem:$0x3FB2]  }
0x3d: {  	_ =	shalt  }
0x3e: {  	_ =	shalt  }
0x3f: {  	_ =	shalt  }
0x40: {  	_ =	shalt  }
0x41: {  	_ =	shalt  }
0x42: {  	_ =	shalt  }
0x43: {  	_ =	shalt  }
0x44: {  	_ =	shalt  }
0x45: {  	_ =	shalt  }
0x46: {  	_ =	shalt  }
0x47: {  	_ =	shalt  }
0x48: {  	_ =	shalt  }
0x49: {  	_ =	shalt  }
0x4a: {  	_ =	shalt  }
0x4b: {  	_ =	shalt  }
0x4c: {  	_ =	shalt  }
0x4d: {  	_ =	shalt  }
0x4e: {  	_ =	shalt  }
0x4f: {  	_ =	shalt  }
0x50: {  	_ =	shalt  }
0x51: {  	_ =	shalt  }
0x52: {  	_ =	shalt  }
0x53: {  	_ =	shalt  }
0x54: {  	_ =	shalt  }
0x55: {  	_ =	shalt  }
0x56: {  	_ =	shalt  }
0x57: {  	_ =	shalt  }
0x58: {  	_ =	shalt  }
0x59: {  	_ =	shalt  }
0x5a: {  	_ =	shalt  }
0x5b: {  	_ =	shalt  }
0x5c: {  	_ =	shalt  }
0x5d: {  	_ =	shalt  }
0x5e: {  	_ =	shalt  }
0x5f: {  	_ =	shalt  }
0x60: {  	_ =	shalt  }
0x61: {  	_ =	shalt  }
0x62: {  	_ =	shalt  }
0x63: {  	_ =	shalt  }
0x64: {  	_ =	shalt  }
0x65: {  	_ =	shalt  }
0x66: {  	_ =	shalt  }
0x67: {  	_ =	shalt  }
0x68: {  	_ =	shalt  }
0x69: {  	_ =	shalt  }
0x6a: {  	_ =	shalt  }
0x6b: {  	_ =	shalt  }
0x6c: {  	_ =	shalt  }
0x6d: {  	_ =	shalt  }
0x6e: {  	_ =	shalt  }
0x6f: {  	_ =	shalt  }
0x70: {  	_ =	shalt  }
0x71: {  	_ =	shalt  }
0x72: {  	_ =	shalt  }
0x73: {  	_ =	shalt  }
0x74: {  	_ =	shalt  }
0x75: {  	_ =	shalt  }
0x76: {  	_ =	shalt  }
0x77: {  	_ =	shalt  }
0x78: {  	_ =	shalt  }
0x79: {  	_ =	shalt  }
0x7a: {  	_ =	shalt  }
0x7b: {  	_ =	shalt  }
0x7c: {  	_ =	shalt  }
0x7d: {  	_ =	shalt  }
0x7e: {  	_ =	shalt  }
0x7f: {  	_ =	shalt  }
0x80: {  	_ =	shalt  }
0x81: {  	_ =	shalt  }
0x82: {  	_ =	shalt  }
0x83: {  	_ =	shalt  }
0x84: {  	_ =	shalt  }
0x85: {  	_ =	shalt  }
0x86: {  	_ =	shalt  }
0x87: {  	_ =	shalt  }
.Lfunc_end0:
.L_simem_size_0:
called_computation.1_lowered:
.L_overlay_start_0:
0x88: {  	s2 =	sld [smem:$0x3FD9]  }
0x89: {  	s3 =	sld [smem:$0x3FFE];
	_ =	sdelay $0x1  }
0x8a: {  	s1 =	srdreg.scid  }
0x8b: {  	s0 =	sand.u32 $0x1, s1  }
0x8c: {  	s16 =	sshll.u32 s0, $0xA;
	s2 =	sadd.s32 s3, s2  }
0x8d: {  	s2 =	sadd.s32 s2, s16  }
0x8e: {  	[smem:$0x3FBE] =	sst s2  }
0x8f: {  	_ = 	snop  }
0x90: {  	(tm) =	ssettm $0x1  }
0x91: {  	s17 =	sld [smem:$0x3FFB];
	_ =	sdelay $0x3  }
0x92: {  	_ =	strace s17  }
0x93: {  	s2 =	sld [smem:$0x3FFC];
	_ =	sdelay $0x3  }
0x94: {  	_ =	strace s2  }
0x95: {  	s2 =	sld [smem:$0x3FFD];
	_ =	sdelay $0x3  }
0x96: {  	_ =	strace s2  }
0x97: {  	_ =	strace $0x8FFFFFFF  }
0x98: {  	s18 =	sld [smem:$0x3FDB];
	_ =	sdelay $0x1  }
0x99: {  	s19 =	simm.s32 $_scs_section_size  }
0x9a: {  	s4 =	simm.s32 $_size__tile_overlayer_lowered;
	s5 =	simm.s32 $_tile_overlayer_lowered  }
0x9b: {  	s22 =	simm.s32 $0x1BFF;
	s21 =	sshll.u32 s5, $0x1;
	s2 =	sadd.s32 s19, s18  }
0x9c: {  	s6 =	simm.s32 $0x0;
	s20 =	sshll.u32 s4, $0x1;
	s4 =	sadd.s32 s21, s2  }
0x9d: {  	[timem:s6], [sflag:s22] =	dma.local [hbm:s4], s20  }
0x9e: {  	_ =	swait.ge [sflag:s22], s20  }
0x9f: {  	s3 =	ssub.s32 $0x0, s20;
	[sflag:s22] =	ssyncset.done $0x0  }
0xa0: {  	[sflag:s22] =	ssyncadd.s32 s3;
	_ =	sdelay $0x1  }
0xa1: {  	s23 =	simm.s32 $0x1B8B  }
0xa2: {  	_ =	swait.ge [sflag:s23], $0x1  }
0xa3: {  	[sflag:s23] =	ssyncset.done $0x0  }
0xa4: {  	s25 =	simm.s32 $0x1B8E;
	s24 =	sld [smem:$0x3FFE];
	[sflag:s23] =	ssyncadd.s32 $0xFFFFFFFF  }
0xa5: {  	s26 =	simm.s32 $execute0_lowered;
	[smem:$0x3FD2] =	sst s25  }
0xa6: {  	s4 =	sshll.u32 s26, $0x1;
	_ =	strace $0x80000049;
	[dreg:$0x1] =	wrdreg $0xFFFFFFFF  }
0xa7: {  	s28 =	simm.s32 $_size_execute0_lowered;
	s2 =	sadd.s32 s2, s4;
	[dreg:$0x0] =	wrdreg $0x0  }
0xa8: {  	s4 =	sshll.u32 s28, $0x1;
	[dreg:$0x2] =	wrdreg s2  }
0xa9: {  	[dreg:$0x3] =	wrdreg s4  }
0xaa: {  	[dreg:$0x4] =	wrdreg $0xC0  }
0xab: {  	_ =	task [dreg:s6], $0x5FFFF  }
0xac: {  	[dreg:$0x1] =	wrdreg $0xFFFFFFFF  }
0xad: {  	[dreg:$0x0] =	wrdreg $0x60  }
0xae: {  	[dreg:$0x2] =	wrdreg s24  }
0xaf: {  	[dreg:$0x3] =	wrdreg $0x77000  }
0xb0: {  	[dreg:$0x4] =	wrdreg $0x9  }
0xb1: {  	_ =	task.clear_ibuf [dreg:s6], $0x5FFFF;
	_ =	strace $0x90000049  }
0xb2: {  	s29 =	simm.s32 $0x9;
	_ =	strace $0x8000004B  }
0xb3: {  	_ =	swait.ge [sflag:s29], $0x1  }
0xb4: {  	[sflag:s29] =	ssyncadd.s32 $0xFFFFFFFF  }
0xb5: {  	_ =	strace $0x9000004B  }
0xb6: {  	_ =	sfence  }
0xb7: {  	s30 =	sld [smem:$0x0];
	_ =	sdelay $0x2  }
0xb8: {  	s31 =	sshll.u32 s1, $0xD;
	s1 =	sshrl.u32 s1, $0x2  }
0xb9: {  	s3 =	sand.u32 $0x4000, s31;
	s1 =	sadd.s32 s1, s30  }
0xba: {  	s0 =	sor.u32 s3, s0;
	s1 =	sshll.u32 s1, $0x11  }
0xbb: {  	s0 =	sor.u32 s1, s0  }
0xbc: {  	s0 =	sadd.s32 $0x8F2B, s0  }
0xbd: {  	[sflag:s0] =	ssyncadd.remote.s32 $0x1  }
0xbe: {  	_ =	sfence.sel $0xFFFF  }
0xbf: {  	[dreg:$0x0] =	wrdreg $0xFFFFFFFF;
	(pc) =	sbr.abs _section_cstart, $3  }
0xc0: {  	[dreg:$0x1] =	wrdreg $0xFFFFFFFF  }
0xc1: {  	_ =	task.clear_ibuf [dreg:s6], $0x2FFFF;
	_ =	strace $0x9FFFFFFF  }
0xc2: {  	(tm) =	ssettm $0x7FFFFFFF  }
0xc3: {  	_ =	shalt  }
tec
execute0_lowered:
.L_overlay_start_1:
0x0: {  	(tag) =	ssettag $0x1  }
0x1: {  	s0 =	srdreg.scid;
	s6 =	rddreg [dreg:$0x0]  }
0x2: {  	s11 =	stileid.u32;
	s2 =	rddreg [dreg:$0x1]  }
0x3: {  	s3 =	simm.s32 $0x0;
	s12 =	simm.s32 $0x6;
	s14 =	simm.s32 $0x80  }
0x4: {  	s15 =	simm.s32 $0x4F00;
	s16 =	simm.s32 $0x5700;
	s18 =	simm.s32 $0x5F00  }
0x5: {  	s20 =	simm.s32 $0x6700;
	s21 =	simm.s32 $0x6F00;
	s22 =	simm.s32 $0x1  }
0x6: {  	s23 =	simm.s32 $0x2;
	s24 =	simm.s32 $0x3;
	s25 =	simm.s32 $0x4  }
0x7: {  	s29 =	simm.s32 $0x4D80;
	s30 =	simm.s32 $0x4E00;
	s31 =	simm.s32 $0x4E80  }
0x8: {  	s0 =	sand.u32 $0x1, s0;
	s1 =	sshll.u32 s11, $0x1;
	s7 =	smul.u32 $0x2800, s11  }
0x9: {  	[smem:$0x7FF] =	sst s3;
	s4 =	sadd.s32 $0x16600, s6;
	s26 =	sshll.u32 s11, $0x6  }
0xa: {  	s1 =	sor.u32 s0, s1;
	s5 =	smul.u32 $0x28000, s0;
	s0 =	ssub.s32 $0x2, s0  }
0xb: {  	_ =	strace $0x8000004A;
	s1 =	smul.u32 $0x4F0, s1;
	s9 =	sshrl.u32 s0, $0x1  }
0xc: {  	s28 =	sadd.s32 s7, s2;
	s8 =	sadd.s32 s7, s5;
	s5 =	sadd.s32 $0xC200, s6  }
0xd: {  	s0 =	ssub.s32 s0, s9;
	s11 =	sshrl.u32 s28, $0x3;
	s8 =	sshrl.u32 s8, $0x3  }
0xe: {  	s1 =	sadd.s32 s1, s6;
	s10 =	sadd.s32 s8, s6;
	s6 =	sor.u32 $0x1C06, s26  }
0xf: {  	s7 =	sadd.s32 $0xC800, s1;
	s8 =	sadd.s32 $0x2200, s1;
	s26 =	simm.s32 $0x5  }
0x10: {  	s1 =	simm.s32 $0x0;
	s9 =	sadd.s32 $0x1B600, s10;
	s10 =	smax.u32 s0, $0x1  }
.LBB2_1:
0x11: {  	[spmem:s11], [sflag:s6] =	dma.local [hbm:s5], $0x500  }
0x12: {  	_ =	swait.ge [sflag:s12], $0x500  }
0x13: {  	[sflag:s12] =	ssyncset.done $0x0  }
0x14: {  	[sflag:s12] =	ssyncadd.s32 $0xFFFFFB00  }
0x15: {  	[tilespmem:s3], [sflag:$0x6] =	stream.linear.gather [hbm4b:s7+s3], $0x2780, $0x38;
	[tilespmem:$0x9F00] =	vst v63  }
0x16: {  	_ =	swait.ge [sflag:s12], $0x2780  }
0x17: {  	[sflag:s12] =	ssyncset.done $0x0  }
0x18: {  	s0 =	simm.s32 $0x2780;
	[sflag:s12] =	ssyncadd.s32 $0xFFFFD880  }
0x19: {  	[tilespmem:s0], [sflag:$0x6] =	stream.linear.gather [hbm4b:s8+s3], $0x2780, $0x38;
	[tilespmem:$0x9F00] =	vst v63  }
0x1a: {  	_ =	swait.ge [sflag:s12], $0x2780  }
0x1b: {  	[sflag:s12] =	ssyncset.done $0x0  }
0x1c: {  	[sflag:s12] =	ssyncadd.s32 $0xFFFFD880  }
0x1d: {  	[bflag:$0x0] =	sbarrier.arrive $0xFFFF  }
0x1e: {  	[tilespmem:s15], [sflag:$0x1] =	stream.indirect.gather [hbm4b:s4+s14], $0x10, s3, s14, $0xb8;
	[tilespmem:$0x9F00] =	vst v63  }
0x1f: {  	_ = 	snop  }
0x20: {  	[tilespmem:s16], [sflag:$0x2] =	stream.indirect.gather [hbm4b:s4+s14], $0x10, s14, s14, $0xb8;
	[tilespmem:$0x9F00] =	vst v63  }
0x21: {  	s13 =	simm.s32 $0x100  }
0x22: {  	[tilespmem:s18], [sflag:$0x3] =	stream.indirect.gather [hbm4b:s4+s14], $0x10, s13, s14, $0xb8;
	[tilespmem:$0x9F00] =	vst v63  }
0x23: {  	s17 =	simm.s32 $0x180  }
0x24: {  	[tilespmem:s20], [sflag:$0x4] =	stream.indirect.gather [hbm4b:s4+s14], $0x10, s17, s14, $0xb8;
	[tilespmem:$0x9F00] =	vst v63  }
0x25: {  	s19 =	simm.s32 $0x200  }
0x26: {  	[tilespmem:s21], [sflag:$0x5] =	stream.indirect.gather [hbm4b:s4+s14], $0x10, s19, s14, $0xb8;
	[tilespmem:$0x9F00] =	vst v63  }
0x27: {  	_ =	swait.ge [sflag:s22], $0x800  }
0x28: {  	[sflag:s22] =	ssyncset.done $0x0  }
0x29: {  	s28 =	simm.s32 $0x2780;
	[sflag:s22] =	ssyncadd.s32 $0xFFFFF800  }
0x2a: {  	[spmem:s2] =	stream.indirect.scatter.add.f32 [tilespmem:s15], [sflag:$0x6], $0x10, s28, s14, $0xb8;
	[tilespmem:$0x9F00] =	vst v63  }
0x2b: {  	_ =	swait.ge [sflag:s12], $0x800  }
0x2c: {  	[sflag:s12] =	ssyncset.done $0x0  }
0x2d: {  	s13 =	simm.s32 $0x280;
	[sflag:s12] =	ssyncadd.s32 $0xFFFFF800  }
0x2e: {  	[tilespmem:s15], [sflag:$0x1] =	stream.indirect.gather [hbm4b:s4+s14], $0x10, s13, s14, $0xb8;
	[tilespmem:$0x9F00] =	vst v63  }
0x2f: {  	_ =	swait.ge [sflag:s23], $0x800  }
0x30: {  	[sflag:s23] =	ssyncset.done $0x0  }
0x31: {  	s17 =	simm.s32 $0x2800;
	[sflag:s23] =	ssyncadd.s32 $0xFFFFF800  }
0x32: {  	[spmem:s2] =	stream.indirect.scatter.add.f32 [tilespmem:s16], [sflag:$0x6], $0x10, s17, s14, $0xb8;
	[tilespmem:$0x9F00] =	vst v63  }
0x33: {  	_ =	swait.ge [sflag:s12], $0x800  }
0x34: {  	[sflag:s12] =	ssyncset.done $0x0  }
0x35: {  	s19 =	simm.s32 $0x300;
	[sflag:s12] =	ssyncadd.s32 $0xFFFFF800  }
0x36: {  	[tilespmem:s16], [sflag:$0x2] =	stream.indirect.gather [hbm4b:s4+s14], $0x10, s19, s14, $0xb8;
	[tilespmem:$0x9F00] =	vst v63  }
0x37: {  	_ =	swait.ge [sflag:s24], $0x800  }
0x38: {  	[sflag:s24] =	ssyncset.done $0x0  }
0x39: {  	s28 =	simm.s32 $0x2880;
	[sflag:s24] =	ssyncadd.s32 $0xFFFFF800  }
0x3a: {  	[spmem:s2] =	stream.indirect.scatter.add.f32 [tilespmem:s18], [sflag:$0x6], $0x10, s28, s14, $0xb8;
	[tilespmem:$0x9F00] =	vst v63  }
0x3b: {  	_ =	swait.ge [sflag:s12], $0x800  }
0x3c: {  	[sflag:s12] =	ssyncset.done $0x0  }
0x3d: {  	s13 =	simm.s32 $0x380;
	[sflag:s12] =	ssyncadd.s32 $0xFFFFF800  }
0x3e: {  	[tilespmem:s18], [sflag:$0x3] =	stream.indirect.gather [hbm4b:s4+s14], $0x10, s13, s14, $0xb8;
	[tilespmem:$0x9F00] =	vst v63  }
0x3f: {  	_ =	swait.ge [sflag:s25], $0x800  }
0x40: {  	[sflag:s25] =	ssyncset.done $0x0  }
0x41: {  	s17 =	simm.s32 $0x2900;
	[sflag:s25] =	ssyncadd.s32 $0xFFFFF800  }
0x42: {  	[spmem:s2] =	stream.indirect.scatter.add.f32 [tilespmem:s20], [sflag:$0x6], $0x10, s17, s14, $0xb8;
	[tilespmem:$0x9F00] =	vst v63  }
0x43: {  	_ =	swait.ge [sflag:s12], $0x800  }
0x44: {  	[sflag:s12] =	ssyncset.done $0x0  }
0x45: {  	s19 =	simm.s32 $0x400;
	[sflag:s12] =	ssyncadd.s32 $0xFFFFF800  }
0x46: {  	[tilespmem:s20], [sflag:$0x4] =	stream.indirect.gather [hbm4b:s4+s14], $0x10, s19, s14, $0xb8;
	[tilespmem:$0x9F00] =	vst v63  }
0x47: {  	_ =	swait.ge [sflag:s26], $0x800  }
0x48: {  	[sflag:s26] =	ssyncset.done $0x0  }
0x49: {  	s28 =	simm.s32 $0x2980;
	[sflag:s26] =	ssyncadd.s32 $0xFFFFF800  }
0x4a: {  	[spmem:s2] =	stream.indirect.scatter.add.f32 [tilespmem:s21], [sflag:$0x6], $0x10, s28, s14, $0xb8;
	[tilespmem:$0x9F00] =	vst v63  }
0x4b: {  	_ =	swait.ge [sflag:s12], $0x800  }
0x4c: {  	s0 =	simm.s32 $0x280;
	s13 =	simm.s32 $0x1400;
	[sflag:s12] =	ssyncset.done $0x0  }
.LBB2_2:
0x4d: {  	s28 =	sadd.s32 $0x200, s0  }
0x4e: {  	[sflag:s12] =	ssyncadd.s32 $0xFFFFF800;
	s17 =	smov.u32 s13;
	s19 =	sadd.s32 $0xA00, s13  }
0x4f: {  	[tilespmem:s21], [sflag:$0x5] =	stream.indirect.gather [hbm4b:s4+s14], $0x10, s28, s14, $0xb8;
	[tilespmem:$0x9F00] =	vst v63  }
0x50: {  	p0 =	sne.s32 s13, $0x8C00;
	_ =	swait.ge [sflag:s22], $0x800  }
0x51: {  	[sflag:s22] =	ssyncset.done $0x0  }
0x52: {  	s13 =	sadd.s32 $0x2780, s0;
	[sflag:s22] =	ssyncadd.s32 $0xFFFFF800  }
0x53: {  	[spmem:s2] =	stream.indirect.scatter.add.f32 [tilespmem:s15], [sflag:$0x6], $0x10, s13, s14, $0xb8;
	[tilespmem:$0x9F00] =	vst v63  }
0x54: {  	_ =	swait.ge [sflag:s12], $0x800  }
0x55: {  	[sflag:s12] =	ssyncset.done $0x0  }
0x56: {  	s13 =	sadd.s32 $0x280, s0;
	[sflag:s12] =	ssyncadd.s32 $0xFFFFF800  }
0x57: {  	[tilespmem:s15], [sflag:$0x1] =	stream.indirect.gather [hbm4b:s4+s14], $0x10, s13, s14, $0xb8;
	[tilespmem:$0x9F00] =	vst v63  }
0x58: {  	_ =	swait.ge [sflag:s23], $0x800  }
0x59: {  	[sflag:s23] =	ssyncset.done $0x0  }
0x5a: {  	s13 =	sadd.s32 $0x2800, s0;
	[sflag:s23] =	ssyncadd.s32 $0xFFFFF800  }
0x5b: {  	[spmem:s2] =	stream.indirect.scatter.add.f32 [tilespmem:s16], [sflag:$0x6], $0x10, s13, s14, $0xb8;
	[tilespmem:$0x9F00] =	vst v63  }
0x5c: {  	_ =	swait.ge [sflag:s12], $0x800  }
0x5d: {  	[sflag:s12] =	ssyncset.done $0x0  }
0x5e: {  	s13 =	sadd.s32 $0x300, s0;
	[sflag:s12] =	ssyncadd.s32 $0xFFFFF800  }
0x5f: {  	[tilespmem:s16], [sflag:$0x2] =	stream.indirect.gather [hbm4b:s4+s14], $0x10, s13, s14, $0xb8;
	[tilespmem:$0x9F00] =	vst v63  }
0x60: {  	_ =	swait.ge [sflag:s24], $0x800  }
0x61: {  	[sflag:s24] =	ssyncset.done $0x0  }
0x62: {  	s13 =	sadd.s32 $0x2880, s0;
	[sflag:s24] =	ssyncadd.s32 $0xFFFFF800  }
0x63: {  	[spmem:s2] =	stream.indirect.scatter.add.f32 [tilespmem:s18], [sflag:$0x6], $0x10, s13, s14, $0xb8;
	[tilespmem:$0x9F00] =	vst v63  }
0x64: {  	_ =	swait.ge [sflag:s12], $0x800  }
0x65: {  	[sflag:s12] =	ssyncset.done $0x0  }
0x66: {  	s13 =	sadd.s32 $0x380, s0;
	[sflag:s12] =	ssyncadd.s32 $0xFFFFF800  }
0x67: {  	[tilespmem:s18], [sflag:$0x3] =	stream.indirect.gather [hbm4b:s4+s14], $0x10, s13, s14, $0xb8;
	[tilespmem:$0x9F00] =	vst v63  }
0x68: {  	_ =	swait.ge [sflag:s25], $0x800  }
0x69: {  	[sflag:s25] =	ssyncset.done $0x0  }
0x6a: {  	s13 =	sadd.s32 $0x2900, s0;
	[sflag:s25] =	ssyncadd.s32 $0xFFFFF800  }
0x6b: {  	[spmem:s2] =	stream.indirect.scatter.add.f32 [tilespmem:s20], [sflag:$0x6], $0x10, s13, s14, $0xb8;
	[tilespmem:$0x9F00] =	vst v63  }
0x6c: {  	_ =	swait.ge [sflag:s12], $0x800  }
0x6d: {  	[sflag:s12] =	ssyncset.done $0x0  }
0x6e: {  	s13 =	sadd.s32 $0x400, s0;
	[sflag:s12] =	ssyncadd.s32 $0xFFFFF800  }
0x6f: {  	[tilespmem:s20], [sflag:$0x4] =	stream.indirect.gather [hbm4b:s4+s14], $0x10, s13, s14, $0xb8;
	[tilespmem:$0x9F00] =	vst v63  }
0x70: {  	_ =	swait.ge [sflag:s26], $0x800  }
.Ltmp0:
0x71: {  	[sflag:s26] =	ssyncset.done $0x0;
	(pc) =	sbr.rel @p0 .LBB2_2-.Ltmp0, $4  }
0x72: {  	s0 =	sadd.s32 $0x2980, s0;
	[sflag:s26] =	ssyncadd.s32 $0xFFFFF800  }
0x73: {  	[spmem:s2] =	stream.indirect.scatter.add.f32 [tilespmem:s21], [sflag:$0x6], $0x10, s0, s14, $0xb8;
	[tilespmem:$0x9F00] =	vst v63  }
0x74: {  	_ =	swait.ge [sflag:s12], $0x800  }
0x75: {  	s13 =	smov.u32 s19;
	s0 =	sshra.s32 s17, $0x2;
	[sflag:s12] =	ssyncset.done $0x0  }
0x76: {  	s13 =	sadd.s32 $0x200, s0;
	[sflag:s12] =	ssyncadd.s32 $0xFFFFF800  }
0x77: {  	[tilespmem:s21], [sflag:$0x5] =	stream.indirect.gather [hbm4b:s4+s14], $0x10, s13, s14, $0xb8;
	[tilespmem:$0x9F00] =	vst v63  }
0x78: {  	_ =	swait.ge [sflag:s22], $0x800  }
0x79: {  	[sflag:s22] =	ssyncset.done $0x0  }
0x7a: {  	s28 =	sadd.s32 $0x2780, s0;
	[sflag:s22] =	ssyncadd.s32 $0xFFFFF800  }
0x7b: {  	[spmem:s2] =	stream.indirect.scatter.add.f32 [tilespmem:s15], [sflag:$0x6], $0x10, s28, s14, $0xb8;
	[tilespmem:$0x9F00] =	vst v63  }
0x7c: {  	_ =	swait.ge [sflag:s12], $0x800  }
0x7d: {  	[sflag:s12] =	ssyncset.done $0x0  }
0x7e: {  	s17 =	sadd.s32 $0x280, s0;
	[sflag:s12] =	ssyncadd.s32 $0xFFFFF800  }
0x7f: {  	[tilespmem:s15], [sflag:$0x1] =	stream.indirect.gather [hbm4b:s4+s14], $0x10, s17, s14, $0xb8;
	[tilespmem:$0x9F00] =	vst v63  }
0x80: {  	_ =	swait.ge [sflag:s23], $0x800  }
0x81: {  	[sflag:s23] =	ssyncset.done $0x0  }
0x82: {  	s19 =	sadd.s32 $0x2800, s0;
	[sflag:s23] =	ssyncadd.s32 $0xFFFFF800  }
0x83: {  	[spmem:s2] =	stream.indirect.scatter.add.f32 [tilespmem:s16], [sflag:$0x6], $0x10, s19, s14, $0xb8;
	[tilespmem:$0x9F00] =	vst v63  }
0x84: {  	_ =	swait.ge [sflag:s12], $0x800  }
0x85: {  	[sflag:s12] =	ssyncset.done $0x0  }
0x86: {  	s28 =	sadd.s32 $0x300, s0;
	[sflag:s12] =	ssyncadd.s32 $0xFFFFF800  }
0x87: {  	[tilespmem:s16], [sflag:$0x2] =	stream.indirect.gather [hbm4b:s4+s14], $0x10, s28, s14, $0xb8;
	[tilespmem:$0x9F00] =	vst v63  }
0x88: {  	_ =	swait.ge [sflag:s24], $0x800  }
0x89: {  	[sflag:s24] =	ssyncset.done $0x0  }
0x8a: {  	s17 =	sadd.s32 $0x2880, s0;
	[sflag:s24] =	ssyncadd.s32 $0xFFFFF800  }
0x8b: {  	[spmem:s2] =	stream.indirect.scatter.add.f32 [tilespmem:s18], [sflag:$0x6], $0x10, s17, s14, $0xb8;
	[tilespmem:$0x9F00] =	vst v63  }
0x8c: {  	_ =	swait.ge [sflag:s12], $0x800  }
0x8d: {  	[sflag:s12] =	ssyncset.done $0x0  }
0x8e: {  	s19 =	sadd.s32 $0x380, s0;
	[sflag:s12] =	ssyncadd.s32 $0xFFFFF800  }
0x8f: {  	[tilespmem:s18], [sflag:$0x3] =	stream.indirect.gather [hbm4b:s4+s14], $0x10, s19, s14, $0xb8;
	[tilespmem:$0x9F00] =	vst v63  }
0x90: {  	_ =	swait.ge [sflag:s25], $0x800  }
0x91: {  	[sflag:s25] =	ssyncset.done $0x0  }
0x92: {  	s28 =	sadd.s32 $0x2900, s0;
	[sflag:s25] =	ssyncadd.s32 $0xFFFFF800  }
0x93: {  	[spmem:s2] =	stream.indirect.scatter.add.f32 [tilespmem:s20], [sflag:$0x6], $0x10, s28, s14, $0xb8;
	[tilespmem:$0x9F00] =	vst v63  }
0x94: {  	_ =	swait.ge [sflag:s12], $0x800  }
0x95: {  	[sflag:s12] =	ssyncset.done $0x0  }
0x96: {  	s17 =	sadd.s32 $0x400, s0;
	[sflag:s12] =	ssyncadd.s32 $0xFFFFF800  }
0x97: {  	[tilespmem:s20], [sflag:$0x4] =	stream.indirect.gather [hbm4b:s4+s14], $0x10, s17, s14, $0xb8;
	[tilespmem:$0x9F00] =	vst v63  }
0x98: {  	_ =	swait.ge [sflag:s26], $0x800  }
0x99: {  	[sflag:s26] =	ssyncset.done $0x0  }
0x9a: {  	s19 =	sadd.s32 $0x2980, s0;
	[sflag:s26] =	ssyncadd.s32 $0xFFFFF800  }
0x9b: {  	[spmem:s2] =	stream.indirect.scatter.add.f32 [tilespmem:s21], [sflag:$0x6], $0x10, s19, s14, $0xb8;
	[tilespmem:$0x9F00] =	vst v63  }
0x9c: {  	_ =	swait.ge [sflag:s12], $0x800  }
0x9d: {  	[sflag:s12] =	ssyncset.done $0x0  }
0x9e: {  	[sflag:s12] =	ssyncadd.s32 $0xFFFFF800  }
0x9f: {  	_ =	swait.ge [sflag:s22], $0x800  }
0xa0: {  	[sflag:s22] =	ssyncset.done $0x0  }
0xa1: {  	s28 =	simm.s32 $0x4D00;
	[sflag:s22] =	ssyncadd.s32 $0xFFFFF800  }
0xa2: {  	[spmem:s2] =	stream.indirect.scatter.add.f32 [tilespmem:s15], [sflag:$0x6], $0x10, s28, s14, $0xb8;
	[tilespmem:$0x9F00] =	vst v63  }
0xa3: {  	_ =	swait.ge [sflag:s12], $0x800  }
0xa4: {  	[sflag:s12] =	ssyncset.done $0x0  }
0xa5: {  	[sflag:s12] =	ssyncadd.s32 $0xFFFFF800  }
0xa6: {  	_ =	swait.ge [sflag:s23], $0x800  }
0xa7: {  	[sflag:s23] =	ssyncset.done $0x0  }
0xa8: {  	[sflag:s23] =	ssyncadd.s32 $0xFFFFF800  }
0xa9: {  	[spmem:s2] =	stream.indirect.scatter.add.f32 [tilespmem:s16], [sflag:$0x6], $0x10, s29, s14, $0xb8;
	[tilespmem:$0x9F00] =	vst v63  }
0xaa: {  	_ =	swait.ge [sflag:s12], $0x800  }
0xab: {  	[sflag:s12] =	ssyncset.done $0x0  }
0xac: {  	[sflag:s12] =	ssyncadd.s32 $0xFFFFF800  }
0xad: {  	_ =	swait.ge [sflag:s24], $0x800  }
0xae: {  	[sflag:s24] =	ssyncset.done $0x0  }
0xaf: {  	[sflag:s24] =	ssyncadd.s32 $0xFFFFF800  }
0xb0: {  	[spmem:s2] =	stream.indirect.scatter.add.f32 [tilespmem:s18], [sflag:$0x6], $0x10, s30, s14, $0xb8;
	[tilespmem:$0x9F00] =	vst v63  }
0xb1: {  	_ =	swait.ge [sflag:s12], $0x800  }
0xb2: {  	[sflag:s12] =	ssyncset.done $0x0  }
0xb3: {  	[sflag:s12] =	ssyncadd.s32 $0xFFFFF800  }
0xb4: {  	_ =	swait.ge [sflag:s25], $0x800  }
0xb5: {  	[sflag:s25] =	ssyncset.done $0x0  }
0xb6: {  	[sflag:s25] =	ssyncadd.s32 $0xFFFFF800  }
0xb7: {  	[spmem:s2] =	stream.indirect.scatter.add.f32 [tilespmem:s20], [sflag:$0x6], $0x10, s31, s14, $0xb8;
	[tilespmem:$0x9F00] =	vst v63  }
0xb8: {  	_ =	swait.ge [sflag:s12], $0x800  }
0xb9: {  	s1 =	sadd.s32 $0x1, s1;
	[sflag:s12] =	ssyncset.done $0x0  }
0xba: {  	p0 =	sne.s32 s1, s10;
	[sflag:s12] =	ssyncadd.s32 $0xFFFFF800  }
.Ltmp1:
0xbb: {  	[bflag:$0x0] =	sbarrier.arrive $0xFFFF;
	(pc) =	sbr.rel @p0 .LBB2_1-.Ltmp1, $4  }
0xbc: {  	[hbm:s9], [sflag:s6] =	dma.local [spmem:s11], $0x500  }
0xbd: {  	_ =	swait.ge [sflag:s12], $0x500  }
0xbe: {  	[sflag:s12] =	ssyncset.done $0x0  }
0xbf: {  	[sflag:s12] =	ssyncadd.s32 $0xFFFFFB00  }
0xc0: {  	_ =	sfence.sel $0x180000  }
0xc1: {  	[bflag:$0x0] =	sbarrier.arrive $0xFFFF  }
0xc2: {  	_ =	strace $0x9000004A  }
0xc3: {  	s0 =	stileid.u32;
	[bflag:$0x2] =	sbarrier.arrive $0xFFFF  }
0xc4: {  	p0 =	sne.s32 s0, $0x0;
	s0 =	rddreg [dreg:$0x2]  }
0xc5: {  	s0 =	sadd.s32 @!p0 $0x100000, s0  }
0xc6: {  	[sflag:s0] =	ssyncadd.tile.s32 @!p0 $0x1;
	_ =	shalt  }
.Lfunc_end2:
_tile_overlayer_lowered:
.L_overlay_start_2:
0xc7: {  	(tag) =	ssettag $0x2  }
0xc8: {  	s0 =	rddreg [dreg:$0x0];
	s2 =	stileid.u32  }
0xc9: {  	s1 =	rddreg [dreg:$0x1];
	p0 =	sne.s32 s2, $0x0  }
0xca: {  	s3 =	rddreg [dreg:$0x2];
	[bflag:$0x3] =	sbarrier.arrive $0xFFFF;
	s2 =	simm.s32 @!p0 $0x1C06  }
0xcb: {  	[timem:s3], [sflag:s2] =	dma.local @!p0 [hbm:s0], s1  }
0xcc: {  	s0 =	simm.s32 @!p0 $0x6  }
0xcd: {  	_ =	swait.ge @!p0 [sflag:s0], s1  }
0xce: {  	s1 =	ssub.s32 @!p0 $0x0, s1;
	[sflag:s0] =	ssyncset.done @!p0 $0x0  }
0xcf: {  	[sflag:s0] =	ssyncadd.s32 @!p0 s1  }
0xd0: {  	[bflag:$0x3] =	sbarrier.arrive $0xFFFF  }
0xd1: {  	_ =	shalt  }

// kernel: kernel.14.cloned.1.call-start
scs
__scs_entry_jumppad:
0x0: {  	(pc) =	sbr.rel $0x88, $3  }
0x1: {  	(tag) =	ssettag $0x0;
	lr =	simm.s32 $0x1  }
0x2: {  	[smem:$0x3F97] =	sst lr;
	_ =	strace $0xD0000000  }
0x3: {  	_ = 	snop  }
0x4: {  	_ = 	snop  }
0x5: {  	_ = 	snop  }
0x6: {  	_ = 	snop  }
0x7: {  	_ = 	snop  }
__scs_overlays_trampoline_lowered:
0x8: {  	[smem:$0x3FA6] =	sst s0  }
0x9: {  	[smem:$0x3FA7] =	sst s1  }
0xa: {  	[smem:$0x3FA8] =	sst s2  }
0xb: {  	[smem:$0x3FA9] =	sst s3  }
0xc: {  	[smem:$0x3FAA] =	sst s4  }
0xd: {  	[smem:$0x3FAB] =	sst s5  }
0xe: {  	[smem:$0x3FAC] =	sst s6  }
0xf: {  	[smem:$0x3FAD] =	sst s7  }
0x10: {  	[smem:$0x3FAE] =	sst s8  }
0x11: {  	[smem:$0x3FAF] =	sst s9;
	s0 =	simm.s32 @!p0 $0x0  }
0x12: {  	s1 =	sld [smem:$0x3F95];
	s0 =	simm.s32 @p0 $0x1  }
0x13: {  	[smem:$0x3FB0] =	sst s0;
	s0 =	simm.s32 @!p1 $0x0  }
0x14: {  	s2 =	sld [smem:$0x3F94];
	s0 =	simm.s32 @p1 $0x1  }
0x15: {  	[smem:$0x3FB1] =	sst s0;
	s0 =	simm.s32 @!p2 $0x0  }
0x16: {  	s3 =	sld [smem:$0x3FDB];
	s0 =	simm.s32 @p2 $0x1  }
0x17: {  	s4 =	simm.s32 $0x1BF5;
	[smem:$0x3FB3] =	sst s0  }
0x18: {  	s0 =	sld [smem:$0x3F96];
	_ =	swait.ge [sflag:s4], $0x0  }
0x19: {  	s7 =	sld [smem:$0x3F97]  }
0x1a: {  	s8 =	sadd.s32 $0xFFFFE003, lr  }
0x1b: {  	s9 =	sadd.s32 $0xFFFFFEF7, lr;
	s5 =	simm.s32 $0xFFFFFFFF;
	p2 =	slt.u32 s8, $0xFFFFF086  }
0x1c: {  	p1 =	slt.u32 s9, $0xF7A;
	s5 =	simm.s32 @!p2 $0x0  }
0x1d: {  	s5 =	simm.s32 @p1 $0x1;
	p0 =	seq.s32 s7, s2  }
0x1e: {  	s7 =	smul.u32 @!p0 $0xF7A, s2;
	p2 =	seq.s32 @!p0 s5, $0x0  }
0x1f: {  	s9 =	smul.u32 $0xF7A, s1;
	s8 =	simm.s32 @!p0 $0x1BF5;
	p2 =	por !p2, p0  }
0x20: {  	[sflag:s8] =	ssyncset.s32 @!p0 $0xFFFFF086;
	s6 =	sadd.s32 @!p0 s3, s7;
	s7 =	simm.s32 @!p0 $0x108  }
0x21: {  	s3 =	sadd.s32 s3, s9;
	s6 =	sadd.s32 @!p0 $0x88, s6;
	s7 =	simm.s32 @p2 $0x1082  }
0x22: {  	[simem:s7], [sflag:s8] =	dma.local @!p0 [hbm:s6], $0xF7A  }
0x23: {  	s9 =	sor.u32 $0xD0000000, s2;
	s6 =	simm.s32 $0x108;
	_ =	swait.ge @!p0 [sflag:s8], $0x0  }
0x24: {  	s3 =	sadd.s32 $0x88, s3;
	s6 =	simm.s32 @!p1 $0x1082;
	[sflag:s4] =	ssyncset.s32 $0xFFFFF086  }
0x25: {  	[simem:s6], [sflag:s4] =	dma.local [hbm:s3], $0xF7A  }
0x26: {  	[smem:$0x3F97] =	sst s1;
	(tag) =	ssettag s2;
	_ =	strace s9  }
0x27: {  	s1 =	sld [smem:$0x3FA7]  }
0x28: {  	s2 =	sld [smem:$0x3FA8]  }
0x29: {  	s4 =	sld [smem:$0x3FAA]  }
0x2a: {  	p0 =	seq.s32 s5, $0x0;
	s5 =	sld [smem:$0x3FAB]  }
0x2b: {  	s6 =	sld [smem:$0x3FAC]  }
0x2c: {  	s7 =	sld [smem:$0x3FAD]  }
0x2d: {  	s3 =	simm.s32 $0x108;
	s8 =	sld [smem:$0x3FAE]  }
0x2e: {  	s3 =	simm.s32 @!p0 $0x1082;
	s9 =	sld [smem:$0x3FAF]  }
0x2f: {  	lr =	sadd.s32 s0, s3;
	s0 =	sld [smem:$0x3FA6]  }
0x30: {  	s3 =	sld [smem:$0x3FA9]  }
0x31: {  	[smem:$0x3FB2] =	sst s10  }
0x32: {  	s10 =	sld [smem:$0x3FB0];
	_ =	sdelay $0x3  }
0x33: {  	p0 =	seq.s32 s10, $0x1;
	s10 =	sld [smem:$0x3FB2];
	_ =	sdelay $0x3  }
0x34: {  	[smem:$0x3FB2] =	sst s10  }
0x35: {  	s10 =	sld [smem:$0x3FB1];
	_ =	sdelay $0x3  }
0x36: {  	p1 =	seq.s32 s10, $0x1;
	s10 =	sld [smem:$0x3FB2];
	_ =	sdelay $0x3  }
0x37: {  	[smem:$0x3FB2] =	sst s10  }
0x38: {  	s10 =	sld [smem:$0x3FB3]  }
0x39: {  	_ = 	snop;
	(pc) =	sbr.ind lr, $3  }
0x3a: {  	_ = 	snop  }
0x3b: {  	_ = 	snop  }
0x3c: {  	p2 =	seq.s32 s10, $0x1;
	s10 =	sld [smem:$0x3FB2]  }
0x3d: {  	_ =	shalt  }
0x3e: {  	_ =	shalt  }
0x3f: {  	_ =	shalt  }
0x40: {  	_ =	shalt  }
0x41: {  	_ =	shalt  }
0x42: {  	_ =	shalt  }
0x43: {  	_ =	shalt  }
0x44: {  	_ =	shalt  }
0x45: {  	_ =	shalt  }
0x46: {  	_ =	shalt  }
0x47: {  	_ =	shalt  }
0x48: {  	_ =	shalt  }
0x49: {  	_ =	shalt  }
0x4a: {  	_ =	shalt  }
0x4b: {  	_ =	shalt  }
0x4c: {  	_ =	shalt  }
0x4d: {  	_ =	shalt  }
0x4e: {  	_ =	shalt  }
0x4f: {  	_ =	shalt  }
0x50: {  	_ =	shalt  }
0x51: {  	_ =	shalt  }
0x52: {  	_ =	shalt  }
0x53: {  	_ =	shalt  }
0x54: {  	_ =	shalt  }
0x55: {  	_ =	shalt  }
0x56: {  	_ =	shalt  }
0x57: {  	_ =	shalt  }
0x58: {  	_ =	shalt  }
0x59: {  	_ =	shalt  }
0x5a: {  	_ =	shalt  }
0x5b: {  	_ =	shalt  }
0x5c: {  	_ =	shalt  }
0x5d: {  	_ =	shalt  }
0x5e: {  	_ =	shalt  }
0x5f: {  	_ =	shalt  }
0x60: {  	_ =	shalt  }
0x61: {  	_ =	shalt  }
0x62: {  	_ =	shalt  }
0x63: {  	_ =	shalt  }
0x64: {  	_ =	shalt  }
0x65: {  	_ =	shalt  }
0x66: {  	_ =	shalt  }
0x67: {  	_ =	shalt  }
0x68: {  	_ =	shalt  }
0x69: {  	_ =	shalt  }
0x6a: {  	_ =	shalt  }
0x6b: {  	_ =	shalt  }
0x6c: {  	_ =	shalt  }
0x6d: {  	_ =	shalt  }
0x6e: {  	_ =	shalt  }
0x6f: {  	_ =	shalt  }
0x70: {  	_ =	shalt  }
0x71: {  	_ =	shalt  }
0x72: {  	_ =	shalt  }
0x73: {  	_ =	shalt  }
0x74: {  	_ =	shalt  }
0x75: {  	_ =	shalt  }
0x76: {  	_ =	shalt  }
0x77: {  	_ =	shalt  }
0x78: {  	_ =	shalt  }
0x79: {  	_ =	shalt  }
0x7a: {  	_ =	shalt  }
0x7b: {  	_ =	shalt  }
0x7c: {  	_ =	shalt  }
0x7d: {  	_ =	shalt  }
0x7e: {  	_ =	shalt  }
0x7f: {  	_ =	shalt  }
0x80: {  	_ =	shalt  }
0x81: {  	_ =	shalt  }
0x82: {  	_ =	shalt  }
0x83: {  	_ =	shalt  }
0x84: {  	_ =	shalt  }
0x85: {  	_ =	shalt  }
0x86: {  	_ =	shalt  }
0x87: {  	_ =	shalt  }
.Lfunc_end0:
.L_simem_size_0:
called_computation.2_lowered:
.L_overlay_start_0:
0x88: {  	s2 =	sld [smem:$0x3FD9]  }
0x89: {  	s3 =	sld [smem:$0x3FFE];
	_ =	sdelay $0x1  }
0x8a: {  	s1 =	srdreg.scid  }
0x8b: {  	s0 =	sand.u32 $0x1, s1  }
0x8c: {  	s17 =	sshll.u32 s0, $0xA;
	s2 =	sadd.s32 s3, s2  }
0x8d: {  	s2 =	sadd.s32 s2, s17  }
0x8e: {  	[smem:$0x3FBE] =	sst s2  }
0x8f: {  	_ = 	snop  }
0x90: {  	s2 =	sld [smem:$0x3FD0];
	(tm) =	ssettm $0x1  }
0x91: {  	s18 =	sld [smem:$0x3FFB];
	_ =	sdelay $0x3  }
0x92: {  	_ =	strace s18  }
0x93: {  	s3 =	sld [smem:$0x3FFC];
	_ =	sdelay $0x3  }
0x94: {  	_ =	strace s3  }
0x95: {  	s3 =	sld [smem:$0x3FFD];
	_ =	sdelay $0x3  }
0x96: {  	_ =	strace s3  }
0x97: {  	_ =	strace $0x8FFFFFFF  }
0x98: {  	s19 =	sld [smem:$0x3FDB];
	_ =	sdelay $0x1  }
0x99: {  	s4 =	simm.s32 $_scs_section_size  }
0x9a: {  	s5 =	simm.s32 $_size__tile_overlayer_lowered;
	s6 =	simm.s32 $_tile_overlayer_lowered  }
0x9b: {  	s22 =	simm.s32 $0x1BFF;
	s21 =	sshll.u32 s6, $0x1;
	s3 =	sadd.s32 s4, s19  }
0x9c: {  	s7 =	simm.s32 $0x0;
	s20 =	sshll.u32 s5, $0x1;
	s5 =	sadd.s32 s21, s3  }
0x9d: {  	[timem:s7], [sflag:s22] =	dma.local [hbm:s5], s20  }
0x9e: {  	_ =	swait.ge [sflag:s22], s20  }
0x9f: {  	s4 =	ssub.s32 $0x0, s20;
	[sflag:s22] =	ssyncset.done $0x0  }
0xa0: {  	[sflag:s22] =	ssyncadd.s32 s4;
	_ =	sdelay $0x1  }
0xa1: {  	s23 =	simm.s32 $0x1B8B  }
0xa2: {  	_ =	swait.ge [sflag:s23], $0x1  }
0xa3: {  	[sflag:s23] =	ssyncset.done $0x0  }
0xa4: {  	s25 =	simm.s32 $0x1B8E;
	s24 =	sld [smem:$0x3FFE];
	[sflag:s23] =	ssyncadd.s32 $0xFFFFFFFF  }
0xa5: {  	s26 =	simm.s32 $execute0_lowered;
	[smem:$0x3FD2] =	sst s25  }
0xa6: {  	s5 =	sshll.u32 s26, $0x1;
	_ =	strace $0x8000004C;
	[dreg:$0x1] =	wrdreg $0xFFFFFFFF  }
0xa7: {  	s28 =	simm.s32 $_size_execute0_lowered;
	s3 =	sadd.s32 s3, s5;
	[dreg:$0x0] =	wrdreg $0x0  }
0xa8: {  	s5 =	sshll.u32 s28, $0x1;
	[dreg:$0x2] =	wrdreg s3  }
0xa9: {  	[dreg:$0x3] =	wrdreg s5  }
0xaa: {  	[dreg:$0x4] =	wrdreg $0xC0  }
0xab: {  	_ =	task [dreg:s7], $0x5FFFF  }
0xac: {  	[dreg:$0x1] =	wrdreg $0xFFFFFFFF  }
0xad: {  	[dreg:$0x0] =	wrdreg $0x60  }
0xae: {  	[dreg:$0x2] =	wrdreg s24  }
0xaf: {  	[dreg:$0x3] =	wrdreg s2  }
0xb0: {  	[dreg:$0x4] =	wrdreg $0x77000  }
0xb1: {  	[dreg:$0x5] =	wrdreg $0x9  }
0xb2: {  	_ =	task.clear_ibuf [dreg:s7], $0x6FFFF;
	_ =	strace $0x9000004C  }
0xb3: {  	s29 =	simm.s32 $0x9;
	_ =	strace $0x8000004E  }
0xb4: {  	_ =	swait.ge [sflag:s29], $0x1  }
0xb5: {  	[sflag:s29] =	ssyncadd.s32 $0xFFFFFFFF  }
0xb6: {  	_ =	strace $0x9000004E  }
0xb7: {  	_ =	sfence  }
0xb8: {  	s30 =	sld [smem:$0x0];
	_ =	sdelay $0x2  }
0xb9: {  	s31 =	sshll.u32 s1, $0xD;
	s1 =	sshrl.u32 s1, $0x2  }
0xba: {  	s3 =	sand.u32 $0x4000, s31;
	s1 =	sadd.s32 s1, s30  }
0xbb: {  	s0 =	sor.u32 s3, s0;
	s1 =	sshll.u32 s1, $0x11  }
0xbc: {  	s0 =	sor.u32 s1, s0  }
0xbd: {  	s0 =	sadd.s32 $0x8F2B, s0  }
0xbe: {  	[sflag:s0] =	ssyncadd.remote.s32 $0x1  }
0xbf: {  	_ =	sfence.sel $0xFFFF  }
0xc0: {  	[dreg:$0x0] =	wrdreg $0xFFFFFFFF;
	(pc) =	sbr.abs _section_cstart, $3  }
0xc1: {  	[dreg:$0x1] =	wrdreg $0xFFFFFFFF  }
0xc2: {  	_ =	task.clear_ibuf [dreg:s7], $0x2FFFF;
	_ =	strace $0x9FFFFFFF  }
0xc3: {  	(tm) =	ssettm $0x7FFFFFFF  }
tec
execute0_lowered:
.L_overlay_start_1:
0x0: {  	(tag) =	ssettag $0x1  }
0x1: {  	s0 =	rddreg [dreg:$0x0]  }
0x2: {  	s1 =	rddreg [dreg:$0x1]  }
0x3: {  	s3 =	srdreg.scid;
	s13 =	stileid.u32  }
0x4: {  	s2 =	rddreg [dreg:$0x2];
	s14 =	simm.s32 $0x80;
	s15 =	simm.s32 $0x4F00  }
0x5: {  	s16 =	simm.s32 $0x5700;
	s18 =	simm.s32 $0x5F00;
	s20 =	simm.s32 $0x6700  }
0x6: {  	s21 =	simm.s32 $0x6F00;
	s22 =	simm.s32 $0x1;
	s23 =	simm.s32 $0x2  }
0x7: {  	s24 =	simm.s32 $0x3;
	s29 =	simm.s32 $0x4D80;
	s30 =	simm.s32 $0x4E00  }
0x8: {  	s31 =	simm.s32 $0x4E80;
	s5 =	sand.u32 $0x1, s3;
	s4 =	sshll.u32 s13, $0x1  }
0x9: {  	s3 =	simm.s32 $0x0;
	s8 =	smul.u32 $0x2800, s13;
	s26 =	sshll.u32 s13, $0x6  }
0xa: {  	s4 =	sor.u32 s5, s4;
	[smem:$0x7FF] =	sst s3;
	s10 =	smul.u32 $0x28000, s5  }
0xb: {  	s7 =	ssub.s32 $0x2, s5;
	s5 =	sadd.s32 $0xC200, s0;
	s6 =	smul.u32 $0x4F0, s4  }
0xc: {  	_ =	strace $0x8000004D;
	s4 =	sadd.s32 $0x16600, s0;
	s9 =	sshrl.u32 s7, $0x1  }
0xd: {  	s12 =	sadd.s32 s8, s2;
	s25 =	ssub.s32 s7, s9;
	s8 =	sadd.s32 s8, s10  }
0xe: {  	s11 =	sadd.s32 s6, s0;
	s6 =	sor.u32 $0x1C06, s26;
	s28 =	sshrl.u32 s8, $0x3  }
0xf: {  	s10 =	smax.u32 s25, $0x1;
	s25 =	simm.s32 $0x4;
	s26 =	simm.s32 $0x5  }
0x10: {  	s7 =	sadd.s32 $0xC800, s11;
	s8 =	sadd.s32 $0x2200, s11;
	s9 =	sadd.s32 s1, s28  }
0x11: {  	s11 =	sshrl.u32 s12, $0x3;
	s12 =	simm.s32 $0x6;
	s1 =	simm.s32 $0x0  }
.LBB2_1:
0x12: {  	[spmem:s11], [sflag:s6] =	dma.local [hbm:s5], $0x500  }
0x13: {  	_ =	swait.ge [sflag:s12], $0x500  }
0x14: {  	[sflag:s12] =	ssyncset.done $0x0  }
0x15: {  	[sflag:s12] =	ssyncadd.s32 $0xFFFFFB00  }
0x16: {  	[tilespmem:s3], [sflag:$0x6] =	stream.linear.gather [hbm4b:s7+s3], $0x2780, $0x38;
	[tilespmem:$0x9F00] =	vst v63  }
0x17: {  	_ =	swait.ge [sflag:s12], $0x2780  }
0x18: {  	[sflag:s12] =	ssyncset.done $0x0  }
0x19: {  	s0 =	simm.s32 $0x2780;
	[sflag:s12] =	ssyncadd.s32 $0xFFFFD880  }
0x1a: {  	[tilespmem:s0], [sflag:$0x6] =	stream.linear.gather [hbm4b:s8+s3], $0x2780, $0x38;
	[tilespmem:$0x9F00] =	vst v63  }
0x1b: {  	_ =	swait.ge [sflag:s12], $0x2780  }
0x1c: {  	[sflag:s12] =	ssyncset.done $0x0  }
0x1d: {  	[sflag:s12] =	ssyncadd.s32 $0xFFFFD880  }
0x1e: {  	[bflag:$0x0] =	sbarrier.arrive $0xFFFF  }
0x1f: {  	[tilespmem:s15], [sflag:$0x1] =	stream.indirect.gather [hbm4b:s4+s14], $0x10, s3, s14, $0xb8;
	[tilespmem:$0x9F00] =	vst v63  }
0x20: {  	_ = 	snop  }
0x21: {  	[tilespmem:s16], [sflag:$0x2] =	stream.indirect.gather [hbm4b:s4+s14], $0x10, s14, s14, $0xb8;
	[tilespmem:$0x9F00] =	vst v63  }
0x22: {  	s13 =	simm.s32 $0x100  }
0x23: {  	[tilespmem:s18], [sflag:$0x3] =	stream.indirect.gather [hbm4b:s4+s14], $0x10, s13, s14, $0xb8;
	[tilespmem:$0x9F00] =	vst v63  }
0x24: {  	s17 =	simm.s32 $0x180  }
0x25: {  	[tilespmem:s20], [sflag:$0x4] =	stream.indirect.gather [hbm4b:s4+s14], $0x10, s17, s14, $0xb8;
	[tilespmem:$0x9F00] =	vst v63  }
0x26: {  	s19 =	simm.s32 $0x200  }
0x27: {  	[tilespmem:s21], [sflag:$0x5] =	stream.indirect.gather [hbm4b:s4+s14], $0x10, s19, s14, $0xb8;
	[tilespmem:$0x9F00] =	vst v63  }
0x28: {  	_ =	swait.ge [sflag:s22], $0x800  }
0x29: {  	[sflag:s22] =	ssyncset.done $0x0  }
0x2a: {  	s28 =	simm.s32 $0x2780;
	[sflag:s22] =	ssyncadd.s32 $0xFFFFF800  }
0x2b: {  	[spmem:s2] =	stream.indirect.scatter.add.f32 [tilespmem:s15], [sflag:$0x6], $0x10, s28, s14, $0xb8;
	[tilespmem:$0x9F00] =	vst v63  }
0x2c: {  	_ =	swait.ge [sflag:s12], $0x800  }
0x2d: {  	[sflag:s12] =	ssyncset.done $0x0  }
0x2e: {  	s13 =	simm.s32 $0x280;
	[sflag:s12] =	ssyncadd.s32 $0xFFFFF800  }
0x2f: {  	[tilespmem:s15], [sflag:$0x1] =	stream.indirect.gather [hbm4b:s4+s14], $0x10, s13, s14, $0xb8;
	[tilespmem:$0x9F00] =	vst v63  }
0x30: {  	_ =	swait.ge [sflag:s23], $0x800  }
0x31: {  	[sflag:s23] =	ssyncset.done $0x0  }
0x32: {  	s17 =	simm.s32 $0x2800;
	[sflag:s23] =	ssyncadd.s32 $0xFFFFF800  }
0x33: {  	[spmem:s2] =	stream.indirect.scatter.add.f32 [tilespmem:s16], [sflag:$0x6], $0x10, s17, s14, $0xb8;
	[tilespmem:$0x9F00] =	vst v63  }
0x34: {  	_ =	swait.ge [sflag:s12], $0x800  }
0x35: {  	[sflag:s12] =	ssyncset.done $0x0  }
0x36: {  	s19 =	simm.s32 $0x300;
	[sflag:s12] =	ssyncadd.s32 $0xFFFFF800  }
0x37: {  	[tilespmem:s16], [sflag:$0x2] =	stream.indirect.gather [hbm4b:s4+s14], $0x10, s19, s14, $0xb8;
	[tilespmem:$0x9F00] =	vst v63  }
0x38: {  	_ =	swait.ge [sflag:s24], $0x800  }
0x39: {  	[sflag:s24] =	ssyncset.done $0x0  }
0x3a: {  	s28 =	simm.s32 $0x2880;
	[sflag:s24] =	ssyncadd.s32 $0xFFFFF800  }
0x3b: {  	[spmem:s2] =	stream.indirect.scatter.add.f32 [tilespmem:s18], [sflag:$0x6], $0x10, s28, s14, $0xb8;
	[tilespmem:$0x9F00] =	vst v63  }
0x3c: {  	_ =	swait.ge [sflag:s12], $0x800  }
0x3d: {  	[sflag:s12] =	ssyncset.done $0x0  }
0x3e: {  	s13 =	simm.s32 $0x380;
	[sflag:s12] =	ssyncadd.s32 $0xFFFFF800  }
0x3f: {  	[tilespmem:s18], [sflag:$0x3] =	stream.indirect.gather [hbm4b:s4+s14], $0x10, s13, s14, $0xb8;
	[tilespmem:$0x9F00] =	vst v63  }
0x40: {  	_ =	swait.ge [sflag:s25], $0x800  }
0x41: {  	[sflag:s25] =	ssyncset.done $0x0  }
0x42: {  	s17 =	simm.s32 $0x2900;
	[sflag:s25] =	ssyncadd.s32 $0xFFFFF800  }
0x43: {  	[spmem:s2] =	stream.indirect.scatter.add.f32 [tilespmem:s20], [sflag:$0x6], $0x10, s17, s14, $0xb8;
	[tilespmem:$0x9F00] =	vst v63  }
0x44: {  	_ =	swait.ge [sflag:s12], $0x800  }
0x45: {  	[sflag:s12] =	ssyncset.done $0x0  }
0x46: {  	s19 =	simm.s32 $0x400;
	[sflag:s12] =	ssyncadd.s32 $0xFFFFF800  }
0x47: {  	[tilespmem:s20], [sflag:$0x4] =	stream.indirect.gather [hbm4b:s4+s14], $0x10, s19, s14, $0xb8;
	[tilespmem:$0x9F00] =	vst v63  }
0x48: {  	_ =	swait.ge [sflag:s26], $0x800  }
0x49: {  	[sflag:s26] =	ssyncset.done $0x0  }
0x4a: {  	s28 =	simm.s32 $0x2980;
	[sflag:s26] =	ssyncadd.s32 $0xFFFFF800  }
0x4b: {  	[spmem:s2] =	stream.indirect.scatter.add.f32 [tilespmem:s21], [sflag:$0x6], $0x10, s28, s14, $0xb8;
	[tilespmem:$0x9F00] =	vst v63  }
0x4c: {  	_ =	swait.ge [sflag:s12], $0x800  }
0x4d: {  	s0 =	simm.s32 $0x280;
	s13 =	simm.s32 $0x1400;
	[sflag:s12] =	ssyncset.done $0x0  }
.LBB2_2:
0x4e: {  	s28 =	sadd.s32 $0x200, s0  }
0x4f: {  	[sflag:s12] =	ssyncadd.s32 $0xFFFFF800;
	s17 =	smov.u32 s13;
	s19 =	sadd.s32 $0xA00, s13  }
0x50: {  	[tilespmem:s21], [sflag:$0x5] =	stream.indirect.gather [hbm4b:s4+s14], $0x10, s28, s14, $0xb8;
	[tilespmem:$0x9F00] =	vst v63  }
0x51: {  	p0 =	sne.s32 s13, $0x8C00;
	_ =	swait.ge [sflag:s22], $0x800  }
0x52: {  	[sflag:s22] =	ssyncset.done $0x0  }
0x53: {  	s13 =	sadd.s32 $0x2780, s0;
	[sflag:s22] =	ssyncadd.s32 $0xFFFFF800  }
0x54: {  	[spmem:s2] =	stream.indirect.scatter.add.f32 [tilespmem:s15], [sflag:$0x6], $0x10, s13, s14, $0xb8;
	[tilespmem:$0x9F00] =	vst v63  }
0x55: {  	_ =	swait.ge [sflag:s12], $0x800  }
0x56: {  	[sflag:s12] =	ssyncset.done $0x0  }
0x57: {  	s13 =	sadd.s32 $0x280, s0;
	[sflag:s12] =	ssyncadd.s32 $0xFFFFF800  }
0x58: {  	[tilespmem:s15], [sflag:$0x1] =	stream.indirect.gather [hbm4b:s4+s14], $0x10, s13, s14, $0xb8;
	[tilespmem:$0x9F00] =	vst v63  }
0x59: {  	_ =	swait.ge [sflag:s23], $0x800  }
0x5a: {  	[sflag:s23] =	ssyncset.done $0x0  }
0x5b: {  	s13 =	sadd.s32 $0x2800, s0;
	[sflag:s23] =	ssyncadd.s32 $0xFFFFF800  }
0x5c: {  	[spmem:s2] =	stream.indirect.scatter.add.f32 [tilespmem:s16], [sflag:$0x6], $0x10, s13, s14, $0xb8;
	[tilespmem:$0x9F00] =	vst v63  }
0x5d: {  	_ =	swait.ge [sflag:s12], $0x800  }
0x5e: {  	[sflag:s12] =	ssyncset.done $0x0  }
0x5f: {  	s13 =	sadd.s32 $0x300, s0;
	[sflag:s12] =	ssyncadd.s32 $0xFFFFF800  }
0x60: {  	[tilespmem:s16], [sflag:$0x2] =	stream.indirect.gather [hbm4b:s4+s14], $0x10, s13, s14, $0xb8;
	[tilespmem:$0x9F00] =	vst v63  }
0x61: {  	_ =	swait.ge [sflag:s24], $0x800  }
0x62: {  	[sflag:s24] =	ssyncset.done $0x0  }
0x63: {  	s13 =	sadd.s32 $0x2880, s0;
	[sflag:s24] =	ssyncadd.s32 $0xFFFFF800  }
0x64: {  	[spmem:s2] =	stream.indirect.scatter.add.f32 [tilespmem:s18], [sflag:$0x6], $0x10, s13, s14, $0xb8;
	[tilespmem:$0x9F00] =	vst v63  }
0x65: {  	_ =	swait.ge [sflag:s12], $0x800  }
0x66: {  	[sflag:s12] =	ssyncset.done $0x0  }
0x67: {  	s13 =	sadd.s32 $0x380, s0;
	[sflag:s12] =	ssyncadd.s32 $0xFFFFF800  }
0x68: {  	[tilespmem:s18], [sflag:$0x3] =	stream.indirect.gather [hbm4b:s4+s14], $0x10, s13, s14, $0xb8;
	[tilespmem:$0x9F00] =	vst v63  }
0x69: {  	_ =	swait.ge [sflag:s25], $0x800  }
0x6a: {  	[sflag:s25] =	ssyncset.done $0x0  }
0x6b: {  	s13 =	sadd.s32 $0x2900, s0;
	[sflag:s25] =	ssyncadd.s32 $0xFFFFF800  }
0x6c: {  	[spmem:s2] =	stream.indirect.scatter.add.f32 [tilespmem:s20], [sflag:$0x6], $0x10, s13, s14, $0xb8;
	[tilespmem:$0x9F00] =	vst v63  }
0x6d: {  	_ =	swait.ge [sflag:s12], $0x800  }
0x6e: {  	[sflag:s12] =	ssyncset.done $0x0  }
0x6f: {  	s13 =	sadd.s32 $0x400, s0;
	[sflag:s12] =	ssyncadd.s32 $0xFFFFF800  }
0x70: {  	[tilespmem:s20], [sflag:$0x4] =	stream.indirect.gather [hbm4b:s4+s14], $0x10, s13, s14, $0xb8;
	[tilespmem:$0x9F00] =	vst v63  }
0x71: {  	_ =	swait.ge [sflag:s26], $0x800  }
.Ltmp0:
0x72: {  	[sflag:s26] =	ssyncset.done $0x0;
	(pc) =	sbr.rel @p0 .LBB2_2-.Ltmp0, $4  }
0x73: {  	s0 =	sadd.s32 $0x2980, s0;
	[sflag:s26] =	ssyncadd.s32 $0xFFFFF800  }
0x74: {  	[spmem:s2] =	stream.indirect.scatter.add.f32 [tilespmem:s21], [sflag:$0x6], $0x10, s0, s14, $0xb8;
	[tilespmem:$0x9F00] =	vst v63  }
0x75: {  	_ =	swait.ge [sflag:s12], $0x800  }
0x76: {  	s13 =	smov.u32 s19;
	s0 =	sshra.s32 s17, $0x2;
	[sflag:s12] =	ssyncset.done $0x0  }
0x77: {  	s13 =	sadd.s32 $0x200, s0;
	[sflag:s12] =	ssyncadd.s32 $0xFFFFF800  }
0x78: {  	[tilespmem:s21], [sflag:$0x5] =	stream.indirect.gather [hbm4b:s4+s14], $0x10, s13, s14, $0xb8;
	[tilespmem:$0x9F00] =	vst v63  }
0x79: {  	_ =	swait.ge [sflag:s22], $0x800  }
0x7a: {  	[sflag:s22] =	ssyncset.done $0x0  }
0x7b: {  	s28 =	sadd.s32 $0x2780, s0;
	[sflag:s22] =	ssyncadd.s32 $0xFFFFF800  }
0x7c: {  	[spmem:s2] =	stream.indirect.scatter.add.f32 [tilespmem:s15], [sflag:$0x6], $0x10, s28, s14, $0xb8;
	[tilespmem:$0x9F00] =	vst v63  }
0x7d: {  	_ =	swait.ge [sflag:s12], $0x800  }
0x7e: {  	[sflag:s12] =	ssyncset.done $0x0  }
0x7f: {  	s17 =	sadd.s32 $0x280, s0;
	[sflag:s12] =	ssyncadd.s32 $0xFFFFF800  }
0x80: {  	[tilespmem:s15], [sflag:$0x1] =	stream.indirect.gather [hbm4b:s4+s14], $0x10, s17, s14, $0xb8;
	[tilespmem:$0x9F00] =	vst v63  }
0x81: {  	_ =	swait.ge [sflag:s23], $0x800  }
0x82: {  	[sflag:s23] =	ssyncset.done $0x0  }
0x83: {  	s19 =	sadd.s32 $0x2800, s0;
	[sflag:s23] =	ssyncadd.s32 $0xFFFFF800  }
0x84: {  	[spmem:s2] =	stream.indirect.scatter.add.f32 [tilespmem:s16], [sflag:$0x6], $0x10, s19, s14, $0xb8;
	[tilespmem:$0x9F00] =	vst v63  }
0x85: {  	_ =	swait.ge [sflag:s12], $0x800  }
0x86: {  	[sflag:s12] =	ssyncset.done $0x0  }
0x87: {  	s28 =	sadd.s32 $0x300, s0;
	[sflag:s12] =	ssyncadd.s32 $0xFFFFF800  }
0x88: {  	[tilespmem:s16], [sflag:$0x2] =	stream.indirect.gather [hbm4b:s4+s14], $0x10, s28, s14, $0xb8;
	[tilespmem:$0x9F00] =	vst v63  }
0x89: {  	_ =	swait.ge [sflag:s24], $0x800  }
0x8a: {  	[sflag:s24] =	ssyncset.done $0x0  }
0x8b: {  	s17 =	sadd.s32 $0x2880, s0;
	[sflag:s24] =	ssyncadd.s32 $0xFFFFF800  }
0x8c: {  	[spmem:s2] =	stream.indirect.scatter.add.f32 [tilespmem:s18], [sflag:$0x6], $0x10, s17, s14, $0xb8;
	[tilespmem:$0x9F00] =	vst v63  }
0x8d: {  	_ =	swait.ge [sflag:s12], $0x800  }
0x8e: {  	[sflag:s12] =	ssyncset.done $0x0  }
0x8f: {  	s19 =	sadd.s32 $0x380, s0;
	[sflag:s12] =	ssyncadd.s32 $0xFFFFF800  }
0x90: {  	[tilespmem:s18], [sflag:$0x3] =	stream.indirect.gather [hbm4b:s4+s14], $0x10, s19, s14, $0xb8;
	[tilespmem:$0x9F00] =	vst v63  }
0x91: {  	_ =	swait.ge [sflag:s25], $0x800  }
0x92: {  	[sflag:s25] =	ssyncset.done $0x0  }
0x93: {  	s28 =	sadd.s32 $0x2900, s0;
	[sflag:s25] =	ssyncadd.s32 $0xFFFFF800  }
0x94: {  	[spmem:s2] =	stream.indirect.scatter.add.f32 [tilespmem:s20], [sflag:$0x6], $0x10, s28, s14, $0xb8;
	[tilespmem:$0x9F00] =	vst v63  }
0x95: {  	_ =	swait.ge [sflag:s12], $0x800  }
0x96: {  	[sflag:s12] =	ssyncset.done $0x0  }
0x97: {  	s17 =	sadd.s32 $0x400, s0;
	[sflag:s12] =	ssyncadd.s32 $0xFFFFF800  }
0x98: {  	[tilespmem:s20], [sflag:$0x4] =	stream.indirect.gather [hbm4b:s4+s14], $0x10, s17, s14, $0xb8;
	[tilespmem:$0x9F00] =	vst v63  }
0x99: {  	_ =	swait.ge [sflag:s26], $0x800  }
0x9a: {  	[sflag:s26] =	ssyncset.done $0x0  }
0x9b: {  	s19 =	sadd.s32 $0x2980, s0;
	[sflag:s26] =	ssyncadd.s32 $0xFFFFF800  }
0x9c: {  	[spmem:s2] =	stream.indirect.scatter.add.f32 [tilespmem:s21], [sflag:$0x6], $0x10, s19, s14, $0xb8;
	[tilespmem:$0x9F00] =	vst v63  }
0x9d: {  	_ =	swait.ge [sflag:s12], $0x800  }
0x9e: {  	[sflag:s12] =	ssyncset.done $0x0  }
0x9f: {  	[sflag:s12] =	ssyncadd.s32 $0xFFFFF800  }
0xa0: {  	_ =	swait.ge [sflag:s22], $0x800  }
0xa1: {  	[sflag:s22] =	ssyncset.done $0x0  }
0xa2: {  	s28 =	simm.s32 $0x4D00;
	[sflag:s22] =	ssyncadd.s32 $0xFFFFF800  }
0xa3: {  	[spmem:s2] =	stream.indirect.scatter.add.f32 [tilespmem:s15], [sflag:$0x6], $0x10, s28, s14, $0xb8;
	[tilespmem:$0x9F00] =	vst v63  }
0xa4: {  	_ =	swait.ge [sflag:s12], $0x800  }
0xa5: {  	[sflag:s12] =	ssyncset.done $0x0  }
0xa6: {  	[sflag:s12] =	ssyncadd.s32 $0xFFFFF800  }
0xa7: {  	_ =	swait.ge [sflag:s23], $0x800  }
0xa8: {  	[sflag:s23] =	ssyncset.done $0x0  }
0xa9: {  	[sflag:s23] =	ssyncadd.s32 $0xFFFFF800  }
0xaa: {  	[spmem:s2] =	stream.indirect.scatter.add.f32 [tilespmem:s16], [sflag:$0x6], $0x10, s29, s14, $0xb8;
	[tilespmem:$0x9F00] =	vst v63  }
0xab: {  	_ =	swait.ge [sflag:s12], $0x800  }
0xac: {  	[sflag:s12] =	ssyncset.done $0x0  }
0xad: {  	[sflag:s12] =	ssyncadd.s32 $0xFFFFF800  }
0xae: {  	_ =	swait.ge [sflag:s24], $0x800  }
0xaf: {  	[sflag:s24] =	ssyncset.done $0x0  }
0xb0: {  	[sflag:s24] =	ssyncadd.s32 $0xFFFFF800  }
0xb1: {  	[spmem:s2] =	stream.indirect.scatter.add.f32 [tilespmem:s18], [sflag:$0x6], $0x10, s30, s14, $0xb8;
	[tilespmem:$0x9F00] =	vst v63  }
0xb2: {  	_ =	swait.ge [sflag:s12], $0x800  }
0xb3: {  	[sflag:s12] =	ssyncset.done $0x0  }
0xb4: {  	[sflag:s12] =	ssyncadd.s32 $0xFFFFF800  }
0xb5: {  	_ =	swait.ge [sflag:s25], $0x800  }
0xb6: {  	[sflag:s25] =	ssyncset.done $0x0  }
0xb7: {  	[sflag:s25] =	ssyncadd.s32 $0xFFFFF800  }
0xb8: {  	[spmem:s2] =	stream.indirect.scatter.add.f32 [tilespmem:s20], [sflag:$0x6], $0x10, s31, s14, $0xb8;
	[tilespmem:$0x9F00] =	vst v63  }
0xb9: {  	_ =	swait.ge [sflag:s12], $0x800  }
0xba: {  	s1 =	sadd.s32 $0x1, s1;
	[sflag:s12] =	ssyncset.done $0x0  }
0xbb: {  	p0 =	sne.s32 s1, s10;
	[sflag:s12] =	ssyncadd.s32 $0xFFFFF800  }
.Ltmp1:
0xbc: {  	[bflag:$0x0] =	sbarrier.arrive $0xFFFF;
	(pc) =	sbr.rel @p0 .LBB2_1-.Ltmp1, $4  }
0xbd: {  	[hbm:s9], [sflag:s6] =	dma.local [spmem:s11], $0x500  }
0xbe: {  	_ =	swait.ge [sflag:s12], $0x500  }
0xbf: {  	[sflag:s12] =	ssyncset.done $0x0  }
0xc0: {  	[sflag:s12] =	ssyncadd.s32 $0xFFFFFB00  }
0xc1: {  	_ =	sfence.sel $0x180000  }
0xc2: {  	[bflag:$0x0] =	sbarrier.arrive $0xFFFF  }
0xc3: {  	_ =	strace $0x9000004D  }
0xc4: {  	s0 =	stileid.u32;
	[bflag:$0x2] =	sbarrier.arrive $0xFFFF  }
0xc5: {  	p0 =	sne.s32 s0, $0x0;
	s0 =	rddreg [dreg:$0x3]  }
0xc6: {  	s0 =	sadd.s32 @!p0 $0x100000, s0  }
0xc7: {  	[sflag:s0] =	ssyncadd.tile.s32 @!p0 $0x1;
	_ =	shalt  }
.Lfunc_end2:
_tile_overlayer_lowered:
.L_overlay_start_2:
0xc8: {  	(tag) =	ssettag $0x2  }
0xc9: {  	s0 =	rddreg [dreg:$0x0];
	s2 =	stileid.u32  }
0xca: {  	s1 =	rddreg [dreg:$0x1];
	p0 =	sne.s32 s2, $0x0  }
0xcb: {  	s3 =	rddreg [dreg:$0x2];
	[bflag:$0x3] =	sbarrier.arrive $0xFFFF;
	s2 =	simm.s32 @!p0 $0x1C06  }
0xcc: {  	[timem:s3], [sflag:s2] =	dma.local @!p0 [hbm:s0], s1  }
0xcd: {  	s0 =	simm.s32 @!p0 $0x6  }
0xce: {  	_ =	swait.ge @!p0 [sflag:s0], s1  }
0xcf: {  	s1 =	ssub.s32 @!p0 $0x0, s1;
	[sflag:s0] =	ssyncset.done @!p0 $0x0  }
0xd0: {  	[sflag:s0] =	ssyncadd.s32 @!p0 s1  }
0xd1: {  	[bflag:$0x3] =	sbarrier.arrive $0xFFFF  }
0xd2: {  	_ =	shalt  }

// kernel: kernel.8.cloned.1.call-start
scs
__scs_entry_jumppad:
0x0: {  	(pc) =	sbr.rel $0x88, $3  }
0x1: {  	(tag) =	ssettag $0x0;
	lr =	simm.s32 $0x1  }
0x2: {  	[smem:$0x3F97] =	sst lr;
	_ =	strace $0xD0000000  }
0x3: {  	_ = 	snop  }
0x4: {  	_ = 	snop  }
0x5: {  	_ = 	snop  }
0x6: {  	_ = 	snop  }
0x7: {  	_ = 	snop  }
__scs_overlays_trampoline_lowered:
0x8: {  	[smem:$0x3FA6] =	sst s0  }
0x9: {  	[smem:$0x3FA7] =	sst s1  }
0xa: {  	[smem:$0x3FA8] =	sst s2  }
0xb: {  	[smem:$0x3FA9] =	sst s3  }
0xc: {  	[smem:$0x3FAA] =	sst s4  }
0xd: {  	[smem:$0x3FAB] =	sst s5  }
0xe: {  	[smem:$0x3FAC] =	sst s6  }
0xf: {  	[smem:$0x3FAD] =	sst s7  }
0x10: {  	[smem:$0x3FAE] =	sst s8  }
0x11: {  	[smem:$0x3FAF] =	sst s9;
	s0 =	simm.s32 @!p0 $0x0  }
0x12: {  	s1 =	sld [smem:$0x3F95];
	s0 =	simm.s32 @p0 $0x1  }
0x13: {  	[smem:$0x3FB0] =	sst s0;
	s0 =	simm.s32 @!p1 $0x0  }
0x14: {  	s2 =	sld [smem:$0x3F94];
	s0 =	simm.s32 @p1 $0x1  }
0x15: {  	[smem:$0x3FB1] =	sst s0;
	s0 =	simm.s32 @!p2 $0x0  }
0x16: {  	s3 =	sld [smem:$0x3FDB];
	s0 =	simm.s32 @p2 $0x1  }
0x17: {  	s4 =	simm.s32 $0x1BF5;
	[smem:$0x3FB3] =	sst s0  }
0x18: {  	s0 =	sld [smem:$0x3F96];
	_ =	swait.ge [sflag:s4], $0x0  }
0x19: {  	s7 =	sld [smem:$0x3F97]  }
0x1a: {  	s8 =	sadd.s32 $0xFFFFE003, lr  }
0x1b: {  	s9 =	sadd.s32 $0xFFFFFEF7, lr;
	s5 =	simm.s32 $0xFFFFFFFF;
	p2 =	slt.u32 s8, $0xFFFFF086  }
0x1c: {  	p1 =	slt.u32 s9, $0xF7A;
	s5 =	simm.s32 @!p2 $0x0  }
0x1d: {  	s5 =	simm.s32 @p1 $0x1;
	p0 =	seq.s32 s7, s2  }
0x1e: {  	s7 =	smul.u32 @!p0 $0xF7A, s2;
	p2 =	seq.s32 @!p0 s5, $0x0  }
0x1f: {  	s9 =	smul.u32 $0xF7A, s1;
	s8 =	simm.s32 @!p0 $0x1BF5;
	p2 =	por !p2, p0  }
0x20: {  	[sflag:s8] =	ssyncset.s32 @!p0 $0xFFFFF086;
	s6 =	sadd.s32 @!p0 s3, s7;
	s7 =	simm.s32 @!p0 $0x108  }
0x21: {  	s3 =	sadd.s32 s3, s9;
	s6 =	sadd.s32 @!p0 $0x88, s6;
	s7 =	simm.s32 @p2 $0x1082  }
0x22: {  	[simem:s7], [sflag:s8] =	dma.local @!p0 [hbm:s6], $0xF7A  }
0x23: {  	s9 =	sor.u32 $0xD0000000, s2;
	s6 =	simm.s32 $0x108;
	_ =	swait.ge @!p0 [sflag:s8], $0x0  }
0x24: {  	s3 =	sadd.s32 $0x88, s3;
	s6 =	simm.s32 @!p1 $0x1082;
	[sflag:s4] =	ssyncset.s32 $0xFFFFF086  }
0x25: {  	[simem:s6], [sflag:s4] =	dma.local [hbm:s3], $0xF7A  }
0x26: {  	[smem:$0x3F97] =	sst s1;
	(tag) =	ssettag s2;
	_ =	strace s9  }
0x27: {  	s1 =	sld [smem:$0x3FA7]  }
0x28: {  	s2 =	sld [smem:$0x3FA8]  }
0x29: {  	s4 =	sld [smem:$0x3FAA]  }
0x2a: {  	p0 =	seq.s32 s5, $0x0;
	s5 =	sld [smem:$0x3FAB]  }
0x2b: {  	s6 =	sld [smem:$0x3FAC]  }
0x2c: {  	s7 =	sld [smem:$0x3FAD]  }
0x2d: {  	s3 =	simm.s32 $0x108;
	s8 =	sld [smem:$0x3FAE]  }
0x2e: {  	s3 =	simm.s32 @!p0 $0x1082;
	s9 =	sld [smem:$0x3FAF]  }
0x2f: {  	lr =	sadd.s32 s0, s3;
	s0 =	sld [smem:$0x3FA6]  }
0x30: {  	s3 =	sld [smem:$0x3FA9]  }
0x31: {  	[smem:$0x3FB2] =	sst s10  }
0x32: {  	s10 =	sld [smem:$0x3FB0];
	_ =	sdelay $0x3  }
0x33: {  	p0 =	seq.s32 s10, $0x1;
	s10 =	sld [smem:$0x3FB2];
	_ =	sdelay $0x3  }
0x34: {  	[smem:$0x3FB2] =	sst s10  }
0x35: {  	s10 =	sld [smem:$0x3FB1];
	_ =	sdelay $0x3  }
0x36: {  	p1 =	seq.s32 s10, $0x1;
	s10 =	sld [smem:$0x3FB2];
	_ =	sdelay $0x3  }
0x37: {  	[smem:$0x3FB2] =	sst s10  }
0x38: {  	s10 =	sld [smem:$0x3FB3]  }
0x39: {  	_ = 	snop;
	(pc) =	sbr.ind lr, $3  }
0x3a: {  	_ = 	snop  }
0x3b: {  	_ = 	snop  }
0x3c: {  	p2 =	seq.s32 s10, $0x1;
	s10 =	sld [smem:$0x3FB2]  }
0x3d: {  	_ =	shalt  }
0x3e: {  	_ =	shalt  }
0x3f: {  	_ =	shalt  }
0x40: {  	_ =	shalt  }
0x41: {  	_ =	shalt  }
0x42: {  	_ =	shalt  }
0x43: {  	_ =	shalt  }
0x44: {  	_ =	shalt  }
0x45: {  	_ =	shalt  }
0x46: {  	_ =	shalt  }
0x47: {  	_ =	shalt  }
0x48: {  	_ =	shalt  }
0x49: {  	_ =	shalt  }
0x4a: {  	_ =	shalt  }
0x4b: {  	_ =	shalt  }
0x4c: {  	_ =	shalt  }
0x4d: {  	_ =	shalt  }
0x4e: {  	_ =	shalt  }
0x4f: {  	_ =	shalt  }
0x50: {  	_ =	shalt  }
0x51: {  	_ =	shalt  }
0x52: {  	_ =	shalt  }
0x53: {  	_ =	shalt  }
0x54: {  	_ =	shalt  }
0x55: {  	_ =	shalt  }
0x56: {  	_ =	shalt  }
0x57: {  	_ =	shalt  }
0x58: {  	_ =	shalt  }
0x59: {  	_ =	shalt  }
0x5a: {  	_ =	shalt  }
0x5b: {  	_ =	shalt  }
0x5c: {  	_ =	shalt  }
0x5d: {  	_ =	shalt  }
0x5e: {  	_ =	shalt  }
0x5f: {  	_ =	shalt  }
0x60: {  	_ =	shalt  }
0x61: {  	_ =	shalt  }
0x62: {  	_ =	shalt  }
0x63: {  	_ =	shalt  }
0x64: {  	_ =	shalt  }
0x65: {  	_ =	shalt  }
0x66: {  	_ =	shalt  }
0x67: {  	_ =	shalt  }
0x68: {  	_ =	shalt  }
0x69: {  	_ =	shalt  }
0x6a: {  	_ =	shalt  }
0x6b: {  	_ =	shalt  }
0x6c: {  	_ =	shalt  }
0x6d: {  	_ =	shalt  }
0x6e: {  	_ =	shalt  }
0x6f: {  	_ =	shalt  }
0x70: {  	_ =	shalt  }
0x71: {  	_ =	shalt  }
0x72: {  	_ =	shalt  }
0x73: {  	_ =	shalt  }
0x74: {  	_ =	shalt  }
0x75: {  	_ =	shalt  }
0x76: {  	_ =	shalt  }
0x77: {  	_ =	shalt  }
0x78: {  	_ =	shalt  }
0x79: {  	_ =	shalt  }
0x7a: {  	_ =	shalt  }
0x7b: {  	_ =	shalt  }
0x7c: {  	_ =	shalt  }
0x7d: {  	_ =	shalt  }
0x7e: {  	_ =	shalt  }
0x7f: {  	_ =	shalt  }
0x80: {  	_ =	shalt  }
0x81: {  	_ =	shalt  }
0x82: {  	_ =	shalt  }
0x83: {  	_ =	shalt  }
0x84: {  	_ =	shalt  }
0x85: {  	_ =	shalt  }
0x86: {  	_ =	shalt  }
0x87: {  	_ =	shalt  }
.Lfunc_end0:
.L_simem_size_0:
called_computation_lowered:
.L_overlay_start_0:
0x88: {  	s2 =	sld [smem:$0x3FD9]  }
0x89: {  	s3 =	sld [smem:$0x3FFE];
	_ =	sdelay $0x1  }
0x8a: {  	s1 =	srdreg.scid  }
0x8b: {  	s0 =	sand.u32 $0x1, s1  }
0x8c: {  	s17 =	sshll.u32 s0, $0xA;
	s2 =	sadd.s32 s3, s2  }
0x8d: {  	s2 =	sadd.s32 s2, s17  }
0x8e: {  	[smem:$0x3FBE] =	sst s2  }
0x8f: {  	_ = 	snop  }
0x90: {  	s2 =	sld [smem:$0x3FD0];
	(tm) =	ssettm $0x1  }
0x91: {  	s18 =	sld [smem:$0x3FFB];
	_ =	sdelay $0x3  }
0x92: {  	_ =	strace s18  }
0x93: {  	s3 =	sld [smem:$0x3FFC];
	_ =	sdelay $0x3  }
0x94: {  	_ =	strace s3  }
0x95: {  	s3 =	sld [smem:$0x3FFD];
	_ =	sdelay $0x3  }
0x96: {  	_ =	strace s3  }
0x97: {  	_ =	strace $0x8FFFFFFF  }
0x98: {  	s19 =	sld [smem:$0x3FDB];
	_ =	sdelay $0x1  }
0x99: {  	s4 =	simm.s32 $_scs_section_size  }
0x9a: {  	s5 =	simm.s32 $_size__tile_overlayer_lowered;
	s6 =	simm.s32 $_tile_overlayer_lowered  }
0x9b: {  	s22 =	simm.s32 $0x1BFF;
	s21 =	sshll.u32 s6, $0x1;
	s3 =	sadd.s32 s4, s19  }
0x9c: {  	s7 =	simm.s32 $0x0;
	s20 =	sshll.u32 s5, $0x1;
	s5 =	sadd.s32 s21, s3  }
0x9d: {  	[timem:s7], [sflag:s22] =	dma.local [hbm:s5], s20  }
0x9e: {  	_ =	swait.ge [sflag:s22], s20  }
0x9f: {  	s4 =	ssub.s32 $0x0, s20;
	[sflag:s22] =	ssyncset.done $0x0  }
0xa0: {  	[sflag:s22] =	ssyncadd.s32 s4;
	_ =	sdelay $0x1  }
0xa1: {  	s23 =	simm.s32 $0x1B8B  }
0xa2: {  	_ =	swait.ge [sflag:s23], $0x1  }
0xa3: {  	[sflag:s23] =	ssyncset.done $0x0  }
0xa4: {  	s25 =	simm.s32 $0x1B8E;
	s24 =	sld [smem:$0x3FFE];
	[sflag:s23] =	ssyncadd.s32 $0xFFFFFFFF  }
0xa5: {  	s26 =	simm.s32 $execute0_lowered;
	[smem:$0x3FD2] =	sst s25  }
0xa6: {  	s5 =	sshll.u32 s26, $0x1;
	_ =	strace $0x80000046;
	[dreg:$0x1] =	wrdreg $0xFFFFFFFF  }
0xa7: {  	s28 =	simm.s32 $_size_execute0_lowered;
	s3 =	sadd.s32 s3, s5;
	[dreg:$0x0] =	wrdreg $0x0  }
0xa8: {  	s5 =	sshll.u32 s28, $0x1;
	[dreg:$0x2] =	wrdreg s3  }
0xa9: {  	[dreg:$0x3] =	wrdreg s5  }
0xaa: {  	[dreg:$0x4] =	wrdreg $0xC0  }
0xab: {  	_ =	task [dreg:s7], $0x5FFFF  }
0xac: {  	[dreg:$0x1] =	wrdreg $0xFFFFFFFF  }
0xad: {  	[dreg:$0x0] =	wrdreg $0x60  }
0xae: {  	[dreg:$0x2] =	wrdreg s24  }
0xaf: {  	[dreg:$0x3] =	wrdreg s2  }
0xb0: {  	[dreg:$0x4] =	wrdreg $0x2F800  }
0xb1: {  	[dreg:$0x5] =	wrdreg $0x9  }
0xb2: {  	_ =	task.clear_ibuf [dreg:s7], $0x6FFFF;
	_ =	strace $0x90000046  }
0xb3: {  	s29 =	simm.s32 $0x9;
	_ =	strace $0x80000048  }
0xb4: {  	_ =	swait.ge [sflag:s29], $0x1  }
0xb5: {  	[sflag:s29] =	ssyncadd.s32 $0xFFFFFFFF  }
0xb6: {  	_ =	strace $0x90000048  }
0xb7: {  	_ =	sfence  }
0xb8: {  	s30 =	sld [smem:$0x0];
	_ =	sdelay $0x2  }
0xb9: {  	s31 =	sshll.u32 s1, $0xD;
	s1 =	sshrl.u32 s1, $0x2  }
0xba: {  	s3 =	sand.u32 $0x4000, s31;
	s1 =	sadd.s32 s1, s30  }
0xbb: {  	s0 =	sor.u32 s3, s0;
	s1 =	sshll.u32 s1, $0x11  }
0xbc: {  	s0 =	sor.u32 s1, s0  }
0xbd: {  	s0 =	sadd.s32 $0x8F2B, s0  }
0xbe: {  	[sflag:s0] =	ssyncadd.remote.s32 $0x1  }
0xbf: {  	_ =	sfence.sel $0xFFFF  }
0xc0: {  	[dreg:$0x0] =	wrdreg $0xFFFFFFFF;
	(pc) =	sbr.abs _section_cstart, $3  }
0xc1: {  	[dreg:$0x1] =	wrdreg $0xFFFFFFFF  }
0xc2: {  	_ =	task.clear_ibuf [dreg:s7], $0x2FFFF;
	_ =	strace $0x9FFFFFFF  }
0xc3: {  	(tm) =	ssettm $0x7FFFFFFF  }
tec
execute0_lowered:
.L_overlay_start_1:
0x0: {  	(tag) =	ssettag $0x1  }
0x1: {  	s5 =	rddreg [dreg:$0x0]  }
0x2: {  	s8 =	rddreg [dreg:$0x1];
	s1 =	srdreg.scid  }
0x3: {  	s0 =	stileid.u32;
	s2 =	rddreg [dreg:$0x2]  }
0x4: {  	s3 =	simm.s32 $0x0;
	s13 =	simm.s32 $0x80;
	s14 =	simm.s32 $0x1  }
0x5: {  	s15 =	simm.s32 $0x0;
	s4 =	sand.u32 $0x1, s1;
	s1 =	rddreg [dreg:$0x3]  }
0x6: {  	s6 =	sshll.u32 s0, $0x1;
	[smem:$0x7FF] =	sst s3;
	s7 =	smul.u32 $0x2800, s0  }
0x7: {  	s31 =	sshll.u32 s0, $0x6;
	s6 =	sor.u32 s4, s6;
	s10 =	smul.u32 $0x28000, s4  }
0x8: {  	_ =	strace $0x80000047;
	s30 =	ssub.s32 $0x2, s4;
	s6 =	smul.u32 $0x4F0, s6  }
0x9: {  	s4 =	sadd.s32 $0xC000, s5;
	s11 =	sshrl.u32 s30, $0x1;
	s12 =	sadd.s32 s7, s2  }
0xa: {  	s11 =	ssub.s32 s30, s11;
	s10 =	sadd.s32 s7, s10;
	s9 =	sadd.s32 s6, s5  }
0xb: {  	s5 =	sadd.s32 $0xC200, s5;
	s6 =	sor.u32 $0x1C02, s31;
	s10 =	sshrl.u32 s10, $0x3  }
0xc: {  	s7 =	sadd.s32 $0x2200, s9;
	s8 =	sadd.s32 s8, s10;
	s9 =	smax.u32 s11, $0x1  }
0xd: {  	s10 =	sshrl.u32 s12, $0x3;
	s11 =	simm.s32 $0x2;
	s12 =	simm.s32 $0x2780  }
.LBB2_1:
0xe: {  	[spmem:s10], [sflag:s6] =	dma.local [hbm:s5], $0x500  }
0xf: {  	_ =	swait.ge [sflag:s11], $0x500  }
0x10: {  	[sflag:s11] =	ssyncset.done $0x0  }
0x11: {  	[sflag:s11] =	ssyncadd.s32 $0xFFFFFB00  }
0x12: {  	[tilespmem:s3], [sflag:$0x2] =	stream.linear.gather [hbm4b:s7+s3], $0x2780, $0x38;
	[tilespmem:$0x5780] =	vst v63  }
0x13: {  	_ =	swait.ge [sflag:s11], $0x2780  }
0x14: {  	[sflag:s11] =	ssyncset.done $0x0  }
0x15: {  	[sflag:s11] =	ssyncadd.s32 $0xFFFFD880  }
0x16: {  	[tilespmem:s12], [sflag:$0x2] =	stream.linear.gather [hbm4b:s4+s3], $0x800, $0x38;
	[tilespmem:$0x5780] =	vst v63  }
0x17: {  	_ =	swait.ge [sflag:s11], $0x800  }
0x18: {  	[sflag:s11] =	ssyncset.done $0x0  }
0x19: {  	[sflag:s11] =	ssyncadd.s32 $0xFFFFF800  }
0x1a: {  	s16 =	simm.s32 $0x0;
	[bflag:$0x0] =	sbarrier.arrive $0xFFFF  }
.LBB2_2:
0x1b: {  	p0 =	sne.s32 s16, $0x9C00  }
.Ltmp0:
0x1c: {  	_ = 	snop;
	(pc) =	sbr.rel @p0 .LBB2_2-.Ltmp0, $3  }
0x1d: {  	_ =	sdelay $0x1  }
0x1e: {  	s17 =	sshra.s32 s16, $0x2;
	s16 =	sadd.s32 $0x200, s16  }
0x1f: {  	[spmem:s2] =	stream.indirect.scatter.add.f32 [tilespmem:s12], [sflag:$0x1], $0x10, s17, s13, $0xb8;
	[tilespmem:$0x5780] =	vst v63  }
0x20: {  	_ =	swait.ge [sflag:s14], $0x800  }
0x21: {  	s16 =	simm.s32 $0x4E;
	[sflag:s14] =	ssyncset.done $0x0  }
.LBB2_4:
0x22: {  	p0 =	sne.s32 s16, $0x1;
	s16 =	sadd.s32 $0xFFFFFFFF, s16;
	[sflag:s14] =	ssyncadd.s32 $0xFFFFF800  }
.Ltmp1:
0x23: {  	(pc) =	sbr.rel @p0 .LBB2_4-.Ltmp1, $3  }
0x24: {  	_ =	sdelay $0x1  }
0x25: {  	_ =	swait.ge [sflag:s14], $0x800  }
0x26: {  	[sflag:s14] =	ssyncset.done $0x0  }
0x27: {  	s15 =	sadd.s32 $0x1, s15  }
0x28: {  	[sflag:s14] =	ssyncadd.s32 $0xFFFFF800;
	p0 =	sne.s32 s15, s9  }
.Ltmp2:
0x29: {  	[bflag:$0x0] =	sbarrier.arrive $0xFFFF;
	(pc) =	sbr.rel @p0 .LBB2_1-.Ltmp2, $4  }
0x2a: {  	[hbm:s8], [sflag:s6] =	dma.local [spmem:s10], $0x500  }
0x2b: {  	_ =	swait.ge [sflag:s11], $0x500  }
0x2c: {  	[sflag:s11] =	ssyncset.done $0x0  }
0x2d: {  	[sflag:s11] =	ssyncadd.s32 $0xFFFFFB00  }
0x2e: {  	_ =	sfence.sel $0x180000  }
0x2f: {  	[bflag:$0x0] =	sbarrier.arrive $0xFFFF  }
0x30: {  	p0 =	sne.s32 s0, $0x0;
	_ =	strace $0x90000047  }
0x31: {  	s0 =	sadd.s32 @!p0 $0x100000, s1;
	[bflag:$0x2] =	sbarrier.arrive $0xFFFF  }
0x32: {  	[sflag:s0] =	ssyncadd.tile.s32 @!p0 $0x1;
	_ =	shalt  }
.Lfunc_end2:
_tile_overlayer_lowered:
.L_overlay_start_2:
0x33: {  	(tag) =	ssettag $0x2  }
0x34: {  	s0 =	rddreg [dreg:$0x0];
	s2 =	stileid.u32  }
0x35: {  	s1 =	rddreg [dreg:$0x1];
	p0 =	sne.s32 s2, $0x0  }
0x36: {  	s3 =	rddreg [dreg:$0x2];
	[bflag:$0x3] =	sbarrier.arrive $0xFFFF;
	s2 =	simm.s32 @!p0 $0x1C02  }
0x37: {  	[timem:s3], [sflag:s2] =	dma.local @!p0 [hbm:s0], s1  }
0x38: {  	s0 =	simm.s32 @!p0 $0x2  }
0x39: {  	_ =	swait.ge @!p0 [sflag:s0], s1  }
0x3a: {  	s1 =	ssub.s32 @!p0 $0x0, s1;
	[sflag:s0] =	ssyncset.done @!p0 $0x0  }
0x3b: {  	[sflag:s0] =	ssyncadd.s32 @!p0 s1  }
0x3c: {  	[bflag:$0x3] =	sbarrier.arrive $0xFFFF  }
0x3d: {  	_ =	shalt  }

</sc_bundles>
